<compile_context>
chip_gen: v7x
topology: tpu7x:2x2x1
jax: 0.10.2.dev20260603
libtpu: 0.0.44.dev20260713+nightly
codegen_flags: <defaults>
</compile_context>

<pallas_src>
import jax
import jax.numpy as jnp
from jax import lax
from jax.experimental import pallas as pl
from jax.experimental.pallas import tpu as pltpu
from jax.experimental.pallas import tpu_sc as plsc

B, C, H, W = 8, 192, 112, 112
HOUT, WOUT = 224, 224
NPLANE = B * C
PIN = H * W
POUT = HOUT * WOUT
NW = 32
PLANES_PER_W = NPLANE // NW
NGRP = PIN // 16


def _unpool_body(skey_hbm, sval_hbm, out_hbm, key_v, val_v, buf_a, buf_b,
                 sem_a, sem_b, sem_in):
    wid = lax.axis_index("s") * 2 + lax.axis_index("c")

    zeros16 = jnp.zeros((16,), jnp.float32)
    key_v[pl.ds(PIN, 16)] = jnp.full((16,), -1, dtype=jnp.int32)

    def zero_buf(buf):
        def zero_body(i, _):
            buf[pl.ds(i * 16, 16)] = zeros16
            return 0

        lax.fori_loop(0, POUT // 16, zero_body, 0, unroll=16)

    def start_in(p):
        seg = (wid * PLANES_PER_W + p) * PIN
        pltpu.async_copy(skey_hbm.at[pl.ds(seg, PIN)], key_v.at[pl.ds(0, PIN)],
                         sem_in)
        pltpu.async_copy(sval_hbm.at[pl.ds(seg, PIN)], val_v, sem_in)

    def do_scatter(p, buf):
        plane = wid * PLANES_PER_W + p
        seg = plane * PIN
        pltpu.make_async_copy(skey_hbm.at[pl.ds(seg, PIN)],
                              key_v.at[pl.ds(0, PIN)], sem_in).wait()
        pltpu.make_async_copy(sval_hbm.at[pl.ds(seg, PIN)], val_v,
                              sem_in).wait()
        pbase = plane * POUT

        def scat_body(j, _):
            k16 = key_v[pl.ds(j * 16, 16)]
            k17 = key_v[pl.ds(j * 16 + 1, 16)]
            vv = val_v[pl.ds(j * 16, 16)]
            local = k16 - pbase
            plsc.store_scatter(buf, [local], vv, mask=k16 != k17)
            return 0

        lax.fori_loop(0, NGRP, scat_body, 0, unroll=16)
        return plane

    def start_out(plane, buf, sem):
        pltpu.async_copy(buf, out_hbm.at[plane], sem)

    def wait_out(plane, buf, sem):
        pltpu.make_async_copy(buf, out_hbm.at[plane], sem).wait()

    start_in(0)
    zero_buf(buf_a)
    zero_buf(buf_b)
    start_out(do_scatter(0, buf_a), buf_a, sem_a)
    start_in(1)
    start_out(do_scatter(1, buf_b), buf_b, sem_b)

    def pair_body(i, _):
        pa = 2 * i
        plane_a = wid * PLANES_PER_W + pa
        start_in(pa)
        wait_out(plane_a - 2, buf_a, sem_a)
        zero_buf(buf_a)
        start_out(do_scatter(pa, buf_a), buf_a, sem_a)
        plane_b = plane_a + 1
        start_in(pa + 1)
        wait_out(plane_b - 2, buf_b, sem_b)
        zero_buf(buf_b)
        start_out(do_scatter(pa + 1, buf_b), buf_b, sem_b)
        return 0

    lax.fori_loop(1, PLANES_PER_W // 2, pair_body, 0)
    last = wid * PLANES_PER_W + PLANES_PER_W
    wait_out(last - 2, buf_a, sem_a)
    wait_out(last - 1, buf_b, sem_b)


@jax.jit
def _unpool(skey, sval):
    mesh = plsc.VectorSubcoreMesh(core_axis_name="c", subcore_axis_name="s")
    return pl.kernel(
        _unpool_body,
        mesh=mesh,
        compiler_params=pltpu.CompilerParams(needs_layout_passes=False),
        out_type=jax.ShapeDtypeStruct((NPLANE, POUT), jnp.float32),
        scratch_types=[
            pltpu.VMEM((PIN + 16,), jnp.int32),
            pltpu.VMEM((PIN,), jnp.float32),
            pltpu.VMEM((POUT,), jnp.float32),
            pltpu.VMEM((POUT,), jnp.float32),
            pltpu.SemaphoreType.DMA,
            pltpu.SemaphoreType.DMA,
            pltpu.SemaphoreType.DMA,
        ],
    )(skey, sval)


def kernel(input, indices):
    idx2d = indices.astype(jnp.int32).reshape(NPLANE, PIN)
    rows = lax.broadcasted_iota(jnp.int32, (NPLANE, PIN), 0)
    gidx = (idx2d + rows * POUT).reshape(-1)
    vals = input.reshape(-1)
    skey, sval = lax.sort_key_val(gidx, vals, is_stable=False)
    out = _unpool(skey, sval)
    return out.reshape(B, C, HOUT, WOUT)

# --- scband reference (transcript-rebuilt; emitter-appended) ---
"""Pipeline reference for scband-moconut-max-unpool2d-24644522345057 (READ-ONLY COPY).

The authoritative reference and input builder live on the scoring server;
editing this copy changes nothing except your own understanding.
"""

import jax, jax.numpy as jnp
import numpy as np

B, C, H, W = 8, 192, 112, 112
KERNEL, STRIDE, PADDING = 2, 2, 0
HOUT = (H - 1) * STRIDE - 2 * PADDING + KERNEL
WOUT = (W - 1) * STRIDE - 2 * PADDING + KERNEL


def setup_inputs(seed: int = 0) -> dict:
    key = jax.random.key(seed)
    k1, k2 = jax.random.split(key)
    inp = jax.random.normal(k1, (B, C, H, W), dtype=jnp.float32)
    idx = jax.random.randint(k2, (B, C, H, W), 0, HOUT * WOUT).astype(jnp.int64)
    return {"input": inp, "indices": idx}


def reference(input, indices):
    # MaxUnpool2d: scatter input values into a zero output of the pre-pooled
    # spatial size, using flattened per-plane indices (values in [0, HOUT*WOUT)).
    b, c, h, w = input.shape
    inp_flat = input.reshape(b * c, h * w)
    idx_flat = indices.reshape(b * c, h * w)
    rows = jnp.arange(b * c)[:, None]
    out = jnp.zeros((b * c, HOUT * WOUT), dtype=input.dtype)
    out = out.at[rows, idx_flat].set(inp_flat)
    out = out.reshape(b, c, HOUT, WOUT)
    return out

if __name__ == "__main__":
    import jax
    _d = setup_inputs()
    print(jax.jit(kernel)(*tuple(_d.values())))

</pallas_src>

<mosaic_0001>
#map = affine_map<(d0, d1) -> (0)>
#map1 = affine_map<(d0, d1) -> (0, 0)>
module attributes {stable_mosaic.version = 14 : i64} {
  func.func @_unpool_body(%arg0: i32, %arg1: i32, %arg2: memref<19267584xi32, #tpu.memory_space<hbm>>, %arg3: memref<19267584xf32, #tpu.memory_space<hbm>>, %arg4: memref<1536x50176xf32, #tpu.memory_space<hbm>>, %arg5: memref<12560xi32, #tpu.memory_space<vmem>>, %arg6: memref<12544xf32, #tpu.memory_space<vmem>>, %arg7: memref<50176xf32, #tpu.memory_space<vmem>>, %arg8: memref<50176xf32, #tpu.memory_space<vmem>>, %arg9: memref<!tpu.dma_semaphore, #tpu.memory_space<semaphore_mem>>, %arg10: memref<!tpu.dma_semaphore, #tpu.memory_space<semaphore_mem>>, %arg11: memref<!tpu.dma_semaphore, #tpu.memory_space<semaphore_mem>>) attributes {dimension_semantics = [#tpu.dimension_semantics<core_parallel>, #tpu.dimension_semantics<subcore_parallel>], iteration_bounds = array<i64: 2, 16>, scalar_prefetch = 0 : i64, scratch_operands = 7 : i64, tpu.core_type = #tpu.core_type<sc_vector_subcore>, window_params = [{transform_indices = #map}, {transform_indices = #map}, {transform_indices = #map1}]} {
    %mul3A = arith.constant 2 : i32
    %mul3A_0 = arith.muli %arg1, %mul3A : i32
    %add3A = arith.addi %mul3A_0, %arg0 : i32
    %broadcast_in_dim3A = arith.constant 0.000000e+00 : f32
    %broadcast_in_dim3A_1 = vector.broadcast %broadcast_in_dim3A : f32 to vector<16xf32>
    %broadcast_in_dim3A_2 = arith.constant -1 : i32
    %broadcast_in_dim3A_3 = vector.broadcast %broadcast_in_dim3A_2 : i32 to vector<16xi32>
    %swap3A = arith.constant 12544 : index
    %swap3A_4 = tpu.vector_load %arg5[%swap3A] {strides = array<i32>} : memref<12560xi32, #tpu.memory_space<vmem>>, vector<16xi32>,
    tpu.vector_store %arg5[%swap3A], %broadcast_in_dim3A_3 {strides = array<i32>} : memref<12560xi32, #tpu.memory_space<vmem>>, vector<16xi32>,
    %mul3A_5 = arith.constant 48 : i32
    %mul3A_6 = arith.muli %add3A, %mul3A_5 : i32
    %add3A_7 = arith.constant 0 : i32
    %add3A_8 = arith.addi %mul3A_6, %add3A_7 : i32
    %mul3A_9 = arith.constant 12544 : i32
    %mul3A_10 = arith.muli %add3A_8, %mul3A_9 : i32
    %dma_start3A = arith.constant 0 : i32
    %dma_start3A_11 = tpu.memref_slice %arg5[%dma_start3A] : memref<12560xi32, #tpu.memory_space<vmem>> -> memref<12544xi32, #tpu.memory_space<vmem>>
    %dma_start3A_12 = tpu.memref_slice %arg2[%mul3A_10] : memref<19267584xi32, #tpu.memory_space<hbm>> -> memref<12544xi32, #tpu.memory_space<hbm>>
    %dma_start3A_13 = arith.constant 0 : i32
    %dma_start3A_14 = tpu.memref_slice %arg5[%dma_start3A_13] : memref<12560xi32, #tpu.memory_space<vmem>> -> memref<12544xi32, #tpu.memory_space<vmem>>
    %dma_start3A_15 = tpu.memref_slice %arg2[%mul3A_10] : memref<19267584xi32, #tpu.memory_space<hbm>> -> memref<12544xi32, #tpu.memory_space<hbm>>
    tpu.enqueue_dma source(%dma_start3A_15 : memref<12544xi32, #tpu.memory_space<hbm>>) target(%dma_start3A_14 : memref<12544xi32, #tpu.memory_space<vmem>>) target_semaphore(%arg11 : memref<!tpu.dma_semaphore, #tpu.memory_space<semaphore_mem>>)
    %dma_start3A_16 = tpu.memref_slice %arg3[%mul3A_10] : memref<19267584xf32, #tpu.memory_space<hbm>> -> memref<12544xf32, #tpu.memory_space<hbm>>
    %dma_start3A_17 = tpu.memref_slice %arg3[%mul3A_10] : memref<19267584xf32, #tpu.memory_space<hbm>> -> memref<12544xf32, #tpu.memory_space<hbm>>
    tpu.enqueue_dma source(%dma_start3A_17 : memref<12544xf32, #tpu.memory_space<hbm>>) target(%arg6 : memref<12544xf32, #tpu.memory_space<vmem>>) target_semaphore(%arg11 : memref<!tpu.dma_semaphore, #tpu.memory_space<semaphore_mem>>)
    %scan3A = arith.constant 0 : i32
    %scan3A_18 = arith.constant 0 : i32
    %scan3A_19 = arith.constant 3136 : i32
    %scan3A_20 = arith.addi %scan3A_18, %scan3A_19 : i32
    %scan3A_21 = arith.constant 16 : i32
    %scan3A_22 = scf.for %scan3A_128 = %scan3A_18 to %scan3A_20 step %scan3A_21 iter_args(%scan3A_129 = %scan3A) -> (i32)  : i32 {
      %mul3A_130 = arith.constant 16 : i32
      %mul3A_131 = arith.muli %scan3A_128, %mul3A_130 : i32
      %swap3A_132 = arith.index_cast %mul3A_131 : i32 to index
      %swap3A_133 = tpu.vector_load %arg7[%swap3A_132] {strides = array<i32>} : memref<50176xf32, #tpu.memory_space<vmem>>, vector<16xf32>,
      tpu.vector_store %arg7[%swap3A_132], %broadcast_in_dim3A_1 {strides = array<i32>} : memref<50176xf32, #tpu.memory_space<vmem>>, vector<16xf32>,
      %scan3A_134 = arith.constant 0 : i32
      %scan3A_135 = arith.constant 1 : i32
      %scan3A_136 = arith.addi %scan3A_128, %scan3A_135 : i32
      %mul3A_137 = arith.constant 16 : i32
      %mul3A_138 = arith.muli %scan3A_136, %mul3A_137 : i32
      %swap3A_139 = arith.index_cast %mul3A_138 : i32 to index
      %swap3A_140 = tpu.vector_load %arg7[%swap3A_139] {strides = array<i32>} : memref<50176xf32, #tpu.memory_space<vmem>>, vector<16xf32>,
      tpu.vector_store %arg7[%swap3A_139], %broadcast_in_dim3A_1 {strides = array<i32>} : memref<50176xf32, #tpu.memory_space<vmem>>, vector<16xf32>,
      %scan3A_141 = arith.constant 0 : i32
      %scan3A_142 = arith.constant 2 : i32
      %scan3A_143 = arith.addi %scan3A_128, %scan3A_142 : i32
      %mul3A_144 = arith.constant 16 : i32
      %mul3A_145 = arith.muli %scan3A_143, %mul3A_144 : i32
      %swap3A_146 = arith.index_cast %mul3A_145 : i32 to index
      %swap3A_147 = tpu.vector_load %arg7[%swap3A_146] {strides = array<i32>} : memref<50176xf32, #tpu.memory_space<vmem>>, vector<16xf32>,
      tpu.vector_store %arg7[%swap3A_146], %broadcast_in_dim3A_1 {strides = array<i32>} : memref<50176xf32, #tpu.memory_space<vmem>>, vector<16xf32>,
      %scan3A_148 = arith.constant 0 : i32
      %scan3A_149 = arith.constant 3 : i32
      %scan3A_150 = arith.addi %scan3A_128, %scan3A_149 : i32
      %mul3A_151 = arith.constant 16 : i32
      %mul3A_152 = arith.muli %scan3A_150, %mul3A_151 : i32
      %swap3A_153 = arith.index_cast %mul3A_152 : i32 to index
      %swap3A_154 = tpu.vector_load %arg7[%swap3A_153] {strides = array<i32>} : memref<50176xf32, #tpu.memory_space<vmem>>, vector<16xf32>,
      tpu.vector_store %arg7[%swap3A_153], %broadcast_in_dim3A_1 {strides = array<i32>} : memref<50176xf32, #tpu.memory_space<vmem>>, vector<16xf32>,
      %scan3A_155 = arith.constant 0 : i32
      %scan3A_156 = arith.constant 4 : i32
      %scan3A_157 = arith.addi %scan3A_128, %scan3A_156 : i32
      %mul3A_158 = arith.constant 16 : i32
      %mul3A_159 = arith.muli %scan3A_157, %mul3A_158 : i32
      %swap3A_160 = arith.index_cast %mul3A_159 : i32 to index
      %swap3A_161 = tpu.vector_load %arg7[%swap3A_160] {strides = array<i32>} : memref<50176xf32, #tpu.memory_space<vmem>>, vector<16xf32>,
      tpu.vector_store %arg7[%swap3A_160], %broadcast_in_dim3A_1 {strides = array<i32>} : memref<50176xf32, #tpu.memory_space<vmem>>, vector<16xf32>,
      %scan3A_162 = arith.constant 0 : i32
      %scan3A_163 = arith.constant 5 : i32
      %scan3A_164 = arith.addi %scan3A_128, %scan3A_163 : i32
      %mul3A_165 = arith.constant 16 : i32
      %mul3A_166 = arith.muli %scan3A_164, %mul3A_165 : i32
      %swap3A_167 = arith.index_cast %mul3A_166 : i32 to index
      %swap3A_168 = tpu.vector_load %arg7[%swap3A_167] {strides = array<i32>} : memref<50176xf32, #tpu.memory_space<vmem>>, vector<16xf32>,
      tpu.vector_store %arg7[%swap3A_167], %broadcast_in_dim3A_1 {strides = array<i32>} : memref<50176xf32, #tpu.memory_space<vmem>>, vector<16xf32>,
      %scan3A_169 = arith.constant 0 : i32
      %scan3A_170 = arith.constant 6 : i32
      %scan3A_171 = arith.addi %scan3A_128, %scan3A_170 : i32
      %mul3A_172 = arith.constant 16 : i32
      %mul3A_173 = arith.muli %scan3A_171, %mul3A_172 : i32
      %swap3A_174 = arith.index_cast %mul3A_173 : i32 to index
      %swap3A_175 = tpu.vector_load %arg7[%swap3A_174] {strides = array<i32>} : memref<50176xf32, #tpu.memory_space<vmem>>, vector<16xf32>,
      tpu.vector_store %arg7[%swap3A_174], %broadcast_in_dim3A_1 {strides = array<i32>} : memref<50176xf32, #tpu.memory_space<vmem>>, vector<16xf32>,
      %scan3A_176 = arith.constant 0 : i32
      %scan3A_177 = arith.constant 7 : i32
      %scan3A_178 = arith.addi %scan3A_128, %scan3A_177 : i32
      %mul3A_179 = arith.constant 16 : i32
      %mul3A_180 = arith.muli %scan3A_178, %mul3A_179 : i32
      %swap3A_181 = arith.index_cast %mul3A_180 : i32 to index
      %swap3A_182 = tpu.vector_load %arg7[%swap3A_181] {strides = array<i32>} : memref<50176xf32, #tpu.memory_space<vmem>>, vector<16xf32>,
      tpu.vector_store %arg7[%swap3A_181], %broadcast_in_dim3A_1 {strides = array<i32>} : memref<50176xf32, #tpu.memory_space<vmem>>, vector<16xf32>,
      %scan3A_183 = arith.constant 0 : i32
      %scan3A_184 = arith.constant 8 : i32
      %scan3A_185 = arith.addi %scan3A_128, %scan3A_184 : i32
      %mul3A_186 = arith.constant 16 : i32
      %mul3A_187 = arith.muli %scan3A_185, %mul3A_186 : i32
      %swap3A_188 = arith.index_cast %mul3A_187 : i32 to index
      %swap3A_189 = tpu.vector_load %arg7[%swap3A_188] {strides = array<i32>} : memref<50176xf32, #tpu.memory_space<vmem>>, vector<16xf32>,
      tpu.vector_store %arg7[%swap3A_188], %broadcast_in_dim3A_1 {strides = array<i32>} : memref<50176xf32, #tpu.memory_space<vmem>>, vector<16xf32>,
      %scan3A_190 = arith.constant 0 : i32
      %scan3A_191 = arith.constant 9 : i32
      %scan3A_192 = arith.addi %scan3A_128, %scan3A_191 : i32
      %mul3A_193 = arith.constant 16 : i32
      %mul3A_194 = arith.muli %scan3A_192, %mul3A_193 : i32
      %swap3A_195 = arith.index_cast %mul3A_194 : i32 to index
      %swap3A_196 = tpu.vector_load %arg7[%swap3A_195] {strides = array<i32>} : memref<50176xf32, #tpu.memory_space<vmem>>, vector<16xf32>,
      tpu.vector_store %arg7[%swap3A_195], %broadcast_in_dim3A_1 {strides = array<i32>} : memref<50176xf32, #tpu.memory_space<vmem>>, vector<16xf32>,
      %scan3A_197 = arith.constant 0 : i32
      %scan3A_198 = arith.constant 10 : i32
      %scan3A_199 = arith.addi %scan3A_128, %scan3A_198 : i32
      %mul3A_200 = arith.constant 16 : i32
      %mul3A_201 = arith.muli %scan3A_199, %mul3A_200 : i32
      %swap3A_202 = arith.index_cast %mul3A_201 : i32 to index
      %swap3A_203 = tpu.vector_load %arg7[%swap3A_202] {strides = array<i32>} : memref<50176xf32, #tpu.memory_space<vmem>>, vector<16xf32>,
      tpu.vector_store %arg7[%swap3A_202], %broadcast_in_dim3A_1 {strides = array<i32>} : memref<50176xf32, #tpu.memory_space<vmem>>, vector<16xf32>,
      %scan3A_204 = arith.constant 0 : i32
      %scan3A_205 = arith.constant 11 : i32
      %scan3A_206 = arith.addi %scan3A_128, %scan3A_205 : i32
      %mul3A_207 = arith.constant 16 : i32
      %mul3A_208 = arith.muli %scan3A_206, %mul3A_207 : i32
      %swap3A_209 = arith.index_cast %mul3A_208 : i32 to index
      %swap3A_210 = tpu.vector_load %arg7[%swap3A_209] {strides = array<i32>} : memref<50176xf32, #tpu.memory_space<vmem>>, vector<16xf32>,
      tpu.vector_store %arg7[%swap3A_209], %broadcast_in_dim3A_1 {strides = array<i32>} : memref<50176xf32, #tpu.memory_space<vmem>>, vector<16xf32>,
      %scan3A_211 = arith.constant 0 : i32
      %scan3A_212 = arith.constant 12 : i32
      %scan3A_213 = arith.addi %scan3A_128, %scan3A_212 : i32
      %mul3A_214 = arith.constant 16 : i32
      %mul3A_215 = arith.muli %scan3A_213, %mul3A_214 : i32
      %swap3A_216 = arith.index_cast %mul3A_215 : i32 to index
      %swap3A_217 = tpu.vector_load %arg7[%swap3A_216] {strides = array<i32>} : memref<50176xf32, #tpu.memory_space<vmem>>, vector<16xf32>,
      tpu.vector_store %arg7[%swap3A_216], %broadcast_in_dim3A_1 {strides = array<i32>} : memref<50176xf32, #tpu.memory_space<vmem>>, vector<16xf32>,
      %scan3A_218 = arith.constant 0 : i32
      %scan3A_219 = arith.constant 13 : i32
      %scan3A_220 = arith.addi %scan3A_128, %scan3A_219 : i32
      %mul3A_221 = arith.constant 16 : i32
      %mul3A_222 = arith.muli %scan3A_220, %mul3A_221 : i32
      %swap3A_223 = arith.index_cast %mul3A_222 : i32 to index
      %swap3A_224 = tpu.vector_load %arg7[%swap3A_223] {strides = array<i32>} : memref<50176xf32, #tpu.memory_space<vmem>>, vector<16xf32>,
      tpu.vector_store %arg7[%swap3A_223], %broadcast_in_dim3A_1 {strides = array<i32>} : memref<50176xf32, #tpu.memory_space<vmem>>, vector<16xf32>,
      %scan3A_225 = arith.constant 0 : i32
      %scan3A_226 = arith.constant 14 : i32
      %scan3A_227 = arith.addi %scan3A_128, %scan3A_226 : i32
      %mul3A_228 = arith.constant 16 : i32
      %mul3A_229 = arith.muli %scan3A_227, %mul3A_228 : i32
      %swap3A_230 = arith.index_cast %mul3A_229 : i32 to index
      %swap3A_231 = tpu.vector_load %arg7[%swap3A_230] {strides = array<i32>} : memref<50176xf32, #tpu.memory_space<vmem>>, vector<16xf32>,
      tpu.vector_store %arg7[%swap3A_230], %broadcast_in_dim3A_1 {strides = array<i32>} : memref<50176xf32, #tpu.memory_space<vmem>>, vector<16xf32>,
      %scan3A_232 = arith.constant 0 : i32
      %scan3A_233 = arith.constant 15 : i32
      %scan3A_234 = arith.addi %scan3A_128, %scan3A_233 : i32
      %mul3A_235 = arith.constant 16 : i32
      %mul3A_236 = arith.muli %scan3A_234, %mul3A_235 : i32
      %swap3A_237 = arith.index_cast %mul3A_236 : i32 to index
      %swap3A_238 = tpu.vector_load %arg7[%swap3A_237] {strides = array<i32>} : memref<50176xf32, #tpu.memory_space<vmem>>, vector<16xf32>,
      tpu.vector_store %arg7[%swap3A_237], %broadcast_in_dim3A_1 {strides = array<i32>} : memref<50176xf32, #tpu.memory_space<vmem>>, vector<16xf32>,
      %scan3A_239 = arith.constant 0 : i32
      scf.yield %scan3A_239 : i32
    }
    %scan3A_23 = arith.constant 3136 : i32
    %scan3A_24 = arith.constant 0 : i32
    %scan3A_25 = arith.constant 0 : i32
    %scan3A_26 = arith.constant 3136 : i32
    %scan3A_27 = arith.addi %scan3A_25, %scan3A_26 : i32
    %scan3A_28 = arith.constant 16 : i32
    %scan3A_29 = scf.for %scan3A_128 = %scan3A_25 to %scan3A_27 step %scan3A_28 iter_args(%scan3A_129 = %scan3A_24) -> (i32)  : i32 {
      %mul3A_130 = arith.constant 16 : i32
      %mul3A_131 = arith.muli %scan3A_128, %mul3A_130 : i32
      %swap3A_132 = arith.index_cast %mul3A_131 : i32 to index
      %swap3A_133 = tpu.vector_load %arg8[%swap3A_132] {strides = array<i32>} : memref<50176xf32, #tpu.memory_space<vmem>>, vector<16xf32>,
      tpu.vector_store %arg8[%swap3A_132], %broadcast_in_dim3A_1 {strides = array<i32>} : memref<50176xf32, #tpu.memory_space<vmem>>, vector<16xf32>,
      %scan3A_134 = arith.constant 0 : i32
      %scan3A_135 = arith.constant 1 : i32
      %scan3A_136 = arith.addi %scan3A_128, %scan3A_135 : i32
      %mul3A_137 = arith.constant 16 : i32
      %mul3A_138 = arith.muli %scan3A_136, %mul3A_137 : i32
      %swap3A_139 = arith.index_cast %mul3A_138 : i32 to index
      %swap3A_140 = tpu.vector_load %arg8[%swap3A_139] {strides = array<i32>} : memref<50176xf32, #tpu.memory_space<vmem>>, vector<16xf32>,
      tpu.vector_store %arg8[%swap3A_139], %broadcast_in_dim3A_1 {strides = array<i32>} : memref<50176xf32, #tpu.memory_space<vmem>>, vector<16xf32>,
      %scan3A_141 = arith.constant 0 : i32
      %scan3A_142 = arith.constant 2 : i32
      %scan3A_143 = arith.addi %scan3A_128, %scan3A_142 : i32
      %mul3A_144 = arith.constant 16 : i32
      %mul3A_145 = arith.muli %scan3A_143, %mul3A_144 : i32
      %swap3A_146 = arith.index_cast %mul3A_145 : i32 to index
      %swap3A_147 = tpu.vector_load %arg8[%swap3A_146] {strides = array<i32>} : memref<50176xf32, #tpu.memory_space<vmem>>, vector<16xf32>,
      tpu.vector_store %arg8[%swap3A_146], %broadcast_in_dim3A_1 {strides = array<i32>} : memref<50176xf32, #tpu.memory_space<vmem>>, vector<16xf32>,
      %scan3A_148 = arith.constant 0 : i32
      %scan3A_149 = arith.constant 3 : i32
      %scan3A_150 = arith.addi %scan3A_128, %scan3A_149 : i32
      %mul3A_151 = arith.constant 16 : i32
      %mul3A_152 = arith.muli %scan3A_150, %mul3A_151 : i32
      %swap3A_153 = arith.index_cast %mul3A_152 : i32 to index
      %swap3A_154 = tpu.vector_load %arg8[%swap3A_153] {strides = array<i32>} : memref<50176xf32, #tpu.memory_space<vmem>>, vector<16xf32>,
      tpu.vector_store %arg8[%swap3A_153], %broadcast_in_dim3A_1 {strides = array<i32>} : memref<50176xf32, #tpu.memory_space<vmem>>, vector<16xf32>,
      %scan3A_155 = arith.constant 0 : i32
      %scan3A_156 = arith.constant 4 : i32
      %scan3A_157 = arith.addi %scan3A_128, %scan3A_156 : i32
      %mul3A_158 = arith.constant 16 : i32
      %mul3A_159 = arith.muli %scan3A_157, %mul3A_158 : i32
      %swap3A_160 = arith.index_cast %mul3A_159 : i32 to index
      %swap3A_161 = tpu.vector_load %arg8[%swap3A_160] {strides = array<i32>} : memref<50176xf32, #tpu.memory_space<vmem>>, vector<16xf32>,
      tpu.vector_store %arg8[%swap3A_160], %broadcast_in_dim3A_1 {strides = array<i32>} : memref<50176xf32, #tpu.memory_space<vmem>>, vector<16xf32>,
      %scan3A_162 = arith.constant 0 : i32
      %scan3A_163 = arith.constant 5 : i32
      %scan3A_164 = arith.addi %scan3A_128, %scan3A_163 : i32
      %mul3A_165 = arith.constant 16 : i32
      %mul3A_166 = arith.muli %scan3A_164, %mul3A_165 : i32
      %swap3A_167 = arith.index_cast %mul3A_166 : i32 to index
      %swap3A_168 = tpu.vector_load %arg8[%swap3A_167] {strides = array<i32>} : memref<50176xf32, #tpu.memory_space<vmem>>, vector<16xf32>,
      tpu.vector_store %arg8[%swap3A_167], %broadcast_in_dim3A_1 {strides = array<i32>} : memref<50176xf32, #tpu.memory_space<vmem>>, vector<16xf32>,
      %scan3A_169 = arith.constant 0 : i32
      %scan3A_170 = arith.constant 6 : i32
      %scan3A_171 = arith.addi %scan3A_128, %scan3A_170 : i32
      %mul3A_172 = arith.constant 16 : i32
      %mul3A_173 = arith.muli %scan3A_171, %mul3A_172 : i32
      %swap3A_174 = arith.index_cast %mul3A_173 : i32 to index
      %swap3A_175 = tpu.vector_load %arg8[%swap3A_174] {strides = array<i32>} : memref<50176xf32, #tpu.memory_space<vmem>>, vector<16xf32>,
      tpu.vector_store %arg8[%swap3A_174], %broadcast_in_dim3A_1 {strides = array<i32>} : memref<50176xf32, #tpu.memory_space<vmem>>, vector<16xf32>,
      %scan3A_176 = arith.constant 0 : i32
      %scan3A_177 = arith.constant 7 : i32
      %scan3A_178 = arith.addi %scan3A_128, %scan3A_177 : i32
      %mul3A_179 = arith.constant 16 : i32
      %mul3A_180 = arith.muli %scan3A_178, %mul3A_179 : i32
      %swap3A_181 = arith.index_cast %mul3A_180 : i32 to index
      %swap3A_182 = tpu.vector_load %arg8[%swap3A_181] {strides = array<i32>} : memref<50176xf32, #tpu.memory_space<vmem>>, vector<16xf32>,
      tpu.vector_store %arg8[%swap3A_181], %broadcast_in_dim3A_1 {strides = array<i32>} : memref<50176xf32, #tpu.memory_space<vmem>>, vector<16xf32>,
      %scan3A_183 = arith.constant 0 : i32
      %scan3A_184 = arith.constant 8 : i32
      %scan3A_185 = arith.addi %scan3A_128, %scan3A_184 : i32
      %mul3A_186 = arith.constant 16 : i32
      %mul3A_187 = arith.muli %scan3A_185, %mul3A_186 : i32
      %swap3A_188 = arith.index_cast %mul3A_187 : i32 to index
      %swap3A_189 = tpu.vector_load %arg8[%swap3A_188] {strides = array<i32>} : memref<50176xf32, #tpu.memory_space<vmem>>, vector<16xf32>,
      tpu.vector_store %arg8[%swap3A_188], %broadcast_in_dim3A_1 {strides = array<i32>} : memref<50176xf32, #tpu.memory_space<vmem>>, vector<16xf32>,
      %scan3A_190 = arith.constant 0 : i32
      %scan3A_191 = arith.constant 9 : i32
      %scan3A_192 = arith.addi %scan3A_128, %scan3A_191 : i32
      %mul3A_193 = arith.constant 16 : i32
      %mul3A_194 = arith.muli %scan3A_192, %mul3A_193 : i32
      %swap3A_195 = arith.index_cast %mul3A_194 : i32 to index
      %swap3A_196 = tpu.vector_load %arg8[%swap3A_195] {strides = array<i32>} : memref<50176xf32, #tpu.memory_space<vmem>>, vector<16xf32>,
      tpu.vector_store %arg8[%swap3A_195], %broadcast_in_dim3A_1 {strides = array<i32>} : memref<50176xf32, #tpu.memory_space<vmem>>, vector<16xf32>,
      %scan3A_197 = arith.constant 0 : i32
      %scan3A_198 = arith.constant 10 : i32
      %scan3A_199 = arith.addi %scan3A_128, %scan3A_198 : i32
      %mul3A_200 = arith.constant 16 : i32
      %mul3A_201 = arith.muli %scan3A_199, %mul3A_200 : i32
      %swap3A_202 = arith.index_cast %mul3A_201 : i32 to index
      %swap3A_203 = tpu.vector_load %arg8[%swap3A_202] {strides = array<i32>} : memref<50176xf32, #tpu.memory_space<vmem>>, vector<16xf32>,
      tpu.vector_store %arg8[%swap3A_202], %broadcast_in_dim3A_1 {strides = array<i32>} : memref<50176xf32, #tpu.memory_space<vmem>>, vector<16xf32>,
      %scan3A_204 = arith.constant 0 : i32
      %scan3A_205 = arith.constant 11 : i32
      %scan3A_206 = arith.addi %scan3A_128, %scan3A_205 : i32
      %mul3A_207 = arith.constant 16 : i32
      %mul3A_208 = arith.muli %scan3A_206, %mul3A_207 : i32
      %swap3A_209 = arith.index_cast %mul3A_208 : i32 to index
      %swap3A_210 = tpu.vector_load %arg8[%swap3A_209] {strides = array<i32>} : memref<50176xf32, #tpu.memory_space<vmem>>, vector<16xf32>,
      tpu.vector_store %arg8[%swap3A_209], %broadcast_in_dim3A_1 {strides = array<i32>} : memref<50176xf32, #tpu.memory_space<vmem>>, vector<16xf32>,
      %scan3A_211 = arith.constant 0 : i32
      %scan3A_212 = arith.constant 12 : i32
      %scan3A_213 = arith.addi %scan3A_128, %scan3A_212 : i32
      %mul3A_214 = arith.constant 16 : i32
      %mul3A_215 = arith.muli %scan3A_213, %mul3A_214 : i32
      %swap3A_216 = arith.index_cast %mul3A_215 : i32 to index
      %swap3A_217 = tpu.vector_load %arg8[%swap3A_216] {strides = array<i32>} : memref<50176xf32, #tpu.memory_space<vmem>>, vector<16xf32>,
      tpu.vector_store %arg8[%swap3A_216], %broadcast_in_dim3A_1 {strides = array<i32>} : memref<50176xf32, #tpu.memory_space<vmem>>, vector<16xf32>,
      %scan3A_218 = arith.constant 0 : i32
      %scan3A_219 = arith.constant 13 : i32
      %scan3A_220 = arith.addi %scan3A_128, %scan3A_219 : i32
      %mul3A_221 = arith.constant 16 : i32
      %mul3A_222 = arith.muli %scan3A_220, %mul3A_221 : i32
      %swap3A_223 = arith.index_cast %mul3A_222 : i32 to index
      %swap3A_224 = tpu.vector_load %arg8[%swap3A_223] {strides = array<i32>} : memref<50176xf32, #tpu.memory_space<vmem>>, vector<16xf32>,
      tpu.vector_store %arg8[%swap3A_223], %broadcast_in_dim3A_1 {strides = array<i32>} : memref<50176xf32, #tpu.memory_space<vmem>>, vector<16xf32>,
      %scan3A_225 = arith.constant 0 : i32
      %scan3A_226 = arith.constant 14 : i32
      %scan3A_227 = arith.addi %scan3A_128, %scan3A_226 : i32
      %mul3A_228 = arith.constant 16 : i32
      %mul3A_229 = arith.muli %scan3A_227, %mul3A_228 : i32
      %swap3A_230 = arith.index_cast %mul3A_229 : i32 to index
      %swap3A_231 = tpu.vector_load %arg8[%swap3A_230] {strides = array<i32>} : memref<50176xf32, #tpu.memory_space<vmem>>, vector<16xf32>,
      tpu.vector_store %arg8[%swap3A_230], %broadcast_in_dim3A_1 {strides = array<i32>} : memref<50176xf32, #tpu.memory_space<vmem>>, vector<16xf32>,
      %scan3A_232 = arith.constant 0 : i32
      %scan3A_233 = arith.constant 15 : i32
      %scan3A_234 = arith.addi %scan3A_128, %scan3A_233 : i32
      %mul3A_235 = arith.constant 16 : i32
      %mul3A_236 = arith.muli %scan3A_234, %mul3A_235 : i32
      %swap3A_237 = arith.index_cast %mul3A_236 : i32 to index
      %swap3A_238 = tpu.vector_load %arg8[%swap3A_237] {strides = array<i32>} : memref<50176xf32, #tpu.memory_space<vmem>>, vector<16xf32>,
      tpu.vector_store %arg8[%swap3A_237], %broadcast_in_dim3A_1 {strides = array<i32>} : memref<50176xf32, #tpu.memory_space<vmem>>, vector<16xf32>,
      %scan3A_239 = arith.constant 0 : i32
      scf.yield %scan3A_239 : i32
    }
    %scan3A_30 = arith.constant 3136 : i32
    %mul3A_31 = arith.constant 48 : i32
    %mul3A_32 = arith.muli %add3A, %mul3A_31 : i32
    %add3A_33 = arith.constant 0 : i32
    %add3A_34 = arith.addi %mul3A_32, %add3A_33 : i32
    %mul3A_35 = arith.constant 12544 : i32
    %mul3A_36 = arith.muli %add3A_34, %mul3A_35 : i32
    %dma_wait3A = arith.constant 0 : i32
    %dma_wait3A_37 = tpu.memref_slice %arg5[%dma_wait3A] : memref<12560xi32, #tpu.memory_space<vmem>> -> memref<12544xi32, #tpu.memory_space<vmem>>
    %dma_wait3A_38 = tpu.memref_slice %arg2[%mul3A_36] : memref<19267584xi32, #tpu.memory_space<hbm>> -> memref<12544xi32, #tpu.memory_space<hbm>>
    %dma_wait3A_39 = arith.constant 0 : i32
    %dma_wait3A_40 = tpu.memref_slice %arg5[%dma_wait3A_39] : memref<12560xi32, #tpu.memory_space<vmem>> -> memref<12544xi32, #tpu.memory_space<vmem>>
    %dma_wait3A_41 = tpu.memref_slice %arg2[%mul3A_36] : memref<19267584xi32, #tpu.memory_space<hbm>> -> memref<12544xi32, #tpu.memory_space<hbm>>
    tpu.wait_dma2 semaphore(%arg11 : memref<!tpu.dma_semaphore, #tpu.memory_space<semaphore_mem>>) src(%dma_wait3A_41 : memref<12544xi32, #tpu.memory_space<hbm>>) dst(%dma_wait3A_40 : memref<12544xi32, #tpu.memory_space<vmem>>)
    %dma_wait3A_42 = tpu.memref_slice %arg3[%mul3A_36] : memref<19267584xf32, #tpu.memory_space<hbm>> -> memref<12544xf32, #tpu.memory_space<hbm>>
    %dma_wait3A_43 = tpu.memref_slice %arg3[%mul3A_36] : memref<19267584xf32, #tpu.memory_space<hbm>> -> memref<12544xf32, #tpu.memory_space<hbm>>
    tpu.wait_dma2 semaphore(%arg11 : memref<!tpu.dma_semaphore, #tpu.memory_space<semaphore_mem>>) src(%dma_wait3A_43 : memref<12544xf32, #tpu.memory_space<hbm>>) dst(%arg6 : memref<12544xf32, #tpu.memory_space<vmem>>)
    %mul3A_44 = arith.constant 50176 : i32
    %mul3A_45 = arith.muli %add3A_34, %mul3A_44 : i32
    %scan3A_46 = arith.constant 0 : i32
    %scan3A_47 = arith.constant 0 : i32
    %scan3A_48 = arith.constant 784 : i32
    %scan3A_49 = arith.addi %scan3A_47, %scan3A_48 : i32
    %scan3A_50 = arith.constant 16 : i32
    %scan3A_51 = scf.for %scan3A_128 = %scan3A_47 to %scan3A_49 step %scan3A_50 iter_args(%scan3A_129 = %scan3A_46) -> (i32)  : i32 {
      %mul3A_130 = arith.constant 16 : i32
      %mul3A_131 = arith.muli %scan3A_128, %mul3A_130 : i32
      %get3A = arith.index_cast %mul3A_131 : i32 to index
      %get3A_132 = tpu.vector_load %arg5[%get3A] {strides = array<i32>} : memref<12560xi32, #tpu.memory_space<vmem>>, vector<16xi32>,
      %mul3A_133 = arith.constant 16 : i32
      %mul3A_134 = arith.muli %scan3A_128, %mul3A_133 : i32
      %add3A_135 = arith.constant 1 : i32
      %add3A_136 = arith.addi %mul3A_134, %add3A_135 : i32
      %get3A_137 = arith.index_cast %add3A_136 : i32 to index
      %get3A_138 = tpu.vector_load %arg5[%get3A_137] {strides = array<i32>} : memref<12560xi32, #tpu.memory_space<vmem>>, vector<16xi32>,
      %mul3A_139 = arith.constant 16 : i32
      %mul3A_140 = arith.muli %scan3A_128, %mul3A_139 : i32
      %get3A_141 = arith.index_cast %mul3A_140 : i32 to index
      %get3A_142 = tpu.vector_load %arg6[%get3A_141] {strides = array<i32>} : memref<12544xf32, #tpu.memory_space<vmem>>, vector<16xf32>,
      %sub3A_143 = vector.broadcast %mul3A_45 : i32 to vector<16xi32>
      %sub3A_144 = arith.subi %get3A_132, %sub3A_143 : vector<16xi32>
      %ne3A = arith.cmpi ne, %get3A_132, %get3A_138 : vector<16xi32>
      tpu.vector_store_idx %arg7[%sub3A_144], %get3A_142 masked %ne3A : memref<50176xf32, #tpu.memory_space<vmem>>[vector<16xi32>], vector<16xf32>, vector<16xi1>
      %scan3A_145 = arith.constant 0 : i32
      %scan3A_146 = arith.constant 1 : i32
      %scan3A_147 = arith.addi %scan3A_128, %scan3A_146 : i32
      %mul3A_148 = arith.constant 16 : i32
      %mul3A_149 = arith.muli %scan3A_147, %mul3A_148 : i32
      %get3A_150 = arith.index_cast %mul3A_149 : i32 to index
      %get3A_151 = tpu.vector_load %arg5[%get3A_150] {strides = array<i32>} : memref<12560xi32, #tpu.memory_space<vmem>>, vector<16xi32>,
      %mul3A_152 = arith.constant 16 : i32
      %mul3A_153 = arith.muli %scan3A_147, %mul3A_152 : i32
      %add3A_154 = arith.constant 1 : i32
      %add3A_155 = arith.addi %mul3A_153, %add3A_154 : i32
      %get3A_156 = arith.index_cast %add3A_155 : i32 to index
      %get3A_157 = tpu.vector_load %arg5[%get3A_156] {strides = array<i32>} : memref<12560xi32, #tpu.memory_space<vmem>>, vector<16xi32>,
      %mul3A_158 = arith.constant 16 : i32
      %mul3A_159 = arith.muli %scan3A_147, %mul3A_158 : i32
      %get3A_160 = arith.index_cast %mul3A_159 : i32 to index
      %get3A_161 = tpu.vector_load %arg6[%get3A_160] {strides = array<i32>} : memref<12544xf32, #tpu.memory_space<vmem>>, vector<16xf32>,
      %sub3A_162 = vector.broadcast %mul3A_45 : i32 to vector<16xi32>
      %sub3A_163 = arith.subi %get3A_151, %sub3A_162 : vector<16xi32>
      %ne3A_164 = arith.cmpi ne, %get3A_151, %get3A_157 : vector<16xi32>
      tpu.vector_store_idx %arg7[%sub3A_163], %get3A_161 masked %ne3A_164 : memref<50176xf32, #tpu.memory_space<vmem>>[vector<16xi32>], vector<16xf32>, vector<16xi1>
      %scan3A_165 = arith.constant 0 : i32
      %scan3A_166 = arith.constant 2 : i32
      %scan3A_167 = arith.addi %scan3A_128, %scan3A_166 : i32
      %mul3A_168 = arith.constant 16 : i32
      %mul3A_169 = arith.muli %scan3A_167, %mul3A_168 : i32
      %get3A_170 = arith.index_cast %mul3A_169 : i32 to index
      %get3A_171 = tpu.vector_load %arg5[%get3A_170] {strides = array<i32>} : memref<12560xi32, #tpu.memory_space<vmem>>, vector<16xi32>,
      %mul3A_172 = arith.constant 16 : i32
      %mul3A_173 = arith.muli %scan3A_167, %mul3A_172 : i32
      %add3A_174 = arith.constant 1 : i32
      %add3A_175 = arith.addi %mul3A_173, %add3A_174 : i32
      %get3A_176 = arith.index_cast %add3A_175 : i32 to index
      %get3A_177 = tpu.vector_load %arg5[%get3A_176] {strides = array<i32>} : memref<12560xi32, #tpu.memory_space<vmem>>, vector<16xi32>,
      %mul3A_178 = arith.constant 16 : i32
      %mul3A_179 = arith.muli %scan3A_167, %mul3A_178 : i32
      %get3A_180 = arith.index_cast %mul3A_179 : i32 to index
      %get3A_181 = tpu.vector_load %arg6[%get3A_180] {strides = array<i32>} : memref<12544xf32, #tpu.memory_space<vmem>>, vector<16xf32>,
      %sub3A_182 = vector.broadcast %mul3A_45 : i32 to vector<16xi32>
      %sub3A_183 = arith.subi %get3A_171, %sub3A_182 : vector<16xi32>
      %ne3A_184 = arith.cmpi ne, %get3A_171, %get3A_177 : vector<16xi32>
      tpu.vector_store_idx %arg7[%sub3A_183], %get3A_181 masked %ne3A_184 : memref<50176xf32, #tpu.memory_space<vmem>>[vector<16xi32>], vector<16xf32>, vector<16xi1>
      %scan3A_185 = arith.constant 0 : i32
      %scan3A_186 = arith.constant 3 : i32
      %scan3A_187 = arith.addi %scan3A_128, %scan3A_186 : i32
      %mul3A_188 = arith.constant 16 : i32
      %mul3A_189 = arith.muli %scan3A_187, %mul3A_188 : i32
      %get3A_190 = arith.index_cast %mul3A_189 : i32 to index
      %get3A_191 = tpu.vector_load %arg5[%get3A_190] {strides = array<i32>} : memref<12560xi32, #tpu.memory_space<vmem>>, vector<16xi32>,
      %mul3A_192 = arith.constant 16 : i32
      %mul3A_193 = arith.muli %scan3A_187, %mul3A_192 : i32
      %add3A_194 = arith.constant 1 : i32
      %add3A_195 = arith.addi %mul3A_193, %add3A_194 : i32
      %get3A_196 = arith.index_cast %add3A_195 : i32 to index
      %get3A_197 = tpu.vector_load %arg5[%get3A_196] {strides = array<i32>} : memref<12560xi32, #tpu.memory_space<vmem>>, vector<16xi32>,
      %mul3A_198 = arith.constant 16 : i32
      %mul3A_199 = arith.muli %scan3A_187, %mul3A_198 : i32
      %get3A_200 = arith.index_cast %mul3A_199 : i32 to index
      %get3A_201 = tpu.vector_load %arg6[%get3A_200] {strides = array<i32>} : memref<12544xf32, #tpu.memory_space<vmem>>, vector<16xf32>,
      %sub3A_202 = vector.broadcast %mul3A_45 : i32 to vector<16xi32>
      %sub3A_203 = arith.subi %get3A_191, %sub3A_202 : vector<16xi32>
      %ne3A_204 = arith.cmpi ne, %get3A_191, %get3A_197 : vector<16xi32>
      tpu.vector_store_idx %arg7[%sub3A_203], %get3A_201 masked %ne3A_204 : memref<50176xf32, #tpu.memory_space<vmem>>[vector<16xi32>], vector<16xf32>, vector<16xi1>
      %scan3A_205 = arith.constant 0 : i32
      %scan3A_206 = arith.constant 4 : i32
      %scan3A_207 = arith.addi %scan3A_128, %scan3A_206 : i32
      %mul3A_208 = arith.constant 16 : i32
      %mul3A_209 = arith.muli %scan3A_207, %mul3A_208 : i32
      %get3A_210 = arith.index_cast %mul3A_209 : i32 to index
      %get3A_211 = tpu.vector_load %arg5[%get3A_210] {strides = array<i32>} : memref<12560xi32, #tpu.memory_space<vmem>>, vector<16xi32>,
      %mul3A_212 = arith.constant 16 : i32
      %mul3A_213 = arith.muli %scan3A_207, %mul3A_212 : i32
      %add3A_214 = arith.constant 1 : i32
      %add3A_215 = arith.addi %mul3A_213, %add3A_214 : i32
      %get3A_216 = arith.index_cast %add3A_215 : i32 to index
      %get3A_217 = tpu.vector_load %arg5[%get3A_216] {strides = array<i32>} : memref<12560xi32, #tpu.memory_space<vmem>>, vector<16xi32>,
      %mul3A_218 = arith.constant 16 : i32
      %mul3A_219 = arith.muli %scan3A_207, %mul3A_218 : i32
      %get3A_220 = arith.index_cast %mul3A_219 : i32 to index
      %get3A_221 = tpu.vector_load %arg6[%get3A_220] {strides = array<i32>} : memref<12544xf32, #tpu.memory_space<vmem>>, vector<16xf32>,
      %sub3A_222 = vector.broadcast %mul3A_45 : i32 to vector<16xi32>
      %sub3A_223 = arith.subi %get3A_211, %sub3A_222 : vector<16xi32>
      %ne3A_224 = arith.cmpi ne, %get3A_211, %get3A_217 : vector<16xi32>
      tpu.vector_store_idx %arg7[%sub3A_223], %get3A_221 masked %ne3A_224 : memref<50176xf32, #tpu.memory_space<vmem>>[vector<16xi32>], vector<16xf32>, vector<16xi1>
      %scan3A_225 = arith.constant 0 : i32
      %scan3A_226 = arith.constant 5 : i32
      %scan3A_227 = arith.addi %scan3A_128, %scan3A_226 : i32
      %mul3A_228 = arith.constant 16 : i32
      %mul3A_229 = arith.muli %scan3A_227, %mul3A_228 : i32
      %get3A_230 = arith.index_cast %mul3A_229 : i32 to index
      %get3A_231 = tpu.vector_load %arg5[%get3A_230] {strides = array<i32>} : memref<12560xi32, #tpu.memory_space<vmem>>, vector<16xi32>,
      %mul3A_232 = arith.constant 16 : i32
      %mul3A_233 = arith.muli %scan3A_227, %mul3A_232 : i32
      %add3A_234 = arith.constant 1 : i32
      %add3A_235 = arith.addi %mul3A_233, %add3A_234 : i32
      %get3A_236 = arith.index_cast %add3A_235 : i32 to index
      %get3A_237 = tpu.vector_load %arg5[%get3A_236] {strides = array<i32>} : memref<12560xi32, #tpu.memory_space<vmem>>, vector<16xi32>,
      %mul3A_238 = arith.constant 16 : i32
      %mul3A_239 = arith.muli %scan3A_227, %mul3A_238 : i32
      %get3A_240 = arith.index_cast %mul3A_239 : i32 to index
      %get3A_241 = tpu.vector_load %arg6[%get3A_240] {strides = array<i32>} : memref<12544xf32, #tpu.memory_space<vmem>>, vector<16xf32>,
      %sub3A_242 = vector.broadcast %mul3A_45 : i32 to vector<16xi32>
      %sub3A_243 = arith.subi %get3A_231, %sub3A_242 : vector<16xi32>
      %ne3A_244 = arith.cmpi ne, %get3A_231, %get3A_237 : vector<16xi32>
      tpu.vector_store_idx %arg7[%sub3A_243], %get3A_241 masked %ne3A_244 : memref<50176xf32, #tpu.memory_space<vmem>>[vector<16xi32>], vector<16xf32>, vector<16xi1>
      %scan3A_245 = arith.constant 0 : i32
      %scan3A_246 = arith.constant 6 : i32
      %scan3A_247 = arith.addi %scan3A_128, %scan3A_246 : i32
      %mul3A_248 = arith.constant 16 : i32
      %mul3A_249 = arith.muli %scan3A_247, %mul3A_248 : i32
      %get3A_250 = arith.index_cast %mul3A_249 : i32 to index
      %get3A_251 = tpu.vector_load %arg5[%get3A_250] {strides = array<i32>} : memref<12560xi32, #tpu.memory_space<vmem>>, vector<16xi32>,
      %mul3A_252 = arith.constant 16 : i32
      %mul3A_253 = arith.muli %scan3A_247, %mul3A_252 : i32
      %add3A_254 = arith.constant 1 : i32
      %add3A_255 = arith.addi %mul3A_253, %add3A_254 : i32
      %get3A_256 = arith.index_cast %add3A_255 : i32 to index
      %get3A_257 = tpu.vector_load %arg5[%get3A_256] {strides = array<i32>} : memref<12560xi32, #tpu.memory_space<vmem>>, vector<16xi32>,
      %mul3A_258 = arith.constant 16 : i32
      %mul3A_259 = arith.muli %scan3A_247, %mul3A_258 : i32
      %get3A_260 = arith.index_cast %mul3A_259 : i32 to index
      %get3A_261 = tpu.vector_load %arg6[%get3A_260] {strides = array<i32>} : memref<12544xf32, #tpu.memory_space<vmem>>, vector<16xf32>,
      %sub3A_262 = vector.broadcast %mul3A_45 : i32 to vector<16xi32>
      %sub3A_263 = arith.subi %get3A_251, %sub3A_262 : vector<16xi32>
      %ne3A_264 = arith.cmpi ne, %get3A_251, %get3A_257 : vector<16xi32>
      tpu.vector_store_idx %arg7[%sub3A_263], %get3A_261 masked %ne3A_264 : memref<50176xf32, #tpu.memory_space<vmem>>[vector<16xi32>], vector<16xf32>, vector<16xi1>
      %scan3A_265 = arith.constant 0 : i32
      %scan3A_266 = arith.constant 7 : i32
      %scan3A_267 = arith.addi %scan3A_128, %scan3A_266 : i32
      %mul3A_268 = arith.constant 16 : i32
      %mul3A_269 = arith.muli %scan3A_267, %mul3A_268 : i32
      %get3A_270 = arith.index_cast %mul3A_269 : i32 to index
      %get3A_271 = tpu.vector_load %arg5[%get3A_270] {strides = array<i32>} : memref<12560xi32, #tpu.memory_space<vmem>>, vector<16xi32>,
      %mul3A_272 = arith.constant 16 : i32
      %mul3A_273 = arith.muli %scan3A_267, %mul3A_272 : i32
      %add3A_274 = arith.constant 1 : i32
      %add3A_275 = arith.addi %mul3A_273, %add3A_274 : i32
      %get3A_276 = arith.index_cast %add3A_275 : i32 to index
      %get3A_277 = tpu.vector_load %arg5[%get3A_276] {strides = array<i32>} : memref<12560xi32, #tpu.memory_space<vmem>>, vector<16xi32>,
      %mul3A_278 = arith.constant 16 : i32
      %mul3A_279 = arith.muli %scan3A_267, %mul3A_278 : i32
      %get3A_280 = arith.index_cast %mul3A_279 : i32 to index
      %get3A_281 = tpu.vector_load %arg6[%get3A_280] {strides = array<i32>} : memref<12544xf32, #tpu.memory_space<vmem>>, vector<16xf32>,
      %sub3A_282 = vector.broadcast %mul3A_45 : i32 to vector<16xi32>
      %sub3A_283 = arith.subi %get3A_271, %sub3A_282 : vector<16xi32>
      %ne3A_284 = arith.cmpi ne, %get3A_271, %get3A_277 : vector<16xi32>
      tpu.vector_store_idx %arg7[%sub3A_283], %get3A_281 masked %ne3A_284 : memref<50176xf32, #tpu.memory_space<vmem>>[vector<16xi32>], vector<16xf32>, vector<16xi1>
      %scan3A_285 = arith.constant 0 : i32
      %scan3A_286 = arith.constant 8 : i32
      %scan3A_287 = arith.addi %scan3A_128, %scan3A_286 : i32
      %mul3A_288 = arith.constant 16 : i32
      %mul3A_289 = arith.muli %scan3A_287, %mul3A_288 : i32
      %get3A_290 = arith.index_cast %mul3A_289 : i32 to index
      %get3A_291 = tpu.vector_load %arg5[%get3A_290] {strides = array<i32>} : memref<12560xi32, #tpu.memory_space<vmem>>, vector<16xi32>,
      %mul3A_292 = arith.constant 16 : i32
      %mul3A_293 = arith.muli %scan3A_287, %mul3A_292 : i32
      %add3A_294 = arith.constant 1 : i32
      %add3A_295 = arith.addi %mul3A_293, %add3A_294 : i32
      %get3A_296 = arith.index_cast %add3A_295 : i32 to index
      %get3A_297 = tpu.vector_load %arg5[%get3A_296] {strides = array<i32>} : memref<12560xi32, #tpu.memory_space<vmem>>, vector<16xi32>,
      %mul3A_298 = arith.constant 16 : i32
      %mul3A_299 = arith.muli %scan3A_287, %mul3A_298 : i32
      %get3A_300 = arith.index_cast %mul3A_299 : i32 to index
      %get3A_301 = tpu.vector_load %arg6[%get3A_300] {strides = array<i32>} : memref<12544xf32, #tpu.memory_space<vmem>>, vector<16xf32>,
      %sub3A_302 = vector.broadcast %mul3A_45 : i32 to vector<16xi32>
      %sub3A_303 = arith.subi %get3A_291, %sub3A_302 : vector<16xi32>
      %ne3A_304 = arith.cmpi ne, %get3A_291, %get3A_297 : vector<16xi32>
      tpu.vector_store_idx %arg7[%sub3A_303], %get3A_301 masked %ne3A_304 : memref<50176xf32, #tpu.memory_space<vmem>>[vector<16xi32>], vector<16xf32>, vector<16xi1>
      %scan3A_305 = arith.constant 0 : i32
      %scan3A_306 = arith.constant 9 : i32
      %scan3A_307 = arith.addi %scan3A_128, %scan3A_306 : i32
      %mul3A_308 = arith.constant 16 : i32
      %mul3A_309 = arith.muli %scan3A_307, %mul3A_308 : i32
      %get3A_310 = arith.index_cast %mul3A_309 : i32 to index
      %get3A_311 = tpu.vector_load %arg5[%get3A_310] {strides = array<i32>} : memref<12560xi32, #tpu.memory_space<vmem>>, vector<16xi32>,
      %mul3A_312 = arith.constant 16 : i32
      %mul3A_313 = arith.muli %scan3A_307, %mul3A_312 : i32
      %add3A_314 = arith.constant 1 : i32
      %add3A_315 = arith.addi %mul3A_313, %add3A_314 : i32
      %get3A_316 = arith.index_cast %add3A_315 : i32 to index
      %get3A_317 = tpu.vector_load %arg5[%get3A_316] {strides = array<i32>} : memref<12560xi32, #tpu.memory_space<vmem>>, vector<16xi32>,
      %mul3A_318 = arith.constant 16 : i32
      %mul3A_319 = arith.muli %scan3A_307, %mul3A_318 : i32
      %get3A_320 = arith.index_cast %mul3A_319 : i32 to index
      %get3A_321 = tpu.vector_load %arg6[%get3A_320] {strides = array<i32>} : memref<12544xf32, #tpu.memory_space<vmem>>, vector<16xf32>,
      %sub3A_322 = vector.broadcast %mul3A_45 : i32 to vector<16xi32>
      %sub3A_323 = arith.subi %get3A_311, %sub3A_322 : vector<16xi32>
      %ne3A_324 = arith.cmpi ne, %get3A_311, %get3A_317 : vector<16xi32>
      tpu.vector_store_idx %arg7[%sub3A_323], %get3A_321 masked %ne3A_324 : memref<50176xf32, #tpu.memory_space<vmem>>[vector<16xi32>], vector<16xf32>, vector<16xi1>
      %scan3A_325 = arith.constant 0 : i32
      %scan3A_326 = arith.constant 10 : i32
      %scan3A_327 = arith.addi %scan3A_128, %scan3A_326 : i32
      %mul3A_328 = arith.constant 16 : i32
      %mul3A_329 = arith.muli %scan3A_327, %mul3A_328 : i32
      %get3A_330 = arith.index_cast %mul3A_329 : i32 to index
      %get3A_331 = tpu.vector_load %arg5[%get3A_330] {strides = array<i32>} : memref<12560xi32, #tpu.memory_space<vmem>>, vector<16xi32>,
      %mul3A_332 = arith.constant 16 : i32
      %mul3A_333 = arith.muli %scan3A_327, %mul3A_332 : i32
      %add3A_334 = arith.constant 1 : i32
      %add3A_335 = arith.addi %mul3A_333, %add3A_334 : i32
      %get3A_336 = arith.index_cast %add3A_335 : i32 to index
      %get3A_337 = tpu.vector_load %arg5[%get3A_336] {strides = array<i32>} : memref<12560xi32, #tpu.memory_space<vmem>>, vector<16xi32>,
      %mul3A_338 = arith.constant 16 : i32
      %mul3A_339 = arith.muli %scan3A_327, %mul3A_338 : i32
      %get3A_340 = arith.index_cast %mul3A_339 : i32 to index
      %get3A_341 = tpu.vector_load %arg6[%get3A_340] {strides = array<i32>} : memref<12544xf32, #tpu.memory_space<vmem>>, vector<16xf32>,
      %sub3A_342 = vector.broadcast %mul3A_45 : i32 to vector<16xi32>
      %sub3A_343 = arith.subi %get3A_331, %sub3A_342 : vector<16xi32>
      %ne3A_344 = arith.cmpi ne, %get3A_331, %get3A_337 : vector<16xi32>
      tpu.vector_store_idx %arg7[%sub3A_343], %get3A_341 masked %ne3A_344 : memref<50176xf32, #tpu.memory_space<vmem>>[vector<16xi32>], vector<16xf32>, vector<16xi1>
      %scan3A_345 = arith.constant 0 : i32
      %scan3A_346 = arith.constant 11 : i32
      %scan3A_347 = arith.addi %scan3A_128, %scan3A_346 : i32
      %mul3A_348 = arith.constant 16 : i32
      %mul3A_349 = arith.muli %scan3A_347, %mul3A_348 : i32
      %get3A_350 = arith.index_cast %mul3A_349 : i32 to index
      %get3A_351 = tpu.vector_load %arg5[%get3A_350] {strides = array<i32>} : memref<12560xi32, #tpu.memory_space<vmem>>, vector<16xi32>,
      %mul3A_352 = arith.constant 16 : i32
      %mul3A_353 = arith.muli %scan3A_347, %mul3A_352 : i32
      %add3A_354 = arith.constant 1 : i32
      %add3A_355 = arith.addi %mul3A_353, %add3A_354 : i32
      %get3A_356 = arith.index_cast %add3A_355 : i32 to index
      %get3A_357 = tpu.vector_load %arg5[%get3A_356] {strides = array<i32>} : memref<12560xi32, #tpu.memory_space<vmem>>, vector<16xi32>,
      %mul3A_358 = arith.constant 16 : i32
      %mul3A_359 = arith.muli %scan3A_347, %mul3A_358 : i32
      %get3A_360 = arith.index_cast %mul3A_359 : i32 to index
      %get3A_361 = tpu.vector_load %arg6[%get3A_360] {strides = array<i32>} : memref<12544xf32, #tpu.memory_space<vmem>>, vector<16xf32>,
      %sub3A_362 = vector.broadcast %mul3A_45 : i32 to vector<16xi32>
      %sub3A_363 = arith.subi %get3A_351, %sub3A_362 : vector<16xi32>
      %ne3A_364 = arith.cmpi ne, %get3A_351, %get3A_357 : vector<16xi32>
      tpu.vector_store_idx %arg7[%sub3A_363], %get3A_361 masked %ne3A_364 : memref<50176xf32, #tpu.memory_space<vmem>>[vector<16xi32>], vector<16xf32>, vector<16xi1>
      %scan3A_365 = arith.constant 0 : i32
      %scan3A_366 = arith.constant 12 : i32
      %scan3A_367 = arith.addi %scan3A_128, %scan3A_366 : i32
      %mul3A_368 = arith.constant 16 : i32
      %mul3A_369 = arith.muli %scan3A_367, %mul3A_368 : i32
      %get3A_370 = arith.index_cast %mul3A_369 : i32 to index
      %get3A_371 = tpu.vector_load %arg5[%get3A_370] {strides = array<i32>} : memref<12560xi32, #tpu.memory_space<vmem>>, vector<16xi32>,
      %mul3A_372 = arith.constant 16 : i32
      %mul3A_373 = arith.muli %scan3A_367, %mul3A_372 : i32
      %add3A_374 = arith.constant 1 : i32
      %add3A_375 = arith.addi %mul3A_373, %add3A_374 : i32
      %get3A_376 = arith.index_cast %add3A_375 : i32 to index
      %get3A_377 = tpu.vector_load %arg5[%get3A_376] {strides = array<i32>} : memref<12560xi32, #tpu.memory_space<vmem>>, vector<16xi32>,
      %mul3A_378 = arith.constant 16 : i32
      %mul3A_379 = arith.muli %scan3A_367, %mul3A_378 : i32
      %get3A_380 = arith.index_cast %mul3A_379 : i32 to index
      %get3A_381 = tpu.vector_load %arg6[%get3A_380] {strides = array<i32>} : memref<12544xf32, #tpu.memory_space<vmem>>, vector<16xf32>,
      %sub3A_382 = vector.broadcast %mul3A_45 : i32 to vector<16xi32>
      %sub3A_383 = arith.subi %get3A_371, %sub3A_382 : vector<16xi32>
      %ne3A_384 = arith.cmpi ne, %get3A_371, %get3A_377 : vector<16xi32>
      tpu.vector_store_idx %arg7[%sub3A_383], %get3A_381 masked %ne3A_384 : memref<50176xf32, #tpu.memory_space<vmem>>[vector<16xi32>], vector<16xf32>, vector<16xi1>
      %scan3A_385 = arith.constant 0 : i32
      %scan3A_386 = arith.constant 13 : i32
      %scan3A_387 = arith.addi %scan3A_128, %scan3A_386 : i32
      %mul3A_388 = arith.constant 16 : i32
      %mul3A_389 = arith.muli %scan3A_387, %mul3A_388 : i32
      %get3A_390 = arith.index_cast %mul3A_389 : i32 to index
      %get3A_391 = tpu.vector_load %arg5[%get3A_390] {strides = array<i32>} : memref<12560xi32, #tpu.memory_space<vmem>>, vector<16xi32>,
      %mul3A_392 = arith.constant 16 : i32
      %mul3A_393 = arith.muli %scan3A_387, %mul3A_392 : i32
      %add3A_394 = arith.constant 1 : i32
      %add3A_395 = arith.addi %mul3A_393, %add3A_394 : i32
      %get3A_396 = arith.index_cast %add3A_395 : i32 to index
      %get3A_397 = tpu.vector_load %arg5[%get3A_396] {strides = array<i32>} : memref<12560xi32, #tpu.memory_space<vmem>>, vector<16xi32>,
      %mul3A_398 = arith.constant 16 : i32
      %mul3A_399 = arith.muli %scan3A_387, %mul3A_398 : i32
      %get3A_400 = arith.index_cast %mul3A_399 : i32 to index
      %get3A_401 = tpu.vector_load %arg6[%get3A_400] {strides = array<i32>} : memref<12544xf32, #tpu.memory_space<vmem>>, vector<16xf32>,
      %sub3A_402 = vector.broadcast %mul3A_45 : i32 to vector<16xi32>
      %sub3A_403 = arith.subi %get3A_391, %sub3A_402 : vector<16xi32>
      %ne3A_404 = arith.cmpi ne, %get3A_391, %get3A_397 : vector<16xi32>
      tpu.vector_store_idx %arg7[%sub3A_403], %get3A_401 masked %ne3A_404 : memref<50176xf32, #tpu.memory_space<vmem>>[vector<16xi32>], vector<16xf32>, vector<16xi1>
      %scan3A_405 = arith.constant 0 : i32
      %scan3A_406 = arith.constant 14 : i32
      %scan3A_407 = arith.addi %scan3A_128, %scan3A_406 : i32
      %mul3A_408 = arith.constant 16 : i32
      %mul3A_409 = arith.muli %scan3A_407, %mul3A_408 : i32
      %get3A_410 = arith.index_cast %mul3A_409 : i32 to index
      %get3A_411 = tpu.vector_load %arg5[%get3A_410] {strides = array<i32>} : memref<12560xi32, #tpu.memory_space<vmem>>, vector<16xi32>,
      %mul3A_412 = arith.constant 16 : i32
      %mul3A_413 = arith.muli %scan3A_407, %mul3A_412 : i32
      %add3A_414 = arith.constant 1 : i32
      %add3A_415 = arith.addi %mul3A_413, %add3A_414 : i32
      %get3A_416 = arith.index_cast %add3A_415 : i32 to index
      %get3A_417 = tpu.vector_load %arg5[%get3A_416] {strides = array<i32>} : memref<12560xi32, #tpu.memory_space<vmem>>, vector<16xi32>,
      %mul3A_418 = arith.constant 16 : i32
      %mul3A_419 = arith.muli %scan3A_407, %mul3A_418 : i32
      %get3A_420 = arith.index_cast %mul3A_419 : i32 to index
      %get3A_421 = tpu.vector_load %arg6[%get3A_420] {strides = array<i32>} : memref<12544xf32, #tpu.memory_space<vmem>>, vector<16xf32>,
      %sub3A_422 = vector.broadcast %mul3A_45 : i32 to vector<16xi32>
      %sub3A_423 = arith.subi %get3A_411, %sub3A_422 : vector<16xi32>
      %ne3A_424 = arith.cmpi ne, %get3A_411, %get3A_417 : vector<16xi32>
      tpu.vector_store_idx %arg7[%sub3A_423], %get3A_421 masked %ne3A_424 : memref<50176xf32, #tpu.memory_space<vmem>>[vector<16xi32>], vector<16xf32>, vector<16xi1>
      %scan3A_425 = arith.constant 0 : i32
      %scan3A_426 = arith.constant 15 : i32
      %scan3A_427 = arith.addi %scan3A_128, %scan3A_426 : i32
      %mul3A_428 = arith.constant 16 : i32
      %mul3A_429 = arith.muli %scan3A_427, %mul3A_428 : i32
      %get3A_430 = arith.index_cast %mul3A_429 : i32 to index
      %get3A_431 = tpu.vector_load %arg5[%get3A_430] {strides = array<i32>} : memref<12560xi32, #tpu.memory_space<vmem>>, vector<16xi32>,
      %mul3A_432 = arith.constant 16 : i32
      %mul3A_433 = arith.muli %scan3A_427, %mul3A_432 : i32
      %add3A_434 = arith.constant 1 : i32
      %add3A_435 = arith.addi %mul3A_433, %add3A_434 : i32
      %get3A_436 = arith.index_cast %add3A_435 : i32 to index
      %get3A_437 = tpu.vector_load %arg5[%get3A_436] {strides = array<i32>} : memref<12560xi32, #tpu.memory_space<vmem>>, vector<16xi32>,
      %mul3A_438 = arith.constant 16 : i32
      %mul3A_439 = arith.muli %scan3A_427, %mul3A_438 : i32
      %get3A_440 = arith.index_cast %mul3A_439 : i32 to index
      %get3A_441 = tpu.vector_load %arg6[%get3A_440] {strides = array<i32>} : memref<12544xf32, #tpu.memory_space<vmem>>, vector<16xf32>,
      %sub3A_442 = vector.broadcast %mul3A_45 : i32 to vector<16xi32>
      %sub3A_443 = arith.subi %get3A_431, %sub3A_442 : vector<16xi32>
      %ne3A_444 = arith.cmpi ne, %get3A_431, %get3A_437 : vector<16xi32>
      tpu.vector_store_idx %arg7[%sub3A_443], %get3A_441 masked %ne3A_444 : memref<50176xf32, #tpu.memory_space<vmem>>[vector<16xi32>], vector<16xf32>, vector<16xi1>
      %scan3A_445 = arith.constant 0 : i32
      scf.yield %scan3A_445 : i32
    }
    %scan3A_52 = arith.constant 784 : i32
    %dma_start3A_53 = arith.constant 0 : i32
    %dma_start3A_54 = tpu.memref_slice %arg4[%add3A_34, %dma_start3A_53] : memref<1536x50176xf32, #tpu.memory_space<hbm>> -> memref<1x50176xf32, #tpu.memory_space<hbm>>
    %dma_start3A_55 = tpu.memref_squeeze %dma_start3A_54 : memref<1x50176xf32, #tpu.memory_space<hbm>> -> memref<50176xf32, #tpu.memory_space<hbm>>
    %dma_start3A_56 = arith.constant 0 : i32
    %dma_start3A_57 = tpu.memref_slice %arg4[%add3A_34, %dma_start3A_56] : memref<1536x50176xf32, #tpu.memory_space<hbm>> -> memref<1x50176xf32, #tpu.memory_space<hbm>>
    %dma_start3A_58 = tpu.memref_squeeze %dma_start3A_57 : memref<1x50176xf32, #tpu.memory_space<hbm>> -> memref<50176xf32, #tpu.memory_space<hbm>>
    tpu.enqueue_dma source(%arg7 : memref<50176xf32, #tpu.memory_space<vmem>>) target(%dma_start3A_58 : memref<50176xf32, #tpu.memory_space<hbm>>) target_semaphore(%arg9 : memref<!tpu.dma_semaphore, #tpu.memory_space<semaphore_mem>>)
    %mul3A_59 = arith.constant 48 : i32
    %mul3A_60 = arith.muli %add3A, %mul3A_59 : i32
    %add3A_61 = arith.constant 1 : i32
    %add3A_62 = arith.addi %mul3A_60, %add3A_61 : i32
    %mul3A_63 = arith.constant 12544 : i32
    %mul3A_64 = arith.muli %add3A_62, %mul3A_63 : i32
    %dma_start3A_65 = arith.constant 0 : i32
    %dma_start3A_66 = tpu.memref_slice %arg5[%dma_start3A_65] : memref<12560xi32, #tpu.memory_space<vmem>> -> memref<12544xi32, #tpu.memory_space<vmem>>
    %dma_start3A_67 = tpu.memref_slice %arg2[%mul3A_64] : memref<19267584xi32, #tpu.memory_space<hbm>> -> memref<12544xi32, #tpu.memory_space<hbm>>
    %dma_start3A_68 = arith.constant 0 : i32
    %dma_start3A_69 = tpu.memref_slice %arg5[%dma_start3A_68] : memref<12560xi32, #tpu.memory_space<vmem>> -> memref<12544xi32, #tpu.memory_space<vmem>>
    %dma_start3A_70 = tpu.memref_slice %arg2[%mul3A_64] : memref<19267584xi32, #tpu.memory_space<hbm>> -> memref<12544xi32, #tpu.memory_space<hbm>>
    tpu.enqueue_dma source(%dma_start3A_70 : memref<12544xi32, #tpu.memory_space<hbm>>) target(%dma_start3A_69 : memref<12544xi32, #tpu.memory_space<vmem>>) target_semaphore(%arg11 : memref<!tpu.dma_semaphore, #tpu.memory_space<semaphore_mem>>)
    %dma_start3A_71 = tpu.memref_slice %arg3[%mul3A_64] : memref<19267584xf32, #tpu.memory_space<hbm>> -> memref<12544xf32, #tpu.memory_space<hbm>>
    %dma_start3A_72 = tpu.memref_slice %arg3[%mul3A_64] : memref<19267584xf32, #tpu.memory_space<hbm>> -> memref<12544xf32, #tpu.memory_space<hbm>>
    tpu.enqueue_dma source(%dma_start3A_72 : memref<12544xf32, #tpu.memory_space<hbm>>) target(%arg6 : memref<12544xf32, #tpu.memory_space<vmem>>) target_semaphore(%arg11 : memref<!tpu.dma_semaphore, #tpu.memory_space<semaphore_mem>>)
    %mul3A_73 = arith.constant 48 : i32
    %mul3A_74 = arith.muli %add3A, %mul3A_73 : i32
    %add3A_75 = arith.constant 1 : i32
    %add3A_76 = arith.addi %mul3A_74, %add3A_75 : i32
    %mul3A_77 = arith.constant 12544 : i32
    %mul3A_78 = arith.muli %add3A_76, %mul3A_77 : i32
    %dma_wait3A_79 = arith.constant 0 : i32
    %dma_wait3A_80 = tpu.memref_slice %arg5[%dma_wait3A_79] : memref<12560xi32, #tpu.memory_space<vmem>> -> memref<12544xi32, #tpu.memory_space<vmem>>
    %dma_wait3A_81 = tpu.memref_slice %arg2[%mul3A_78] : memref<19267584xi32, #tpu.memory_space<hbm>> -> memref<12544xi32, #tpu.memory_space<hbm>>
    %dma_wait3A_82 = arith.constant 0 : i32
    %dma_wait3A_83 = tpu.memref_slice %arg5[%dma_wait3A_82] : memref<12560xi32, #tpu.memory_space<vmem>> -> memref<12544xi32, #tpu.memory_space<vmem>>
    %dma_wait3A_84 = tpu.memref_slice %arg2[%mul3A_78] : memref<19267584xi32, #tpu.memory_space<hbm>> -> memref<12544xi32, #tpu.memory_space<hbm>>
    tpu.wait_dma2 semaphore(%arg11 : memref<!tpu.dma_semaphore, #tpu.memory_space<semaphore_mem>>) src(%dma_wait3A_84 : memref<12544xi32, #tpu.memory_space<hbm>>) dst(%dma_wait3A_83 : memref<12544xi32, #tpu.memory_space<vmem>>)
    %dma_wait3A_85 = tpu.memref_slice %arg3[%mul3A_78] : memref<19267584xf32, #tpu.memory_space<hbm>> -> memref<12544xf32, #tpu.memory_space<hbm>>
    %dma_wait3A_86 = tpu.memref_slice %arg3[%mul3A_78] : memref<19267584xf32, #tpu.memory_space<hbm>> -> memref<12544xf32, #tpu.memory_space<hbm>>
    tpu.wait_dma2 semaphore(%arg11 : memref<!tpu.dma_semaphore, #tpu.memory_space<semaphore_mem>>) src(%dma_wait3A_86 : memref<12544xf32, #tpu.memory_space<hbm>>) dst(%arg6 : memref<12544xf32, #tpu.memory_space<vmem>>)
    %mul3A_87 = arith.constant 50176 : i32
    %mul3A_88 = arith.muli %add3A_76, %mul3A_87 : i32
    %scan3A_89 = arith.constant 0 : i32
    %scan3A_90 = arith.constant 0 : i32
    %scan3A_91 = arith.constant 784 : i32
    %scan3A_92 = arith.addi %scan3A_90, %scan3A_91 : i32
    %scan3A_93 = arith.constant 16 : i32
    %scan3A_94 = scf.for %scan3A_128 = %scan3A_90 to %scan3A_92 step %scan3A_93 iter_args(%scan3A_129 = %scan3A_89) -> (i32)  : i32 {
      %mul3A_130 = arith.constant 16 : i32
      %mul3A_131 = arith.muli %scan3A_128, %mul3A_130 : i32
      %get3A = arith.index_cast %mul3A_131 : i32 to index
      %get3A_132 = tpu.vector_load %arg5[%get3A] {strides = array<i32>} : memref<12560xi32, #tpu.memory_space<vmem>>, vector<16xi32>,
      %mul3A_133 = arith.constant 16 : i32
      %mul3A_134 = arith.muli %scan3A_128, %mul3A_133 : i32
      %add3A_135 = arith.constant 1 : i32
      %add3A_136 = arith.addi %mul3A_134, %add3A_135 : i32
      %get3A_137 = arith.index_cast %add3A_136 : i32 to index
      %get3A_138 = tpu.vector_load %arg5[%get3A_137] {strides = array<i32>} : memref<12560xi32, #tpu.memory_space<vmem>>, vector<16xi32>,
      %mul3A_139 = arith.constant 16 : i32
      %mul3A_140 = arith.muli %scan3A_128, %mul3A_139 : i32
      %get3A_141 = arith.index_cast %mul3A_140 : i32 to index
      %get3A_142 = tpu.vector_load %arg6[%get3A_141] {strides = array<i32>} : memref<12544xf32, #tpu.memory_space<vmem>>, vector<16xf32>,
      %sub3A_143 = vector.broadcast %mul3A_88 : i32 to vector<16xi32>
      %sub3A_144 = arith.subi %get3A_132, %sub3A_143 : vector<16xi32>
      %ne3A = arith.cmpi ne, %get3A_132, %get3A_138 : vector<16xi32>
      tpu.vector_store_idx %arg8[%sub3A_144], %get3A_142 masked %ne3A : memref<50176xf32, #tpu.memory_space<vmem>>[vector<16xi32>], vector<16xf32>, vector<16xi1>
      %scan3A_145 = arith.constant 0 : i32
      %scan3A_146 = arith.constant 1 : i32
      %scan3A_147 = arith.addi %scan3A_128, %scan3A_146 : i32
      %mul3A_148 = arith.constant 16 : i32
      %mul3A_149 = arith.muli %scan3A_147, %mul3A_148 : i32
      %get3A_150 = arith.index_cast %mul3A_149 : i32 to index
      %get3A_151 = tpu.vector_load %arg5[%get3A_150] {strides = array<i32>} : memref<12560xi32, #tpu.memory_space<vmem>>, vector<16xi32>,
      %mul3A_152 = arith.constant 16 : i32
      %mul3A_153 = arith.muli %scan3A_147, %mul3A_152 : i32
      %add3A_154 = arith.constant 1 : i32
      %add3A_155 = arith.addi %mul3A_153, %add3A_154 : i32
      %get3A_156 = arith.index_cast %add3A_155 : i32 to index
      %get3A_157 = tpu.vector_load %arg5[%get3A_156] {strides = array<i32>} : memref<12560xi32, #tpu.memory_space<vmem>>, vector<16xi32>,
      %mul3A_158 = arith.constant 16 : i32
      %mul3A_159 = arith.muli %scan3A_147, %mul3A_158 : i32
      %get3A_160 = arith.index_cast %mul3A_159 : i32 to index
      %get3A_161 = tpu.vector_load %arg6[%get3A_160] {strides = array<i32>} : memref<12544xf32, #tpu.memory_space<vmem>>, vector<16xf32>,
      %sub3A_162 = vector.broadcast %mul3A_88 : i32 to vector<16xi32>
      %sub3A_163 = arith.subi %get3A_151, %sub3A_162 : vector<16xi32>
      %ne3A_164 = arith.cmpi ne, %get3A_151, %get3A_157 : vector<16xi32>
      tpu.vector_store_idx %arg8[%sub3A_163], %get3A_161 masked %ne3A_164 : memref<50176xf32, #tpu.memory_space<vmem>>[vector<16xi32>], vector<16xf32>, vector<16xi1>
      %scan3A_165 = arith.constant 0 : i32
      %scan3A_166 = arith.constant 2 : i32
      %scan3A_167 = arith.addi %scan3A_128, %scan3A_166 : i32
      %mul3A_168 = arith.constant 16 : i32
      %mul3A_169 = arith.muli %scan3A_167, %mul3A_168 : i32
      %get3A_170 = arith.index_cast %mul3A_169 : i32 to index
      %get3A_171 = tpu.vector_load %arg5[%get3A_170] {strides = array<i32>} : memref<12560xi32, #tpu.memory_space<vmem>>, vector<16xi32>,
      %mul3A_172 = arith.constant 16 : i32
      %mul3A_173 = arith.muli %scan3A_167, %mul3A_172 : i32
      %add3A_174 = arith.constant 1 : i32
      %add3A_175 = arith.addi %mul3A_173, %add3A_174 : i32
      %get3A_176 = arith.index_cast %add3A_175 : i32 to index
      %get3A_177 = tpu.vector_load %arg5[%get3A_176] {strides = array<i32>} : memref<12560xi32, #tpu.memory_space<vmem>>, vector<16xi32>,
      %mul3A_178 = arith.constant 16 : i32
      %mul3A_179 = arith.muli %scan3A_167, %mul3A_178 : i32
      %get3A_180 = arith.index_cast %mul3A_179 : i32 to index
      %get3A_181 = tpu.vector_load %arg6[%get3A_180] {strides = array<i32>} : memref<12544xf32, #tpu.memory_space<vmem>>, vector<16xf32>,
      %sub3A_182 = vector.broadcast %mul3A_88 : i32 to vector<16xi32>
      %sub3A_183 = arith.subi %get3A_171, %sub3A_182 : vector<16xi32>
      %ne3A_184 = arith.cmpi ne, %get3A_171, %get3A_177 : vector<16xi32>
      tpu.vector_store_idx %arg8[%sub3A_183], %get3A_181 masked %ne3A_184 : memref<50176xf32, #tpu.memory_space<vmem>>[vector<16xi32>], vector<16xf32>, vector<16xi1>
      %scan3A_185 = arith.constant 0 : i32
      %scan3A_186 = arith.constant 3 : i32
      %scan3A_187 = arith.addi %scan3A_128, %scan3A_186 : i32
      %mul3A_188 = arith.constant 16 : i32
      %mul3A_189 = arith.muli %scan3A_187, %mul3A_188 : i32
      %get3A_190 = arith.index_cast %mul3A_189 : i32 to index
      %get3A_191 = tpu.vector_load %arg5[%get3A_190] {strides = array<i32>} : memref<12560xi32, #tpu.memory_space<vmem>>, vector<16xi32>,
      %mul3A_192 = arith.constant 16 : i32
      %mul3A_193 = arith.muli %scan3A_187, %mul3A_192 : i32
      %add3A_194 = arith.constant 1 : i32
      %add3A_195 = arith.addi %mul3A_193, %add3A_194 : i32
      %get3A_196 = arith.index_cast %add3A_195 : i32 to index
      %get3A_197 = tpu.vector_load %arg5[%get3A_196] {strides = array<i32>} : memref<12560xi32, #tpu.memory_space<vmem>>, vector<16xi32>,
      %mul3A_198 = arith.constant 16 : i32
      %mul3A_199 = arith.muli %scan3A_187, %mul3A_198 : i32
      %get3A_200 = arith.index_cast %mul3A_199 : i32 to index
      %get3A_201 = tpu.vector_load %arg6[%get3A_200] {strides = array<i32>} : memref<12544xf32, #tpu.memory_space<vmem>>, vector<16xf32>,
      %sub3A_202 = vector.broadcast %mul3A_88 : i32 to vector<16xi32>
      %sub3A_203 = arith.subi %get3A_191, %sub3A_202 : vector<16xi32>
      %ne3A_204 = arith.cmpi ne, %get3A_191, %get3A_197 : vector<16xi32>
      tpu.vector_store_idx %arg8[%sub3A_203], %get3A_201 masked %ne3A_204 : memref<50176xf32, #tpu.memory_space<vmem>>[vector<16xi32>], vector<16xf32>, vector<16xi1>
      %scan3A_205 = arith.constant 0 : i32
      %scan3A_206 = arith.constant 4 : i32
      %scan3A_207 = arith.addi %scan3A_128, %scan3A_206 : i32
      %mul3A_208 = arith.constant 16 : i32
      %mul3A_209 = arith.muli %scan3A_207, %mul3A_208 : i32
      %get3A_210 = arith.index_cast %mul3A_209 : i32 to index
      %get3A_211 = tpu.vector_load %arg5[%get3A_210] {strides = array<i32>} : memref<12560xi32, #tpu.memory_space<vmem>>, vector<16xi32>,
      %mul3A_212 = arith.constant 16 : i32
      %mul3A_213 = arith.muli %scan3A_207, %mul3A_212 : i32
      %add3A_214 = arith.constant 1 : i32
      %add3A_215 = arith.addi %mul3A_213, %add3A_214 : i32
      %get3A_216 = arith.index_cast %add3A_215 : i32 to index
      %get3A_217 = tpu.vector_load %arg5[%get3A_216] {strides = array<i32>} : memref<12560xi32, #tpu.memory_space<vmem>>, vector<16xi32>,
      %mul3A_218 = arith.constant 16 : i32
      %mul3A_219 = arith.muli %scan3A_207, %mul3A_218 : i32
      %get3A_220 = arith.index_cast %mul3A_219 : i32 to index
      %get3A_221 = tpu.vector_load %arg6[%get3A_220] {strides = array<i32>} : memref<12544xf32, #tpu.memory_space<vmem>>, vector<16xf32>,
      %sub3A_222 = vector.broadcast %mul3A_88 : i32 to vector<16xi32>
      %sub3A_223 = arith.subi %get3A_211, %sub3A_222 : vector<16xi32>
      %ne3A_224 = arith.cmpi ne, %get3A_211, %get3A_217 : vector<16xi32>
      tpu.vector_store_idx %arg8[%sub3A_223], %get3A_221 masked %ne3A_224 : memref<50176xf32, #tpu.memory_space<vmem>>[vector<16xi32>], vector<16xf32>, vector<16xi1>
      %scan3A_225 = arith.constant 0 : i32
      %scan3A_226 = arith.constant 5 : i32
      %scan3A_227 = arith.addi %scan3A_128, %scan3A_226 : i32
      %mul3A_228 = arith.constant 16 : i32
      %mul3A_229 = arith.muli %scan3A_227, %mul3A_228 : i32
      %get3A_230 = arith.index_cast %mul3A_229 : i32 to index
      %get3A_231 = tpu.vector_load %arg5[%get3A_230] {strides = array<i32>} : memref<12560xi32, #tpu.memory_space<vmem>>, vector<16xi32>,
      %mul3A_232 = arith.constant 16 : i32
      %mul3A_233 = arith.muli %scan3A_227, %mul3A_232 : i32
      %add3A_234 = arith.constant 1 : i32
      %add3A_235 = arith.addi %mul3A_233, %add3A_234 : i32
      %get3A_236 = arith.index_cast %add3A_235 : i32 to index
      %get3A_237 = tpu.vector_load %arg5[%get3A_236] {strides = array<i32>} : memref<12560xi32, #tpu.memory_space<vmem>>, vector<16xi32>,
      %mul3A_238 = arith.constant 16 : i32
      %mul3A_239 = arith.muli %scan3A_227, %mul3A_238 : i32
      %get3A_240 = arith.index_cast %mul3A_239 : i32 to index
      %get3A_241 = tpu.vector_load %arg6[%get3A_240] {strides = array<i32>} : memref<12544xf32, #tpu.memory_space<vmem>>, vector<16xf32>,
      %sub3A_242 = vector.broadcast %mul3A_88 : i32 to vector<16xi32>
      %sub3A_243 = arith.subi %get3A_231, %sub3A_242 : vector<16xi32>
      %ne3A_244 = arith.cmpi ne, %get3A_231, %get3A_237 : vector<16xi32>
      tpu.vector_store_idx %arg8[%sub3A_243], %get3A_241 masked %ne3A_244 : memref<50176xf32, #tpu.memory_space<vmem>>[vector<16xi32>], vector<16xf32>, vector<16xi1>
      %scan3A_245 = arith.constant 0 : i32
      %scan3A_246 = arith.constant 6 : i32
      %scan3A_247 = arith.addi %scan3A_128, %scan3A_246 : i32
      %mul3A_248 = arith.constant 16 : i32
      %mul3A_249 = arith.muli %scan3A_247, %mul3A_248 : i32
      %get3A_250 = arith.index_cast %mul3A_249 : i32 to index
      %get3A_251 = tpu.vector_load %arg5[%get3A_250] {strides = array<i32>} : memref<12560xi32, #tpu.memory_space<vmem>>, vector<16xi32>,
      %mul3A_252 = arith.constant 16 : i32
      %mul3A_253 = arith.muli %scan3A_247, %mul3A_252 : i32
      %add3A_254 = arith.constant 1 : i32
      %add3A_255 = arith.addi %mul3A_253, %add3A_254 : i32
      %get3A_256 = arith.index_cast %add3A_255 : i32 to index
      %get3A_257 = tpu.vector_load %arg5[%get3A_256] {strides = array<i32>} : memref<12560xi32, #tpu.memory_space<vmem>>, vector<16xi32>,
      %mul3A_258 = arith.constant 16 : i32
      %mul3A_259 = arith.muli %scan3A_247, %mul3A_258 : i32
      %get3A_260 = arith.index_cast %mul3A_259 : i32 to index
      %get3A_261 = tpu.vector_load %arg6[%get3A_260] {strides = array<i32>} : memref<12544xf32, #tpu.memory_space<vmem>>, vector<16xf32>,
      %sub3A_262 = vector.broadcast %mul3A_88 : i32 to vector<16xi32>
      %sub3A_263 = arith.subi %get3A_251, %sub3A_262 : vector<16xi32>
      %ne3A_264 = arith.cmpi ne, %get3A_251, %get3A_257 : vector<16xi32>
      tpu.vector_store_idx %arg8[%sub3A_263], %get3A_261 masked %ne3A_264 : memref<50176xf32, #tpu.memory_space<vmem>>[vector<16xi32>], vector<16xf32>, vector<16xi1>
      %scan3A_265 = arith.constant 0 : i32
      %scan3A_266 = arith.constant 7 : i32
      %scan3A_267 = arith.addi %scan3A_128, %scan3A_266 : i32
      %mul3A_268 = arith.constant 16 : i32
      %mul3A_269 = arith.muli %scan3A_267, %mul3A_268 : i32
      %get3A_270 = arith.index_cast %mul3A_269 : i32 to index
      %get3A_271 = tpu.vector_load %arg5[%get3A_270] {strides = array<i32>} : memref<12560xi32, #tpu.memory_space<vmem>>, vector<16xi32>,
      %mul3A_272 = arith.constant 16 : i32
      %mul3A_273 = arith.muli %scan3A_267, %mul3A_272 : i32
      %add3A_274 = arith.constant 1 : i32
      %add3A_275 = arith.addi %mul3A_273, %add3A_274 : i32
      %get3A_276 = arith.index_cast %add3A_275 : i32 to index
      %get3A_277 = tpu.vector_load %arg5[%get3A_276] {strides = array<i32>} : memref<12560xi32, #tpu.memory_space<vmem>>, vector<16xi32>,
      %mul3A_278 = arith.constant 16 : i32
      %mul3A_279 = arith.muli %scan3A_267, %mul3A_278 : i32
      %get3A_280 = arith.index_cast %mul3A_279 : i32 to index
      %get3A_281 = tpu.vector_load %arg6[%get3A_280] {strides = array<i32>} : memref<12544xf32, #tpu.memory_space<vmem>>, vector<16xf32>,
      %sub3A_282 = vector.broadcast %mul3A_88 : i32 to vector<16xi32>
      %sub3A_283 = arith.subi %get3A_271, %sub3A_282 : vector<16xi32>
      %ne3A_284 = arith.cmpi ne, %get3A_271, %get3A_277 : vector<16xi32>
      tpu.vector_store_idx %arg8[%sub3A_283], %get3A_281 masked %ne3A_284 : memref<50176xf32, #tpu.memory_space<vmem>>[vector<16xi32>], vector<16xf32>, vector<16xi1>
      %scan3A_285 = arith.constant 0 : i32
      %scan3A_286 = arith.constant 8 : i32
      %scan3A_287 = arith.addi %scan3A_128, %scan3A_286 : i32
      %mul3A_288 = arith.constant 16 : i32
      %mul3A_289 = arith.muli %scan3A_287, %mul3A_288 : i32
      %get3A_290 = arith.index_cast %mul3A_289 : i32 to index
      %get3A_291 = tpu.vector_load %arg5[%get3A_290] {strides = array<i32>} : memref<12560xi32, #tpu.memory_space<vmem>>, vector<16xi32>,
      %mul3A_292 = arith.constant 16 : i32
      %mul3A_293 = arith.muli %scan3A_287, %mul3A_292 : i32
      %add3A_294 = arith.constant 1 : i32
      %add3A_295 = arith.addi %mul3A_293, %add3A_294 : i32
      %get3A_296 = arith.index_cast %add3A_295 : i32 to index
      %get3A_297 = tpu.vector_load %arg5[%get3A_296] {strides = array<i32>} : memref<12560xi32, #tpu.memory_space<vmem>>, vector<16xi32>,
      %mul3A_298 = arith.constant 16 : i32
      %mul3A_299 = arith.muli %scan3A_287, %mul3A_298 : i32
      %get3A_300 = arith.index_cast %mul3A_299 : i32 to index
      %get3A_301 = tpu.vector_load %arg6[%get3A_300] {strides = array<i32>} : memref<12544xf32, #tpu.memory_space<vmem>>, vector<16xf32>,
      %sub3A_302 = vector.broadcast %mul3A_88 : i32 to vector<16xi32>
      %sub3A_303 = arith.subi %get3A_291, %sub3A_302 : vector<16xi32>
      %ne3A_304 = arith.cmpi ne, %get3A_291, %get3A_297 : vector<16xi32>
      tpu.vector_store_idx %arg8[%sub3A_303], %get3A_301 masked %ne3A_304 : memref<50176xf32, #tpu.memory_space<vmem>>[vector<16xi32>], vector<16xf32>, vector<16xi1>
      %scan3A_305 = arith.constant 0 : i32
      %scan3A_306 = arith.constant 9 : i32
      %scan3A_307 = arith.addi %scan3A_128, %scan3A_306 : i32
      %mul3A_308 = arith.constant 16 : i32
      %mul3A_309 = arith.muli %scan3A_307, %mul3A_308 : i32
      %get3A_310 = arith.index_cast %mul3A_309 : i32 to index
      %get3A_311 = tpu.vector_load %arg5[%get3A_310] {strides = array<i32>} : memref<12560xi32, #tpu.memory_space<vmem>>, vector<16xi32>,
      %mul3A_312 = arith.constant 16 : i32
      %mul3A_313 = arith.muli %scan3A_307, %mul3A_312 : i32
      %add3A_314 = arith.constant 1 : i32
      %add3A_315 = arith.addi %mul3A_313, %add3A_314 : i32
      %get3A_316 = arith.index_cast %add3A_315 : i32 to index
      %get3A_317 = tpu.vector_load %arg5[%get3A_316] {strides = array<i32>} : memref<12560xi32, #tpu.memory_space<vmem>>, vector<16xi32>,
      %mul3A_318 = arith.constant 16 : i32
      %mul3A_319 = arith.muli %scan3A_307, %mul3A_318 : i32
      %get3A_320 = arith.index_cast %mul3A_319 : i32 to index
      %get3A_321 = tpu.vector_load %arg6[%get3A_320] {strides = array<i32>} : memref<12544xf32, #tpu.memory_space<vmem>>, vector<16xf32>,
      %sub3A_322 = vector.broadcast %mul3A_88 : i32 to vector<16xi32>
      %sub3A_323 = arith.subi %get3A_311, %sub3A_322 : vector<16xi32>
      %ne3A_324 = arith.cmpi ne, %get3A_311, %get3A_317 : vector<16xi32>
      tpu.vector_store_idx %arg8[%sub3A_323], %get3A_321 masked %ne3A_324 : memref<50176xf32, #tpu.memory_space<vmem>>[vector<16xi32>], vector<16xf32>, vector<16xi1>
      %scan3A_325 = arith.constant 0 : i32
      %scan3A_326 = arith.constant 10 : i32
      %scan3A_327 = arith.addi %scan3A_128, %scan3A_326 : i32
      %mul3A_328 = arith.constant 16 : i32
      %mul3A_329 = arith.muli %scan3A_327, %mul3A_328 : i32
      %get3A_330 = arith.index_cast %mul3A_329 : i32 to index
      %get3A_331 = tpu.vector_load %arg5[%get3A_330] {strides = array<i32>} : memref<12560xi32, #tpu.memory_space<vmem>>, vector<16xi32>,
      %mul3A_332 = arith.constant 16 : i32
      %mul3A_333 = arith.muli %scan3A_327, %mul3A_332 : i32
      %add3A_334 = arith.constant 1 : i32
      %add3A_335 = arith.addi %mul3A_333, %add3A_334 : i32
      %get3A_336 = arith.index_cast %add3A_335 : i32 to index
      %get3A_337 = tpu.vector_load %arg5[%get3A_336] {strides = array<i32>} : memref<12560xi32, #tpu.memory_space<vmem>>, vector<16xi32>,
      %mul3A_338 = arith.constant 16 : i32
      %mul3A_339 = arith.muli %scan3A_327, %mul3A_338 : i32
      %get3A_340 = arith.index_cast %mul3A_339 : i32 to index
      %get3A_341 = tpu.vector_load %arg6[%get3A_340] {strides = array<i32>} : memref<12544xf32, #tpu.memory_space<vmem>>, vector<16xf32>,
      %sub3A_342 = vector.broadcast %mul3A_88 : i32 to vector<16xi32>
      %sub3A_343 = arith.subi %get3A_331, %sub3A_342 : vector<16xi32>
      %ne3A_344 = arith.cmpi ne, %get3A_331, %get3A_337 : vector<16xi32>
      tpu.vector_store_idx %arg8[%sub3A_343], %get3A_341 masked %ne3A_344 : memref<50176xf32, #tpu.memory_space<vmem>>[vector<16xi32>], vector<16xf32>, vector<16xi1>
      %scan3A_345 = arith.constant 0 : i32
      %scan3A_346 = arith.constant 11 : i32
      %scan3A_347 = arith.addi %scan3A_128, %scan3A_346 : i32
      %mul3A_348 = arith.constant 16 : i32
      %mul3A_349 = arith.muli %scan3A_347, %mul3A_348 : i32
      %get3A_350 = arith.index_cast %mul3A_349 : i32 to index
      %get3A_351 = tpu.vector_load %arg5[%get3A_350] {strides = array<i32>} : memref<12560xi32, #tpu.memory_space<vmem>>, vector<16xi32>,
      %mul3A_352 = arith.constant 16 : i32
      %mul3A_353 = arith.muli %scan3A_347, %mul3A_352 : i32
      %add3A_354 = arith.constant 1 : i32
      %add3A_355 = arith.addi %mul3A_353, %add3A_354 : i32
      %get3A_356 = arith.index_cast %add3A_355 : i32 to index
      %get3A_357 = tpu.vector_load %arg5[%get3A_356] {strides = array<i32>} : memref<12560xi32, #tpu.memory_space<vmem>>, vector<16xi32>,
      %mul3A_358 = arith.constant 16 : i32
      %mul3A_359 = arith.muli %scan3A_347, %mul3A_358 : i32
      %get3A_360 = arith.index_cast %mul3A_359 : i32 to index
      %get3A_361 = tpu.vector_load %arg6[%get3A_360] {strides = array<i32>} : memref<12544xf32, #tpu.memory_space<vmem>>, vector<16xf32>,
      %sub3A_362 = vector.broadcast %mul3A_88 : i32 to vector<16xi32>
      %sub3A_363 = arith.subi %get3A_351, %sub3A_362 : vector<16xi32>
      %ne3A_364 = arith.cmpi ne, %get3A_351, %get3A_357 : vector<16xi32>
      tpu.vector_store_idx %arg8[%sub3A_363], %get3A_361 masked %ne3A_364 : memref<50176xf32, #tpu.memory_space<vmem>>[vector<16xi32>], vector<16xf32>, vector<16xi1>
      %scan3A_365 = arith.constant 0 : i32
      %scan3A_366 = arith.constant 12 : i32
      %scan3A_367 = arith.addi %scan3A_128, %scan3A_366 : i32
      %mul3A_368 = arith.constant 16 : i32
      %mul3A_369 = arith.muli %scan3A_367, %mul3A_368 : i32
      %get3A_370 = arith.index_cast %mul3A_369 : i32 to index
      %get3A_371 = tpu.vector_load %arg5[%get3A_370] {strides = array<i32>} : memref<12560xi32, #tpu.memory_space<vmem>>, vector<16xi32>,
      %mul3A_372 = arith.constant 16 : i32
      %mul3A_373 = arith.muli %scan3A_367, %mul3A_372 : i32
      %add3A_374 = arith.constant 1 : i32
      %add3A_375 = arith.addi %mul3A_373, %add3A_374 : i32
      %get3A_376 = arith.index_cast %add3A_375 : i32 to index
      %get3A_377 = tpu.vector_load %arg5[%get3A_376] {strides = array<i32>} : memref<12560xi32, #tpu.memory_space<vmem>>, vector<16xi32>,
      %mul3A_378 = arith.constant 16 : i32
      %mul3A_379 = arith.muli %scan3A_367, %mul3A_378 : i32
      %get3A_380 = arith.index_cast %mul3A_379 : i32 to index
      %get3A_381 = tpu.vector_load %arg6[%get3A_380] {strides = array<i32>} : memref<12544xf32, #tpu.memory_space<vmem>>, vector<16xf32>,
      %sub3A_382 = vector.broadcast %mul3A_88 : i32 to vector<16xi32>
      %sub3A_383 = arith.subi %get3A_371, %sub3A_382 : vector<16xi32>
      %ne3A_384 = arith.cmpi ne, %get3A_371, %get3A_377 : vector<16xi32>
      tpu.vector_store_idx %arg8[%sub3A_383], %get3A_381 masked %ne3A_384 : memref<50176xf32, #tpu.memory_space<vmem>>[vector<16xi32>], vector<16xf32>, vector<16xi1>
      %scan3A_385 = arith.constant 0 : i32
      %scan3A_386 = arith.constant 13 : i32
      %scan3A_387 = arith.addi %scan3A_128, %scan3A_386 : i32
      %mul3A_388 = arith.constant 16 : i32
      %mul3A_389 = arith.muli %scan3A_387, %mul3A_388 : i32
      %get3A_390 = arith.index_cast %mul3A_389 : i32 to index
      %get3A_391 = tpu.vector_load %arg5[%get3A_390] {strides = array<i32>} : memref<12560xi32, #tpu.memory_space<vmem>>, vector<16xi32>,
      %mul3A_392 = arith.constant 16 : i32
      %mul3A_393 = arith.muli %scan3A_387, %mul3A_392 : i32
      %add3A_394 = arith.constant 1 : i32
      %add3A_395 = arith.addi %mul3A_393, %add3A_394 : i32
      %get3A_396 = arith.index_cast %add3A_395 : i32 to index
      %get3A_397 = tpu.vector_load %arg5[%get3A_396] {strides = array<i32>} : memref<12560xi32, #tpu.memory_space<vmem>>, vector<16xi32>,
      %mul3A_398 = arith.constant 16 : i32
      %mul3A_399 = arith.muli %scan3A_387, %mul3A_398 : i32
      %get3A_400 = arith.index_cast %mul3A_399 : i32 to index
      %get3A_401 = tpu.vector_load %arg6[%get3A_400] {strides = array<i32>} : memref<12544xf32, #tpu.memory_space<vmem>>, vector<16xf32>,
      %sub3A_402 = vector.broadcast %mul3A_88 : i32 to vector<16xi32>
      %sub3A_403 = arith.subi %get3A_391, %sub3A_402 : vector<16xi32>
      %ne3A_404 = arith.cmpi ne, %get3A_391, %get3A_397 : vector<16xi32>
      tpu.vector_store_idx %arg8[%sub3A_403], %get3A_401 masked %ne3A_404 : memref<50176xf32, #tpu.memory_space<vmem>>[vector<16xi32>], vector<16xf32>, vector<16xi1>
      %scan3A_405 = arith.constant 0 : i32
      %scan3A_406 = arith.constant 14 : i32
      %scan3A_407 = arith.addi %scan3A_128, %scan3A_406 : i32
      %mul3A_408 = arith.constant 16 : i32
      %mul3A_409 = arith.muli %scan3A_407, %mul3A_408 : i32
      %get3A_410 = arith.index_cast %mul3A_409 : i32 to index
      %get3A_411 = tpu.vector_load %arg5[%get3A_410] {strides = array<i32>} : memref<12560xi32, #tpu.memory_space<vmem>>, vector<16xi32>,
      %mul3A_412 = arith.constant 16 : i32
      %mul3A_413 = arith.muli %scan3A_407, %mul3A_412 : i32
      %add3A_414 = arith.constant 1 : i32
      %add3A_415 = arith.addi %mul3A_413, %add3A_414 : i32
      %get3A_416 = arith.index_cast %add3A_415 : i32 to index
      %get3A_417 = tpu.vector_load %arg5[%get3A_416] {strides = array<i32>} : memref<12560xi32, #tpu.memory_space<vmem>>, vector<16xi32>,
      %mul3A_418 = arith.constant 16 : i32
      %mul3A_419 = arith.muli %scan3A_407, %mul3A_418 : i32
      %get3A_420 = arith.index_cast %mul3A_419 : i32 to index
      %get3A_421 = tpu.vector_load %arg6[%get3A_420] {strides = array<i32>} : memref<12544xf32, #tpu.memory_space<vmem>>, vector<16xf32>,
      %sub3A_422 = vector.broadcast %mul3A_88 : i32 to vector<16xi32>
      %sub3A_423 = arith.subi %get3A_411, %sub3A_422 : vector<16xi32>
      %ne3A_424 = arith.cmpi ne, %get3A_411, %get3A_417 : vector<16xi32>
      tpu.vector_store_idx %arg8[%sub3A_423], %get3A_421 masked %ne3A_424 : memref<50176xf32, #tpu.memory_space<vmem>>[vector<16xi32>], vector<16xf32>, vector<16xi1>
      %scan3A_425 = arith.constant 0 : i32
      %scan3A_426 = arith.constant 15 : i32
      %scan3A_427 = arith.addi %scan3A_128, %scan3A_426 : i32
      %mul3A_428 = arith.constant 16 : i32
      %mul3A_429 = arith.muli %scan3A_427, %mul3A_428 : i32
      %get3A_430 = arith.index_cast %mul3A_429 : i32 to index
      %get3A_431 = tpu.vector_load %arg5[%get3A_430] {strides = array<i32>} : memref<12560xi32, #tpu.memory_space<vmem>>, vector<16xi32>,
      %mul3A_432 = arith.constant 16 : i32
      %mul3A_433 = arith.muli %scan3A_427, %mul3A_432 : i32
      %add3A_434 = arith.constant 1 : i32
      %add3A_435 = arith.addi %mul3A_433, %add3A_434 : i32
      %get3A_436 = arith.index_cast %add3A_435 : i32 to index
      %get3A_437 = tpu.vector_load %arg5[%get3A_436] {strides = array<i32>} : memref<12560xi32, #tpu.memory_space<vmem>>, vector<16xi32>,
      %mul3A_438 = arith.constant 16 : i32
      %mul3A_439 = arith.muli %scan3A_427, %mul3A_438 : i32
      %get3A_440 = arith.index_cast %mul3A_439 : i32 to index
      %get3A_441 = tpu.vector_load %arg6[%get3A_440] {strides = array<i32>} : memref<12544xf32, #tpu.memory_space<vmem>>, vector<16xf32>,
      %sub3A_442 = vector.broadcast %mul3A_88 : i32 to vector<16xi32>
      %sub3A_443 = arith.subi %get3A_431, %sub3A_442 : vector<16xi32>
      %ne3A_444 = arith.cmpi ne, %get3A_431, %get3A_437 : vector<16xi32>
      tpu.vector_store_idx %arg8[%sub3A_443], %get3A_441 masked %ne3A_444 : memref<50176xf32, #tpu.memory_space<vmem>>[vector<16xi32>], vector<16xf32>, vector<16xi1>
      %scan3A_445 = arith.constant 0 : i32
      scf.yield %scan3A_445 : i32
    }
    %scan3A_95 = arith.constant 784 : i32
    %dma_start3A_96 = arith.constant 0 : i32
    %dma_start3A_97 = tpu.memref_slice %arg4[%add3A_76, %dma_start3A_96] : memref<1536x50176xf32, #tpu.memory_space<hbm>> -> memref<1x50176xf32, #tpu.memory_space<hbm>>
    %dma_start3A_98 = tpu.memref_squeeze %dma_start3A_97 : memref<1x50176xf32, #tpu.memory_space<hbm>> -> memref<50176xf32, #tpu.memory_space<hbm>>
    %dma_start3A_99 = arith.constant 0 : i32
    %dma_start3A_100 = tpu.memref_slice %arg4[%add3A_76, %dma_start3A_99] : memref<1536x50176xf32, #tpu.memory_space<hbm>> -> memref<1x50176xf32, #tpu.memory_space<hbm>>
    %dma_start3A_101 = tpu.memref_squeeze %dma_start3A_100 : memref<1x50176xf32, #tpu.memory_space<hbm>> -> memref<50176xf32, #tpu.memory_space<hbm>>
    tpu.enqueue_dma source(%arg8 : memref<50176xf32, #tpu.memory_space<vmem>>) target(%dma_start3A_101 : memref<50176xf32, #tpu.memory_space<hbm>>) target_semaphore(%arg10 : memref<!tpu.dma_semaphore, #tpu.memory_space<semaphore_mem>>)
    %scan3A_102 = arith.constant 0 : i32
    %scan3A_103 = arith.constant 1 : i32
    %scan3A_104 = arith.constant 23 : i32
    %scan3A_105 = arith.addi %scan3A_103, %scan3A_104 : i32
    %scan3A_106 = arith.constant 1 : i32
    %scan3A_107 = scf.for %scan3A_128 = %scan3A_103 to %scan3A_105 step %scan3A_106 iter_args(%scan3A_129 = %scan3A_102) -> (i32)  : i32 {
      %mul3A_130 = arith.constant 2 : i32
      %mul3A_131 = arith.muli %mul3A_130, %scan3A_128 : i32
      %mul3A_132 = arith.constant 48 : i32
      %mul3A_133 = arith.muli %add3A, %mul3A_132 : i32
      %add3A_134 = arith.addi %mul3A_133, %mul3A_131 : i32
      %mul3A_135 = arith.constant 48 : i32
      %mul3A_136 = arith.muli %add3A, %mul3A_135 : i32
      %add3A_137 = arith.addi %mul3A_136, %mul3A_131 : i32
      %mul3A_138 = arith.constant 12544 : i32
      %mul3A_139 = arith.muli %add3A_137, %mul3A_138 : i32
      %dma_start3A_140 = arith.constant 0 : i32
      %dma_start3A_141 = tpu.memref_slice %arg5[%dma_start3A_140] : memref<12560xi32, #tpu.memory_space<vmem>> -> memref<12544xi32, #tpu.memory_space<vmem>>
      %dma_start3A_142 = tpu.memref_slice %arg2[%mul3A_139] : memref<19267584xi32, #tpu.memory_space<hbm>> -> memref<12544xi32, #tpu.memory_space<hbm>>
      %dma_start3A_143 = arith.constant 0 : i32
      %dma_start3A_144 = tpu.memref_slice %arg5[%dma_start3A_143] : memref<12560xi32, #tpu.memory_space<vmem>> -> memref<12544xi32, #tpu.memory_space<vmem>>
      %dma_start3A_145 = tpu.memref_slice %arg2[%mul3A_139] : memref<19267584xi32, #tpu.memory_space<hbm>> -> memref<12544xi32, #tpu.memory_space<hbm>>
      tpu.enqueue_dma source(%dma_start3A_145 : memref<12544xi32, #tpu.memory_space<hbm>>) target(%dma_start3A_144 : memref<12544xi32, #tpu.memory_space<vmem>>) target_semaphore(%arg11 : memref<!tpu.dma_semaphore, #tpu.memory_space<semaphore_mem>>)
      %dma_start3A_146 = tpu.memref_slice %arg3[%mul3A_139] : memref<19267584xf32, #tpu.memory_space<hbm>> -> memref<12544xf32, #tpu.memory_space<hbm>>
      %dma_start3A_147 = tpu.memref_slice %arg3[%mul3A_139] : memref<19267584xf32, #tpu.memory_space<hbm>> -> memref<12544xf32, #tpu.memory_space<hbm>>
      tpu.enqueue_dma source(%dma_start3A_147 : memref<12544xf32, #tpu.memory_space<hbm>>) target(%arg6 : memref<12544xf32, #tpu.memory_space<vmem>>) target_semaphore(%arg11 : memref<!tpu.dma_semaphore, #tpu.memory_space<semaphore_mem>>)
      %sub3A_148 = arith.constant 2 : i32
      %sub3A_149 = arith.subi %add3A_134, %sub3A_148 : i32
      %dma_wait3A_150 = arith.constant 0 : i32
      %dma_wait3A_151 = tpu.memref_slice %arg4[%sub3A_149, %dma_wait3A_150] : memref<1536x50176xf32, #tpu.memory_space<hbm>> -> memref<1x50176xf32, #tpu.memory_space<hbm>>
      %dma_wait3A_152 = tpu.memref_squeeze %dma_wait3A_151 : memref<1x50176xf32, #tpu.memory_space<hbm>> -> memref<50176xf32, #tpu.memory_space<hbm>>
      %dma_wait3A_153 = arith.constant 0 : i32
      %dma_wait3A_154 = tpu.memref_slice %arg4[%sub3A_149, %dma_wait3A_153] : memref<1536x50176xf32, #tpu.memory_space<hbm>> -> memref<1x50176xf32, #tpu.memory_space<hbm>>
      %dma_wait3A_155 = tpu.memref_squeeze %dma_wait3A_154 : memref<1x50176xf32, #tpu.memory_space<hbm>> -> memref<50176xf32, #tpu.memory_space<hbm>>
      tpu.wait_dma2 semaphore(%arg9 : memref<!tpu.dma_semaphore, #tpu.memory_space<semaphore_mem>>) src(%arg7 : memref<50176xf32, #tpu.memory_space<vmem>>) dst(%dma_wait3A_155 : memref<50176xf32, #tpu.memory_space<hbm>>)
      %scan3A_156 = arith.constant 0 : i32
      %scan3A_157 = arith.constant 0 : i32
      %scan3A_158 = arith.constant 3136 : i32
      %scan3A_159 = arith.addi %scan3A_157, %scan3A_158 : i32
      %scan3A_160 = arith.constant 16 : i32
      %scan3A_161 = scf.for %scan3A_254 = %scan3A_157 to %scan3A_159 step %scan3A_160 iter_args(%scan3A_255 = %scan3A_156) -> (i32)  : i32 {
        %mul3A_256 = arith.constant 16 : i32
        %mul3A_257 = arith.muli %scan3A_254, %mul3A_256 : i32
        %swap3A_258 = arith.index_cast %mul3A_257 : i32 to index
        %swap3A_259 = tpu.vector_load %arg7[%swap3A_258] {strides = array<i32>} : memref<50176xf32, #tpu.memory_space<vmem>>, vector<16xf32>,
        tpu.vector_store %arg7[%swap3A_258], %broadcast_in_dim3A_1 {strides = array<i32>} : memref<50176xf32, #tpu.memory_space<vmem>>, vector<16xf32>,
        %scan3A_260 = arith.constant 0 : i32
        %scan3A_261 = arith.constant 1 : i32
        %scan3A_262 = arith.addi %scan3A_254, %scan3A_261 : i32
        %mul3A_263 = arith.constant 16 : i32
        %mul3A_264 = arith.muli %scan3A_262, %mul3A_263 : i32
        %swap3A_265 = arith.index_cast %mul3A_264 : i32 to index
        %swap3A_266 = tpu.vector_load %arg7[%swap3A_265] {strides = array<i32>} : memref<50176xf32, #tpu.memory_space<vmem>>, vector<16xf32>,
        tpu.vector_store %arg7[%swap3A_265], %broadcast_in_dim3A_1 {strides = array<i32>} : memref<50176xf32, #tpu.memory_space<vmem>>, vector<16xf32>,
        %scan3A_267 = arith.constant 0 : i32
        %scan3A_268 = arith.constant 2 : i32
        %scan3A_269 = arith.addi %scan3A_254, %scan3A_268 : i32
        %mul3A_270 = arith.constant 16 : i32
        %mul3A_271 = arith.muli %scan3A_269, %mul3A_270 : i32
        %swap3A_272 = arith.index_cast %mul3A_271 : i32 to index
        %swap3A_273 = tpu.vector_load %arg7[%swap3A_272] {strides = array<i32>} : memref<50176xf32, #tpu.memory_space<vmem>>, vector<16xf32>,
        tpu.vector_store %arg7[%swap3A_272], %broadcast_in_dim3A_1 {strides = array<i32>} : memref<50176xf32, #tpu.memory_space<vmem>>, vector<16xf32>,
        %scan3A_274 = arith.constant 0 : i32
        %scan3A_275 = arith.constant 3 : i32
        %scan3A_276 = arith.addi %scan3A_254, %scan3A_275 : i32
        %mul3A_277 = arith.constant 16 : i32
        %mul3A_278 = arith.muli %scan3A_276, %mul3A_277 : i32
        %swap3A_279 = arith.index_cast %mul3A_278 : i32 to index
        %swap3A_280 = tpu.vector_load %arg7[%swap3A_279] {strides = array<i32>} : memref<50176xf32, #tpu.memory_space<vmem>>, vector<16xf32>,
        tpu.vector_store %arg7[%swap3A_279], %broadcast_in_dim3A_1 {strides = array<i32>} : memref<50176xf32, #tpu.memory_space<vmem>>, vector<16xf32>,
        %scan3A_281 = arith.constant 0 : i32
        %scan3A_282 = arith.constant 4 : i32
        %scan3A_283 = arith.addi %scan3A_254, %scan3A_282 : i32
        %mul3A_284 = arith.constant 16 : i32
        %mul3A_285 = arith.muli %scan3A_283, %mul3A_284 : i32
        %swap3A_286 = arith.index_cast %mul3A_285 : i32 to index
        %swap3A_287 = tpu.vector_load %arg7[%swap3A_286] {strides = array<i32>} : memref<50176xf32, #tpu.memory_space<vmem>>, vector<16xf32>,
        tpu.vector_store %arg7[%swap3A_286], %broadcast_in_dim3A_1 {strides = array<i32>} : memref<50176xf32, #tpu.memory_space<vmem>>, vector<16xf32>,
        %scan3A_288 = arith.constant 0 : i32
        %scan3A_289 = arith.constant 5 : i32
        %scan3A_290 = arith.addi %scan3A_254, %scan3A_289 : i32
        %mul3A_291 = arith.constant 16 : i32
        %mul3A_292 = arith.muli %scan3A_290, %mul3A_291 : i32
        %swap3A_293 = arith.index_cast %mul3A_292 : i32 to index
        %swap3A_294 = tpu.vector_load %arg7[%swap3A_293] {strides = array<i32>} : memref<50176xf32, #tpu.memory_space<vmem>>, vector<16xf32>,
        tpu.vector_store %arg7[%swap3A_293], %broadcast_in_dim3A_1 {strides = array<i32>} : memref<50176xf32, #tpu.memory_space<vmem>>, vector<16xf32>,
        %scan3A_295 = arith.constant 0 : i32
        %scan3A_296 = arith.constant 6 : i32
        %scan3A_297 = arith.addi %scan3A_254, %scan3A_296 : i32
        %mul3A_298 = arith.constant 16 : i32
        %mul3A_299 = arith.muli %scan3A_297, %mul3A_298 : i32
        %swap3A_300 = arith.index_cast %mul3A_299 : i32 to index
        %swap3A_301 = tpu.vector_load %arg7[%swap3A_300] {strides = array<i32>} : memref<50176xf32, #tpu.memory_space<vmem>>, vector<16xf32>,
        tpu.vector_store %arg7[%swap3A_300], %broadcast_in_dim3A_1 {strides = array<i32>} : memref<50176xf32, #tpu.memory_space<vmem>>, vector<16xf32>,
        %scan3A_302 = arith.constant 0 : i32
        %scan3A_303 = arith.constant 7 : i32
        %scan3A_304 = arith.addi %scan3A_254, %scan3A_303 : i32
        %mul3A_305 = arith.constant 16 : i32
        %mul3A_306 = arith.muli %scan3A_304, %mul3A_305 : i32
        %swap3A_307 = arith.index_cast %mul3A_306 : i32 to index
        %swap3A_308 = tpu.vector_load %arg7[%swap3A_307] {strides = array<i32>} : memref<50176xf32, #tpu.memory_space<vmem>>, vector<16xf32>,
        tpu.vector_store %arg7[%swap3A_307], %broadcast_in_dim3A_1 {strides = array<i32>} : memref<50176xf32, #tpu.memory_space<vmem>>, vector<16xf32>,
        %scan3A_309 = arith.constant 0 : i32
        %scan3A_310 = arith.constant 8 : i32
        %scan3A_311 = arith.addi %scan3A_254, %scan3A_310 : i32
        %mul3A_312 = arith.constant 16 : i32
        %mul3A_313 = arith.muli %scan3A_311, %mul3A_312 : i32
        %swap3A_314 = arith.index_cast %mul3A_313 : i32 to index
        %swap3A_315 = tpu.vector_load %arg7[%swap3A_314] {strides = array<i32>} : memref<50176xf32, #tpu.memory_space<vmem>>, vector<16xf32>,
        tpu.vector_store %arg7[%swap3A_314], %broadcast_in_dim3A_1 {strides = array<i32>} : memref<50176xf32, #tpu.memory_space<vmem>>, vector<16xf32>,
        %scan3A_316 = arith.constant 0 : i32
        %scan3A_317 = arith.constant 9 : i32
        %scan3A_318 = arith.addi %scan3A_254, %scan3A_317 : i32
        %mul3A_319 = arith.constant 16 : i32
        %mul3A_320 = arith.muli %scan3A_318, %mul3A_319 : i32
        %swap3A_321 = arith.index_cast %mul3A_320 : i32 to index
        %swap3A_322 = tpu.vector_load %arg7[%swap3A_321] {strides = array<i32>} : memref<50176xf32, #tpu.memory_space<vmem>>, vector<16xf32>,
        tpu.vector_store %arg7[%swap3A_321], %broadcast_in_dim3A_1 {strides = array<i32>} : memref<50176xf32, #tpu.memory_space<vmem>>, vector<16xf32>,
        %scan3A_323 = arith.constant 0 : i32
        %scan3A_324 = arith.constant 10 : i32
        %scan3A_325 = arith.addi %scan3A_254, %scan3A_324 : i32
        %mul3A_326 = arith.constant 16 : i32
        %mul3A_327 = arith.muli %scan3A_325, %mul3A_326 : i32
        %swap3A_328 = arith.index_cast %mul3A_327 : i32 to index
        %swap3A_329 = tpu.vector_load %arg7[%swap3A_328] {strides = array<i32>} : memref<50176xf32, #tpu.memory_space<vmem>>, vector<16xf32>,
        tpu.vector_store %arg7[%swap3A_328], %broadcast_in_dim3A_1 {strides = array<i32>} : memref<50176xf32, #tpu.memory_space<vmem>>, vector<16xf32>,
        %scan3A_330 = arith.constant 0 : i32
        %scan3A_331 = arith.constant 11 : i32
        %scan3A_332 = arith.addi %scan3A_254, %scan3A_331 : i32
        %mul3A_333 = arith.constant 16 : i32
        %mul3A_334 = arith.muli %scan3A_332, %mul3A_333 : i32
        %swap3A_335 = arith.index_cast %mul3A_334 : i32 to index
        %swap3A_336 = tpu.vector_load %arg7[%swap3A_335] {strides = array<i32>} : memref<50176xf32, #tpu.memory_space<vmem>>, vector<16xf32>,
        tpu.vector_store %arg7[%swap3A_335], %broadcast_in_dim3A_1 {strides = array<i32>} : memref<50176xf32, #tpu.memory_space<vmem>>, vector<16xf32>,
        %scan3A_337 = arith.constant 0 : i32
        %scan3A_338 = arith.constant 12 : i32
        %scan3A_339 = arith.addi %scan3A_254, %scan3A_338 : i32
        %mul3A_340 = arith.constant 16 : i32
        %mul3A_341 = arith.muli %scan3A_339, %mul3A_340 : i32
        %swap3A_342 = arith.index_cast %mul3A_341 : i32 to index
        %swap3A_343 = tpu.vector_load %arg7[%swap3A_342] {strides = array<i32>} : memref<50176xf32, #tpu.memory_space<vmem>>, vector<16xf32>,
        tpu.vector_store %arg7[%swap3A_342], %broadcast_in_dim3A_1 {strides = array<i32>} : memref<50176xf32, #tpu.memory_space<vmem>>, vector<16xf32>,
        %scan3A_344 = arith.constant 0 : i32
        %scan3A_345 = arith.constant 13 : i32
        %scan3A_346 = arith.addi %scan3A_254, %scan3A_345 : i32
        %mul3A_347 = arith.constant 16 : i32
        %mul3A_348 = arith.muli %scan3A_346, %mul3A_347 : i32
        %swap3A_349 = arith.index_cast %mul3A_348 : i32 to index
        %swap3A_350 = tpu.vector_load %arg7[%swap3A_349] {strides = array<i32>} : memref<50176xf32, #tpu.memory_space<vmem>>, vector<16xf32>,
        tpu.vector_store %arg7[%swap3A_349], %broadcast_in_dim3A_1 {strides = array<i32>} : memref<50176xf32, #tpu.memory_space<vmem>>, vector<16xf32>,
        %scan3A_351 = arith.constant 0 : i32
        %scan3A_352 = arith.constant 14 : i32
        %scan3A_353 = arith.addi %scan3A_254, %scan3A_352 : i32
        %mul3A_354 = arith.constant 16 : i32
        %mul3A_355 = arith.muli %scan3A_353, %mul3A_354 : i32
        %swap3A_356 = arith.index_cast %mul3A_355 : i32 to index
        %swap3A_357 = tpu.vector_load %arg7[%swap3A_356] {strides = array<i32>} : memref<50176xf32, #tpu.memory_space<vmem>>, vector<16xf32>,
        tpu.vector_store %arg7[%swap3A_356], %broadcast_in_dim3A_1 {strides = array<i32>} : memref<50176xf32, #tpu.memory_space<vmem>>, vector<16xf32>,
        %scan3A_358 = arith.constant 0 : i32
        %scan3A_359 = arith.constant 15 : i32
        %scan3A_360 = arith.addi %scan3A_254, %scan3A_359 : i32
        %mul3A_361 = arith.constant 16 : i32
        %mul3A_362 = arith.muli %scan3A_360, %mul3A_361 : i32
        %swap3A_363 = arith.index_cast %mul3A_362 : i32 to index
        %swap3A_364 = tpu.vector_load %arg7[%swap3A_363] {strides = array<i32>} : memref<50176xf32, #tpu.memory_space<vmem>>, vector<16xf32>,
        tpu.vector_store %arg7[%swap3A_363], %broadcast_in_dim3A_1 {strides = array<i32>} : memref<50176xf32, #tpu.memory_space<vmem>>, vector<16xf32>,
        %scan3A_365 = arith.constant 0 : i32
        scf.yield %scan3A_365 : i32
      }
      %scan3A_162 = arith.constant 3136 : i32
      %mul3A_163 = arith.constant 48 : i32
      %mul3A_164 = arith.muli %add3A, %mul3A_163 : i32
      %add3A_165 = arith.addi %mul3A_164, %mul3A_131 : i32
      %mul3A_166 = arith.constant 12544 : i32
      %mul3A_167 = arith.muli %add3A_165, %mul3A_166 : i32
      %dma_wait3A_168 = arith.constant 0 : i32
      %dma_wait3A_169 = tpu.memref_slice %arg5[%dma_wait3A_168] : memref<12560xi32, #tpu.memory_space<vmem>> -> memref<12544xi32, #tpu.memory_space<vmem>>
      %dma_wait3A_170 = tpu.memref_slice %arg2[%mul3A_167] : memref<19267584xi32, #tpu.memory_space<hbm>> -> memref<12544xi32, #tpu.memory_space<hbm>>
      %dma_wait3A_171 = arith.constant 0 : i32
      %dma_wait3A_172 = tpu.memref_slice %arg5[%dma_wait3A_171] : memref<12560xi32, #tpu.memory_space<vmem>> -> memref<12544xi32, #tpu.memory_space<vmem>>
      %dma_wait3A_173 = tpu.memref_slice %arg2[%mul3A_167] : memref<19267584xi32, #tpu.memory_space<hbm>> -> memref<12544xi32, #tpu.memory_space<hbm>>
      tpu.wait_dma2 semaphore(%arg11 : memref<!tpu.dma_semaphore, #tpu.memory_space<semaphore_mem>>) src(%dma_wait3A_173 : memref<12544xi32, #tpu.memory_space<hbm>>) dst(%dma_wait3A_172 : memref<12544xi32, #tpu.memory_space<vmem>>)
      %dma_wait3A_174 = tpu.memref_slice %arg3[%mul3A_167] : memref<19267584xf32, #tpu.memory_space<hbm>> -> memref<12544xf32, #tpu.memory_space<hbm>>
      %dma_wait3A_175 = tpu.memref_slice %arg3[%mul3A_167] : memref<19267584xf32, #tpu.memory_space<hbm>> -> memref<12544xf32, #tpu.memory_space<hbm>>
      tpu.wait_dma2 semaphore(%arg11 : memref<!tpu.dma_semaphore, #tpu.memory_space<semaphore_mem>>) src(%dma_wait3A_175 : memref<12544xf32, #tpu.memory_space<hbm>>) dst(%arg6 : memref<12544xf32, #tpu.memory_space<vmem>>)
      %mul3A_176 = arith.constant 50176 : i32
      %mul3A_177 = arith.muli %add3A_165, %mul3A_176 : i32
      %scan3A_178 = arith.constant 0 : i32
      %scan3A_179 = arith.constant 0 : i32
      %scan3A_180 = arith.constant 784 : i32
      %scan3A_181 = arith.addi %scan3A_179, %scan3A_180 : i32
      %scan3A_182 = arith.constant 16 : i32
      %scan3A_183 = scf.for %scan3A_254 = %scan3A_179 to %scan3A_181 step %scan3A_182 iter_args(%scan3A_255 = %scan3A_178) -> (i32)  : i32 {
        %mul3A_256 = arith.constant 16 : i32
        %mul3A_257 = arith.muli %scan3A_254, %mul3A_256 : i32
        %get3A = arith.index_cast %mul3A_257 : i32 to index
        %get3A_258 = tpu.vector_load %arg5[%get3A] {strides = array<i32>} : memref<12560xi32, #tpu.memory_space<vmem>>, vector<16xi32>,
        %mul3A_259 = arith.constant 16 : i32
        %mul3A_260 = arith.muli %scan3A_254, %mul3A_259 : i32
        %add3A_261 = arith.constant 1 : i32
        %add3A_262 = arith.addi %mul3A_260, %add3A_261 : i32
        %get3A_263 = arith.index_cast %add3A_262 : i32 to index
        %get3A_264 = tpu.vector_load %arg5[%get3A_263] {strides = array<i32>} : memref<12560xi32, #tpu.memory_space<vmem>>, vector<16xi32>,
        %mul3A_265 = arith.constant 16 : i32
        %mul3A_266 = arith.muli %scan3A_254, %mul3A_265 : i32
        %get3A_267 = arith.index_cast %mul3A_266 : i32 to index
        %get3A_268 = tpu.vector_load %arg6[%get3A_267] {strides = array<i32>} : memref<12544xf32, #tpu.memory_space<vmem>>, vector<16xf32>,
        %sub3A_269 = vector.broadcast %mul3A_177 : i32 to vector<16xi32>
        %sub3A_270 = arith.subi %get3A_258, %sub3A_269 : vector<16xi32>
        %ne3A = arith.cmpi ne, %get3A_258, %get3A_264 : vector<16xi32>
        tpu.vector_store_idx %arg7[%sub3A_270], %get3A_268 masked %ne3A : memref<50176xf32, #tpu.memory_space<vmem>>[vector<16xi32>], vector<16xf32>, vector<16xi1>
        %scan3A_271 = arith.constant 0 : i32
        %scan3A_272 = arith.constant 1 : i32
        %scan3A_273 = arith.addi %scan3A_254, %scan3A_272 : i32
        %mul3A_274 = arith.constant 16 : i32
        %mul3A_275 = arith.muli %scan3A_273, %mul3A_274 : i32
        %get3A_276 = arith.index_cast %mul3A_275 : i32 to index
        %get3A_277 = tpu.vector_load %arg5[%get3A_276] {strides = array<i32>} : memref<12560xi32, #tpu.memory_space<vmem>>, vector<16xi32>,
        %mul3A_278 = arith.constant 16 : i32
        %mul3A_279 = arith.muli %scan3A_273, %mul3A_278 : i32
        %add3A_280 = arith.constant 1 : i32
        %add3A_281 = arith.addi %mul3A_279, %add3A_280 : i32
        %get3A_282 = arith.index_cast %add3A_281 : i32 to index
        %get3A_283 = tpu.vector_load %arg5[%get3A_282] {strides = array<i32>} : memref<12560xi32, #tpu.memory_space<vmem>>, vector<16xi32>,
        %mul3A_284 = arith.constant 16 : i32
        %mul3A_285 = arith.muli %scan3A_273, %mul3A_284 : i32
        %get3A_286 = arith.index_cast %mul3A_285 : i32 to index
        %get3A_287 = tpu.vector_load %arg6[%get3A_286] {strides = array<i32>} : memref<12544xf32, #tpu.memory_space<vmem>>, vector<16xf32>,
        %sub3A_288 = vector.broadcast %mul3A_177 : i32 to vector<16xi32>
        %sub3A_289 = arith.subi %get3A_277, %sub3A_288 : vector<16xi32>
        %ne3A_290 = arith.cmpi ne, %get3A_277, %get3A_283 : vector<16xi32>
        tpu.vector_store_idx %arg7[%sub3A_289], %get3A_287 masked %ne3A_290 : memref<50176xf32, #tpu.memory_space<vmem>>[vector<16xi32>], vector<16xf32>, vector<16xi1>
        %scan3A_291 = arith.constant 0 : i32
        %scan3A_292 = arith.constant 2 : i32
        %scan3A_293 = arith.addi %scan3A_254, %scan3A_292 : i32
        %mul3A_294 = arith.constant 16 : i32
        %mul3A_295 = arith.muli %scan3A_293, %mul3A_294 : i32
        %get3A_296 = arith.index_cast %mul3A_295 : i32 to index
        %get3A_297 = tpu.vector_load %arg5[%get3A_296] {strides = array<i32>} : memref<12560xi32, #tpu.memory_space<vmem>>, vector<16xi32>,
        %mul3A_298 = arith.constant 16 : i32
        %mul3A_299 = arith.muli %scan3A_293, %mul3A_298 : i32
        %add3A_300 = arith.constant 1 : i32
        %add3A_301 = arith.addi %mul3A_299, %add3A_300 : i32
        %get3A_302 = arith.index_cast %add3A_301 : i32 to index
        %get3A_303 = tpu.vector_load %arg5[%get3A_302] {strides = array<i32>} : memref<12560xi32, #tpu.memory_space<vmem>>, vector<16xi32>,
        %mul3A_304 = arith.constant 16 : i32
        %mul3A_305 = arith.muli %scan3A_293, %mul3A_304 : i32
        %get3A_306 = arith.index_cast %mul3A_305 : i32 to index
        %get3A_307 = tpu.vector_load %arg6[%get3A_306] {strides = array<i32>} : memref<12544xf32, #tpu.memory_space<vmem>>, vector<16xf32>,
        %sub3A_308 = vector.broadcast %mul3A_177 : i32 to vector<16xi32>
        %sub3A_309 = arith.subi %get3A_297, %sub3A_308 : vector<16xi32>
        %ne3A_310 = arith.cmpi ne, %get3A_297, %get3A_303 : vector<16xi32>
        tpu.vector_store_idx %arg7[%sub3A_309], %get3A_307 masked %ne3A_310 : memref<50176xf32, #tpu.memory_space<vmem>>[vector<16xi32>], vector<16xf32>, vector<16xi1>
        %scan3A_311 = arith.constant 0 : i32
        %scan3A_312 = arith.constant 3 : i32
        %scan3A_313 = arith.addi %scan3A_254, %scan3A_312 : i32
        %mul3A_314 = arith.constant 16 : i32
        %mul3A_315 = arith.muli %scan3A_313, %mul3A_314 : i32
        %get3A_316 = arith.index_cast %mul3A_315 : i32 to index
        %get3A_317 = tpu.vector_load %arg5[%get3A_316] {strides = array<i32>} : memref<12560xi32, #tpu.memory_space<vmem>>, vector<16xi32>,
        %mul3A_318 = arith.constant 16 : i32
        %mul3A_319 = arith.muli %scan3A_313, %mul3A_318 : i32
        %add3A_320 = arith.constant 1 : i32
        %add3A_321 = arith.addi %mul3A_319, %add3A_320 : i32
        %get3A_322 = arith.index_cast %add3A_321 : i32 to index
        %get3A_323 = tpu.vector_load %arg5[%get3A_322] {strides = array<i32>} : memref<12560xi32, #tpu.memory_space<vmem>>, vector<16xi32>,
        %mul3A_324 = arith.constant 16 : i32
        %mul3A_325 = arith.muli %scan3A_313, %mul3A_324 : i32
        %get3A_326 = arith.index_cast %mul3A_325 : i32 to index
        %get3A_327 = tpu.vector_load %arg6[%get3A_326] {strides = array<i32>} : memref<12544xf32, #tpu.memory_space<vmem>>, vector<16xf32>,
        %sub3A_328 = vector.broadcast %mul3A_177 : i32 to vector<16xi32>
        %sub3A_329 = arith.subi %get3A_317, %sub3A_328 : vector<16xi32>
        %ne3A_330 = arith.cmpi ne, %get3A_317, %get3A_323 : vector<16xi32>
        tpu.vector_store_idx %arg7[%sub3A_329], %get3A_327 masked %ne3A_330 : memref<50176xf32, #tpu.memory_space<vmem>>[vector<16xi32>], vector<16xf32>, vector<16xi1>
        %scan3A_331 = arith.constant 0 : i32
        %scan3A_332 = arith.constant 4 : i32
        %scan3A_333 = arith.addi %scan3A_254, %scan3A_332 : i32
        %mul3A_334 = arith.constant 16 : i32
        %mul3A_335 = arith.muli %scan3A_333, %mul3A_334 : i32
        %get3A_336 = arith.index_cast %mul3A_335 : i32 to index
        %get3A_337 = tpu.vector_load %arg5[%get3A_336] {strides = array<i32>} : memref<12560xi32, #tpu.memory_space<vmem>>, vector<16xi32>,
        %mul3A_338 = arith.constant 16 : i32
        %mul3A_339 = arith.muli %scan3A_333, %mul3A_338 : i32
        %add3A_340 = arith.constant 1 : i32
        %add3A_341 = arith.addi %mul3A_339, %add3A_340 : i32
        %get3A_342 = arith.index_cast %add3A_341 : i32 to index
        %get3A_343 = tpu.vector_load %arg5[%get3A_342] {strides = array<i32>} : memref<12560xi32, #tpu.memory_space<vmem>>, vector<16xi32>,
        %mul3A_344 = arith.constant 16 : i32
        %mul3A_345 = arith.muli %scan3A_333, %mul3A_344 : i32
        %get3A_346 = arith.index_cast %mul3A_345 : i32 to index
        %get3A_347 = tpu.vector_load %arg6[%get3A_346] {strides = array<i32>} : memref<12544xf32, #tpu.memory_space<vmem>>, vector<16xf32>,
        %sub3A_348 = vector.broadcast %mul3A_177 : i32 to vector<16xi32>
        %sub3A_349 = arith.subi %get3A_337, %sub3A_348 : vector<16xi32>
        %ne3A_350 = arith.cmpi ne, %get3A_337, %get3A_343 : vector<16xi32>
        tpu.vector_store_idx %arg7[%sub3A_349], %get3A_347 masked %ne3A_350 : memref<50176xf32, #tpu.memory_space<vmem>>[vector<16xi32>], vector<16xf32>, vector<16xi1>
        %scan3A_351 = arith.constant 0 : i32
        %scan3A_352 = arith.constant 5 : i32
        %scan3A_353 = arith.addi %scan3A_254, %scan3A_352 : i32
        %mul3A_354 = arith.constant 16 : i32
        %mul3A_355 = arith.muli %scan3A_353, %mul3A_354 : i32
        %get3A_356 = arith.index_cast %mul3A_355 : i32 to index
        %get3A_357 = tpu.vector_load %arg5[%get3A_356] {strides = array<i32>} : memref<12560xi32, #tpu.memory_space<vmem>>, vector<16xi32>,
        %mul3A_358 = arith.constant 16 : i32
        %mul3A_359 = arith.muli %scan3A_353, %mul3A_358 : i32
        %add3A_360 = arith.constant 1 : i32
        %add3A_361 = arith.addi %mul3A_359, %add3A_360 : i32
        %get3A_362 = arith.index_cast %add3A_361 : i32 to index
        %get3A_363 = tpu.vector_load %arg5[%get3A_362] {strides = array<i32>} : memref<12560xi32, #tpu.memory_space<vmem>>, vector<16xi32>,
        %mul3A_364 = arith.constant 16 : i32
        %mul3A_365 = arith.muli %scan3A_353, %mul3A_364 : i32
        %get3A_366 = arith.index_cast %mul3A_365 : i32 to index
        %get3A_367 = tpu.vector_load %arg6[%get3A_366] {strides = array<i32>} : memref<12544xf32, #tpu.memory_space<vmem>>, vector<16xf32>,
        %sub3A_368 = vector.broadcast %mul3A_177 : i32 to vector<16xi32>
        %sub3A_369 = arith.subi %get3A_357, %sub3A_368 : vector<16xi32>
        %ne3A_370 = arith.cmpi ne, %get3A_357, %get3A_363 : vector<16xi32>
        tpu.vector_store_idx %arg7[%sub3A_369], %get3A_367 masked %ne3A_370 : memref<50176xf32, #tpu.memory_space<vmem>>[vector<16xi32>], vector<16xf32>, vector<16xi1>
        %scan3A_371 = arith.constant 0 : i32
        %scan3A_372 = arith.constant 6 : i32
        %scan3A_373 = arith.addi %scan3A_254, %scan3A_372 : i32
        %mul3A_374 = arith.constant 16 : i32
        %mul3A_375 = arith.muli %scan3A_373, %mul3A_374 : i32
        %get3A_376 = arith.index_cast %mul3A_375 : i32 to index
        %get3A_377 = tpu.vector_load %arg5[%get3A_376] {strides = array<i32>} : memref<12560xi32, #tpu.memory_space<vmem>>, vector<16xi32>,
        %mul3A_378 = arith.constant 16 : i32
        %mul3A_379 = arith.muli %scan3A_373, %mul3A_378 : i32
        %add3A_380 = arith.constant 1 : i32
        %add3A_381 = arith.addi %mul3A_379, %add3A_380 : i32
        %get3A_382 = arith.index_cast %add3A_381 : i32 to index
        %get3A_383 = tpu.vector_load %arg5[%get3A_382] {strides = array<i32>} : memref<12560xi32, #tpu.memory_space<vmem>>, vector<16xi32>,
        %mul3A_384 = arith.constant 16 : i32
        %mul3A_385 = arith.muli %scan3A_373, %mul3A_384 : i32
        %get3A_386 = arith.index_cast %mul3A_385 : i32 to index
        %get3A_387 = tpu.vector_load %arg6[%get3A_386] {strides = array<i32>} : memref<12544xf32, #tpu.memory_space<vmem>>, vector<16xf32>,
        %sub3A_388 = vector.broadcast %mul3A_177 : i32 to vector<16xi32>
        %sub3A_389 = arith.subi %get3A_377, %sub3A_388 : vector<16xi32>
        %ne3A_390 = arith.cmpi ne, %get3A_377, %get3A_383 : vector<16xi32>
        tpu.vector_store_idx %arg7[%sub3A_389], %get3A_387 masked %ne3A_390 : memref<50176xf32, #tpu.memory_space<vmem>>[vector<16xi32>], vector<16xf32>, vector<16xi1>
        %scan3A_391 = arith.constant 0 : i32
        %scan3A_392 = arith.constant 7 : i32
        %scan3A_393 = arith.addi %scan3A_254, %scan3A_392 : i32
        %mul3A_394 = arith.constant 16 : i32
        %mul3A_395 = arith.muli %scan3A_393, %mul3A_394 : i32
        %get3A_396 = arith.index_cast %mul3A_395 : i32 to index
        %get3A_397 = tpu.vector_load %arg5[%get3A_396] {strides = array<i32>} : memref<12560xi32, #tpu.memory_space<vmem>>, vector<16xi32>,
        %mul3A_398 = arith.constant 16 : i32
        %mul3A_399 = arith.muli %scan3A_393, %mul3A_398 : i32
        %add3A_400 = arith.constant 1 : i32
        %add3A_401 = arith.addi %mul3A_399, %add3A_400 : i32
        %get3A_402 = arith.index_cast %add3A_401 : i32 to index
        %get3A_403 = tpu.vector_load %arg5[%get3A_402] {strides = array<i32>} : memref<12560xi32, #tpu.memory_space<vmem>>, vector<16xi32>,
        %mul3A_404 = arith.constant 16 : i32
        %mul3A_405 = arith.muli %scan3A_393, %mul3A_404 : i32
        %get3A_406 = arith.index_cast %mul3A_405 : i32 to index
        %get3A_407 = tpu.vector_load %arg6[%get3A_406] {strides = array<i32>} : memref<12544xf32, #tpu.memory_space<vmem>>, vector<16xf32>,
        %sub3A_408 = vector.broadcast %mul3A_177 : i32 to vector<16xi32>
        %sub3A_409 = arith.subi %get3A_397, %sub3A_408 : vector<16xi32>
        %ne3A_410 = arith.cmpi ne, %get3A_397, %get3A_403 : vector<16xi32>
        tpu.vector_store_idx %arg7[%sub3A_409], %get3A_407 masked %ne3A_410 : memref<50176xf32, #tpu.memory_space<vmem>>[vector<16xi32>], vector<16xf32>, vector<16xi1>
        %scan3A_411 = arith.constant 0 : i32
        %scan3A_412 = arith.constant 8 : i32
        %scan3A_413 = arith.addi %scan3A_254, %scan3A_412 : i32
        %mul3A_414 = arith.constant 16 : i32
        %mul3A_415 = arith.muli %scan3A_413, %mul3A_414 : i32
        %get3A_416 = arith.index_cast %mul3A_415 : i32 to index
        %get3A_417 = tpu.vector_load %arg5[%get3A_416] {strides = array<i32>} : memref<12560xi32, #tpu.memory_space<vmem>>, vector<16xi32>,
        %mul3A_418 = arith.constant 16 : i32
        %mul3A_419 = arith.muli %scan3A_413, %mul3A_418 : i32
        %add3A_420 = arith.constant 1 : i32
        %add3A_421 = arith.addi %mul3A_419, %add3A_420 : i32
        %get3A_422 = arith.index_cast %add3A_421 : i32 to index
        %get3A_423 = tpu.vector_load %arg5[%get3A_422] {strides = array<i32>} : memref<12560xi32, #tpu.memory_space<vmem>>, vector<16xi32>,
        %mul3A_424 = arith.constant 16 : i32
        %mul3A_425 = arith.muli %scan3A_413, %mul3A_424 : i32
        %get3A_426 = arith.index_cast %mul3A_425 : i32 to index
        %get3A_427 = tpu.vector_load %arg6[%get3A_426] {strides = array<i32>} : memref<12544xf32, #tpu.memory_space<vmem>>, vector<16xf32>,
        %sub3A_428 = vector.broadcast %mul3A_177 : i32 to vector<16xi32>
        %sub3A_429 = arith.subi %get3A_417, %sub3A_428 : vector<16xi32>
        %ne3A_430 = arith.cmpi ne, %get3A_417, %get3A_423 : vector<16xi32>
        tpu.vector_store_idx %arg7[%sub3A_429], %get3A_427 masked %ne3A_430 : memref<50176xf32, #tpu.memory_space<vmem>>[vector<16xi32>], vector<16xf32>, vector<16xi1>
        %scan3A_431 = arith.constant 0 : i32
        %scan3A_432 = arith.constant 9 : i32
        %scan3A_433 = arith.addi %scan3A_254, %scan3A_432 : i32
        %mul3A_434 = arith.constant 16 : i32
        %mul3A_435 = arith.muli %scan3A_433, %mul3A_434 : i32
        %get3A_436 = arith.index_cast %mul3A_435 : i32 to index
        %get3A_437 = tpu.vector_load %arg5[%get3A_436] {strides = array<i32>} : memref<12560xi32, #tpu.memory_space<vmem>>, vector<16xi32>,
        %mul3A_438 = arith.constant 16 : i32
        %mul3A_439 = arith.muli %scan3A_433, %mul3A_438 : i32
        %add3A_440 = arith.constant 1 : i32
        %add3A_441 = arith.addi %mul3A_439, %add3A_440 : i32
        %get3A_442 = arith.index_cast %add3A_441 : i32 to index
        %get3A_443 = tpu.vector_load %arg5[%get3A_442] {strides = array<i32>} : memref<12560xi32, #tpu.memory_space<vmem>>, vector<16xi32>,
        %mul3A_444 = arith.constant 16 : i32
        %mul3A_445 = arith.muli %scan3A_433, %mul3A_444 : i32
        %get3A_446 = arith.index_cast %mul3A_445 : i32 to index
        %get3A_447 = tpu.vector_load %arg6[%get3A_446] {strides = array<i32>} : memref<12544xf32, #tpu.memory_space<vmem>>, vector<16xf32>,
        %sub3A_448 = vector.broadcast %mul3A_177 : i32 to vector<16xi32>
        %sub3A_449 = arith.subi %get3A_437, %sub3A_448 : vector<16xi32>
        %ne3A_450 = arith.cmpi ne, %get3A_437, %get3A_443 : vector<16xi32>
        tpu.vector_store_idx %arg7[%sub3A_449], %get3A_447 masked %ne3A_450 : memref<50176xf32, #tpu.memory_space<vmem>>[vector<16xi32>], vector<16xf32>, vector<16xi1>
        %scan3A_451 = arith.constant 0 : i32
        %scan3A_452 = arith.constant 10 : i32
        %scan3A_453 = arith.addi %scan3A_254, %scan3A_452 : i32
        %mul3A_454 = arith.constant 16 : i32
        %mul3A_455 = arith.muli %scan3A_453, %mul3A_454 : i32
        %get3A_456 = arith.index_cast %mul3A_455 : i32 to index
        %get3A_457 = tpu.vector_load %arg5[%get3A_456] {strides = array<i32>} : memref<12560xi32, #tpu.memory_space<vmem>>, vector<16xi32>,
        %mul3A_458 = arith.constant 16 : i32
        %mul3A_459 = arith.muli %scan3A_453, %mul3A_458 : i32
        %add3A_460 = arith.constant 1 : i32
        %add3A_461 = arith.addi %mul3A_459, %add3A_460 : i32
        %get3A_462 = arith.index_cast %add3A_461 : i32 to index
        %get3A_463 = tpu.vector_load %arg5[%get3A_462] {strides = array<i32>} : memref<12560xi32, #tpu.memory_space<vmem>>, vector<16xi32>,
        %mul3A_464 = arith.constant 16 : i32
        %mul3A_465 = arith.muli %scan3A_453, %mul3A_464 : i32
        %get3A_466 = arith.index_cast %mul3A_465 : i32 to index
        %get3A_467 = tpu.vector_load %arg6[%get3A_466] {strides = array<i32>} : memref<12544xf32, #tpu.memory_space<vmem>>, vector<16xf32>,
        %sub3A_468 = vector.broadcast %mul3A_177 : i32 to vector<16xi32>
        %sub3A_469 = arith.subi %get3A_457, %sub3A_468 : vector<16xi32>
        %ne3A_470 = arith.cmpi ne, %get3A_457, %get3A_463 : vector<16xi32>
        tpu.vector_store_idx %arg7[%sub3A_469], %get3A_467 masked %ne3A_470 : memref<50176xf32, #tpu.memory_space<vmem>>[vector<16xi32>], vector<16xf32>, vector<16xi1>
        %scan3A_471 = arith.constant 0 : i32
        %scan3A_472 = arith.constant 11 : i32
        %scan3A_473 = arith.addi %scan3A_254, %scan3A_472 : i32
        %mul3A_474 = arith.constant 16 : i32
        %mul3A_475 = arith.muli %scan3A_473, %mul3A_474 : i32
        %get3A_476 = arith.index_cast %mul3A_475 : i32 to index
        %get3A_477 = tpu.vector_load %arg5[%get3A_476] {strides = array<i32>} : memref<12560xi32, #tpu.memory_space<vmem>>, vector<16xi32>,
        %mul3A_478 = arith.constant 16 : i32
        %mul3A_479 = arith.muli %scan3A_473, %mul3A_478 : i32
        %add3A_480 = arith.constant 1 : i32
        %add3A_481 = arith.addi %mul3A_479, %add3A_480 : i32
        %get3A_482 = arith.index_cast %add3A_481 : i32 to index
        %get3A_483 = tpu.vector_load %arg5[%get3A_482] {strides = array<i32>} : memref<12560xi32, #tpu.memory_space<vmem>>, vector<16xi32>,
        %mul3A_484 = arith.constant 16 : i32
        %mul3A_485 = arith.muli %scan3A_473, %mul3A_484 : i32
        %get3A_486 = arith.index_cast %mul3A_485 : i32 to index
        %get3A_487 = tpu.vector_load %arg6[%get3A_486] {strides = array<i32>} : memref<12544xf32, #tpu.memory_space<vmem>>, vector<16xf32>,
        %sub3A_488 = vector.broadcast %mul3A_177 : i32 to vector<16xi32>
        %sub3A_489 = arith.subi %get3A_477, %sub3A_488 : vector<16xi32>
        %ne3A_490 = arith.cmpi ne, %get3A_477, %get3A_483 : vector<16xi32>
        tpu.vector_store_idx %arg7[%sub3A_489], %get3A_487 masked %ne3A_490 : memref<50176xf32, #tpu.memory_space<vmem>>[vector<16xi32>], vector<16xf32>, vector<16xi1>
        %scan3A_491 = arith.constant 0 : i32
        %scan3A_492 = arith.constant 12 : i32
        %scan3A_493 = arith.addi %scan3A_254, %scan3A_492 : i32
        %mul3A_494 = arith.constant 16 : i32
        %mul3A_495 = arith.muli %scan3A_493, %mul3A_494 : i32
        %get3A_496 = arith.index_cast %mul3A_495 : i32 to index
        %get3A_497 = tpu.vector_load %arg5[%get3A_496] {strides = array<i32>} : memref<12560xi32, #tpu.memory_space<vmem>>, vector<16xi32>,
        %mul3A_498 = arith.constant 16 : i32
        %mul3A_499 = arith.muli %scan3A_493, %mul3A_498 : i32
        %add3A_500 = arith.constant 1 : i32
        %add3A_501 = arith.addi %mul3A_499, %add3A_500 : i32
        %get3A_502 = arith.index_cast %add3A_501 : i32 to index
        %get3A_503 = tpu.vector_load %arg5[%get3A_502] {strides = array<i32>} : memref<12560xi32, #tpu.memory_space<vmem>>, vector<16xi32>,
        %mul3A_504 = arith.constant 16 : i32
        %mul3A_505 = arith.muli %scan3A_493, %mul3A_504 : i32
        %get3A_506 = arith.index_cast %mul3A_505 : i32 to index
        %get3A_507 = tpu.vector_load %arg6[%get3A_506] {strides = array<i32>} : memref<12544xf32, #tpu.memory_space<vmem>>, vector<16xf32>,
        %sub3A_508 = vector.broadcast %mul3A_177 : i32 to vector<16xi32>
        %sub3A_509 = arith.subi %get3A_497, %sub3A_508 : vector<16xi32>
        %ne3A_510 = arith.cmpi ne, %get3A_497, %get3A_503 : vector<16xi32>
        tpu.vector_store_idx %arg7[%sub3A_509], %get3A_507 masked %ne3A_510 : memref<50176xf32, #tpu.memory_space<vmem>>[vector<16xi32>], vector<16xf32>, vector<16xi1>
        %scan3A_511 = arith.constant 0 : i32
        %scan3A_512 = arith.constant 13 : i32
        %scan3A_513 = arith.addi %scan3A_254, %scan3A_512 : i32
        %mul3A_514 = arith.constant 16 : i32
        %mul3A_515 = arith.muli %scan3A_513, %mul3A_514 : i32
        %get3A_516 = arith.index_cast %mul3A_515 : i32 to index
        %get3A_517 = tpu.vector_load %arg5[%get3A_516] {strides = array<i32>} : memref<12560xi32, #tpu.memory_space<vmem>>, vector<16xi32>,
        %mul3A_518 = arith.constant 16 : i32
        %mul3A_519 = arith.muli %scan3A_513, %mul3A_518 : i32
        %add3A_520 = arith.constant 1 : i32
        %add3A_521 = arith.addi %mul3A_519, %add3A_520 : i32
        %get3A_522 = arith.index_cast %add3A_521 : i32 to index
        %get3A_523 = tpu.vector_load %arg5[%get3A_522] {strides = array<i32>} : memref<12560xi32, #tpu.memory_space<vmem>>, vector<16xi32>,
        %mul3A_524 = arith.constant 16 : i32
        %mul3A_525 = arith.muli %scan3A_513, %mul3A_524 : i32
        %get3A_526 = arith.index_cast %mul3A_525 : i32 to index
        %get3A_527 = tpu.vector_load %arg6[%get3A_526] {strides = array<i32>} : memref<12544xf32, #tpu.memory_space<vmem>>, vector<16xf32>,
        %sub3A_528 = vector.broadcast %mul3A_177 : i32 to vector<16xi32>
        %sub3A_529 = arith.subi %get3A_517, %sub3A_528 : vector<16xi32>
        %ne3A_530 = arith.cmpi ne, %get3A_517, %get3A_523 : vector<16xi32>
        tpu.vector_store_idx %arg7[%sub3A_529], %get3A_527 masked %ne3A_530 : memref<50176xf32, #tpu.memory_space<vmem>>[vector<16xi32>], vector<16xf32>, vector<16xi1>
        %scan3A_531 = arith.constant 0 : i32
        %scan3A_532 = arith.constant 14 : i32
        %scan3A_533 = arith.addi %scan3A_254, %scan3A_532 : i32
        %mul3A_534 = arith.constant 16 : i32
        %mul3A_535 = arith.muli %scan3A_533, %mul3A_534 : i32
        %get3A_536 = arith.index_cast %mul3A_535 : i32 to index
        %get3A_537 = tpu.vector_load %arg5[%get3A_536] {strides = array<i32>} : memref<12560xi32, #tpu.memory_space<vmem>>, vector<16xi32>,
        %mul3A_538 = arith.constant 16 : i32
        %mul3A_539 = arith.muli %scan3A_533, %mul3A_538 : i32
        %add3A_540 = arith.constant 1 : i32
        %add3A_541 = arith.addi %mul3A_539, %add3A_540 : i32
        %get3A_542 = arith.index_cast %add3A_541 : i32 to index
        %get3A_543 = tpu.vector_load %arg5[%get3A_542] {strides = array<i32>} : memref<12560xi32, #tpu.memory_space<vmem>>, vector<16xi32>,
        %mul3A_544 = arith.constant 16 : i32
        %mul3A_545 = arith.muli %scan3A_533, %mul3A_544 : i32
        %get3A_546 = arith.index_cast %mul3A_545 : i32 to index
        %get3A_547 = tpu.vector_load %arg6[%get3A_546] {strides = array<i32>} : memref<12544xf32, #tpu.memory_space<vmem>>, vector<16xf32>,
        %sub3A_548 = vector.broadcast %mul3A_177 : i32 to vector<16xi32>
        %sub3A_549 = arith.subi %get3A_537, %sub3A_548 : vector<16xi32>
        %ne3A_550 = arith.cmpi ne, %get3A_537, %get3A_543 : vector<16xi32>
        tpu.vector_store_idx %arg7[%sub3A_549], %get3A_547 masked %ne3A_550 : memref<50176xf32, #tpu.memory_space<vmem>>[vector<16xi32>], vector<16xf32>, vector<16xi1>
        %scan3A_551 = arith.constant 0 : i32
        %scan3A_552 = arith.constant 15 : i32
        %scan3A_553 = arith.addi %scan3A_254, %scan3A_552 : i32
        %mul3A_554 = arith.constant 16 : i32
        %mul3A_555 = arith.muli %scan3A_553, %mul3A_554 : i32
        %get3A_556 = arith.index_cast %mul3A_555 : i32 to index
        %get3A_557 = tpu.vector_load %arg5[%get3A_556] {strides = array<i32>} : memref<12560xi32, #tpu.memory_space<vmem>>, vector<16xi32>,
        %mul3A_558 = arith.constant 16 : i32
        %mul3A_559 = arith.muli %scan3A_553, %mul3A_558 : i32
        %add3A_560 = arith.constant 1 : i32
        %add3A_561 = arith.addi %mul3A_559, %add3A_560 : i32
        %get3A_562 = arith.index_cast %add3A_561 : i32 to index
        %get3A_563 = tpu.vector_load %arg5[%get3A_562] {strides = array<i32>} : memref<12560xi32, #tpu.memory_space<vmem>>, vector<16xi32>,
        %mul3A_564 = arith.constant 16 : i32
        %mul3A_565 = arith.muli %scan3A_553, %mul3A_564 : i32
        %get3A_566 = arith.index_cast %mul3A_565 : i32 to index
        %get3A_567 = tpu.vector_load %arg6[%get3A_566] {strides = array<i32>} : memref<12544xf32, #tpu.memory_space<vmem>>, vector<16xf32>,
        %sub3A_568 = vector.broadcast %mul3A_177 : i32 to vector<16xi32>
        %sub3A_569 = arith.subi %get3A_557, %sub3A_568 : vector<16xi32>
        %ne3A_570 = arith.cmpi ne, %get3A_557, %get3A_563 : vector<16xi32>
        tpu.vector_store_idx %arg7[%sub3A_569], %get3A_567 masked %ne3A_570 : memref<50176xf32, #tpu.memory_space<vmem>>[vector<16xi32>], vector<16xf32>, vector<16xi1>
        %scan3A_571 = arith.constant 0 : i32
        scf.yield %scan3A_571 : i32
      }
      %scan3A_184 = arith.constant 784 : i32
      %dma_start3A_185 = arith.constant 0 : i32
      %dma_start3A_186 = tpu.memref_slice %arg4[%add3A_165, %dma_start3A_185] : memref<1536x50176xf32, #tpu.memory_space<hbm>> -> memref<1x50176xf32, #tpu.memory_space<hbm>>
      %dma_start3A_187 = tpu.memref_squeeze %dma_start3A_186 : memref<1x50176xf32, #tpu.memory_space<hbm>> -> memref<50176xf32, #tpu.memory_space<hbm>>
      %dma_start3A_188 = arith.constant 0 : i32
      %dma_start3A_189 = tpu.memref_slice %arg4[%add3A_165, %dma_start3A_188] : memref<1536x50176xf32, #tpu.memory_space<hbm>> -> memref<1x50176xf32, #tpu.memory_space<hbm>>
      %dma_start3A_190 = tpu.memref_squeeze %dma_start3A_189 : memref<1x50176xf32, #tpu.memory_space<hbm>> -> memref<50176xf32, #tpu.memory_space<hbm>>
      tpu.enqueue_dma source(%arg7 : memref<50176xf32, #tpu.memory_space<vmem>>) target(%dma_start3A_190 : memref<50176xf32, #tpu.memory_space<hbm>>) target_semaphore(%arg9 : memref<!tpu.dma_semaphore, #tpu.memory_space<semaphore_mem>>)
      %add3A_191 = arith.constant 1 : i32
      %add3A_192 = arith.addi %add3A_134, %add3A_191 : i32
      %add3A_193 = arith.constant 1 : i32
      %add3A_194 = arith.addi %mul3A_131, %add3A_193 : i32
      %mul3A_195 = arith.constant 48 : i32
      %mul3A_196 = arith.muli %add3A, %mul3A_195 : i32
      %add3A_197 = arith.addi %mul3A_196, %add3A_194 : i32
      %mul3A_198 = arith.constant 12544 : i32
      %mul3A_199 = arith.muli %add3A_197, %mul3A_198 : i32
      %dma_start3A_200 = arith.constant 0 : i32
      %dma_start3A_201 = tpu.memref_slice %arg5[%dma_start3A_200] : memref<12560xi32, #tpu.memory_space<vmem>> -> memref<12544xi32, #tpu.memory_space<vmem>>
      %dma_start3A_202 = tpu.memref_slice %arg2[%mul3A_199] : memref<19267584xi32, #tpu.memory_space<hbm>> -> memref<12544xi32, #tpu.memory_space<hbm>>
      %dma_start3A_203 = arith.constant 0 : i32
      %dma_start3A_204 = tpu.memref_slice %arg5[%dma_start3A_203] : memref<12560xi32, #tpu.memory_space<vmem>> -> memref<12544xi32, #tpu.memory_space<vmem>>
      %dma_start3A_205 = tpu.memref_slice %arg2[%mul3A_199] : memref<19267584xi32, #tpu.memory_space<hbm>> -> memref<12544xi32, #tpu.memory_space<hbm>>
      tpu.enqueue_dma source(%dma_start3A_205 : memref<12544xi32, #tpu.memory_space<hbm>>) target(%dma_start3A_204 : memref<12544xi32, #tpu.memory_space<vmem>>) target_semaphore(%arg11 : memref<!tpu.dma_semaphore, #tpu.memory_space<semaphore_mem>>)
      %dma_start3A_206 = tpu.memref_slice %arg3[%mul3A_199] : memref<19267584xf32, #tpu.memory_space<hbm>> -> memref<12544xf32, #tpu.memory_space<hbm>>
      %dma_start3A_207 = tpu.memref_slice %arg3[%mul3A_199] : memref<19267584xf32, #tpu.memory_space<hbm>> -> memref<12544xf32, #tpu.memory_space<hbm>>
      tpu.enqueue_dma source(%dma_start3A_207 : memref<12544xf32, #tpu.memory_space<hbm>>) target(%arg6 : memref<12544xf32, #tpu.memory_space<vmem>>) target_semaphore(%arg11 : memref<!tpu.dma_semaphore, #tpu.memory_space<semaphore_mem>>)
      %sub3A_208 = arith.constant 2 : i32
      %sub3A_209 = arith.subi %add3A_192, %sub3A_208 : i32
      %dma_wait3A_210 = arith.constant 0 : i32
      %dma_wait3A_211 = tpu.memref_slice %arg4[%sub3A_209, %dma_wait3A_210] : memref<1536x50176xf32, #tpu.memory_space<hbm>> -> memref<1x50176xf32, #tpu.memory_space<hbm>>
      %dma_wait3A_212 = tpu.memref_squeeze %dma_wait3A_211 : memref<1x50176xf32, #tpu.memory_space<hbm>> -> memref<50176xf32, #tpu.memory_space<hbm>>
      %dma_wait3A_213 = arith.constant 0 : i32
      %dma_wait3A_214 = tpu.memref_slice %arg4[%sub3A_209, %dma_wait3A_213] : memref<1536x50176xf32, #tpu.memory_space<hbm>> -> memref<1x50176xf32, #tpu.memory_space<hbm>>
      %dma_wait3A_215 = tpu.memref_squeeze %dma_wait3A_214 : memref<1x50176xf32, #tpu.memory_space<hbm>> -> memref<50176xf32, #tpu.memory_space<hbm>>
      tpu.wait_dma2 semaphore(%arg10 : memref<!tpu.dma_semaphore, #tpu.memory_space<semaphore_mem>>) src(%arg8 : memref<50176xf32, #tpu.memory_space<vmem>>) dst(%dma_wait3A_215 : memref<50176xf32, #tpu.memory_space<hbm>>)
      %scan3A_216 = arith.constant 0 : i32
      %scan3A_217 = arith.constant 0 : i32
      %scan3A_218 = arith.constant 3136 : i32
      %scan3A_219 = arith.addi %scan3A_217, %scan3A_218 : i32
      %scan3A_220 = arith.constant 16 : i32
      %scan3A_221 = scf.for %scan3A_254 = %scan3A_217 to %scan3A_219 step %scan3A_220 iter_args(%scan3A_255 = %scan3A_216) -> (i32)  : i32 {
        %mul3A_256 = arith.constant 16 : i32
        %mul3A_257 = arith.muli %scan3A_254, %mul3A_256 : i32
        %swap3A_258 = arith.index_cast %mul3A_257 : i32 to index
        %swap3A_259 = tpu.vector_load %arg8[%swap3A_258] {strides = array<i32>} : memref<50176xf32, #tpu.memory_space<vmem>>, vector<16xf32>,
        tpu.vector_store %arg8[%swap3A_258], %broadcast_in_dim3A_1 {strides = array<i32>} : memref<50176xf32, #tpu.memory_space<vmem>>, vector<16xf32>,
        %scan3A_260 = arith.constant 0 : i32
        %scan3A_261 = arith.constant 1 : i32
        %scan3A_262 = arith.addi %scan3A_254, %scan3A_261 : i32
        %mul3A_263 = arith.constant 16 : i32
        %mul3A_264 = arith.muli %scan3A_262, %mul3A_263 : i32
        %swap3A_265 = arith.index_cast %mul3A_264 : i32 to index
        %swap3A_266 = tpu.vector_load %arg8[%swap3A_265] {strides = array<i32>} : memref<50176xf32, #tpu.memory_space<vmem>>, vector<16xf32>,
        tpu.vector_store %arg8[%swap3A_265], %broadcast_in_dim3A_1 {strides = array<i32>} : memref<50176xf32, #tpu.memory_space<vmem>>, vector<16xf32>,
        %scan3A_267 = arith.constant 0 : i32
        %scan3A_268 = arith.constant 2 : i32
        %scan3A_269 = arith.addi %scan3A_254, %scan3A_268 : i32
        %mul3A_270 = arith.constant 16 : i32
        %mul3A_271 = arith.muli %scan3A_269, %mul3A_270 : i32
        %swap3A_272 = arith.index_cast %mul3A_271 : i32 to index
        %swap3A_273 = tpu.vector_load %arg8[%swap3A_272] {strides = array<i32>} : memref<50176xf32, #tpu.memory_space<vmem>>, vector<16xf32>,
        tpu.vector_store %arg8[%swap3A_272], %broadcast_in_dim3A_1 {strides = array<i32>} : memref<50176xf32, #tpu.memory_space<vmem>>, vector<16xf32>,
        %scan3A_274 = arith.constant 0 : i32
        %scan3A_275 = arith.constant 3 : i32
        %scan3A_276 = arith.addi %scan3A_254, %scan3A_275 : i32
        %mul3A_277 = arith.constant 16 : i32
        %mul3A_278 = arith.muli %scan3A_276, %mul3A_277 : i32
        %swap3A_279 = arith.index_cast %mul3A_278 : i32 to index
        %swap3A_280 = tpu.vector_load %arg8[%swap3A_279] {strides = array<i32>} : memref<50176xf32, #tpu.memory_space<vmem>>, vector<16xf32>,
        tpu.vector_store %arg8[%swap3A_279], %broadcast_in_dim3A_1 {strides = array<i32>} : memref<50176xf32, #tpu.memory_space<vmem>>, vector<16xf32>,
        %scan3A_281 = arith.constant 0 : i32
        %scan3A_282 = arith.constant 4 : i32
        %scan3A_283 = arith.addi %scan3A_254, %scan3A_282 : i32
        %mul3A_284 = arith.constant 16 : i32
        %mul3A_285 = arith.muli %scan3A_283, %mul3A_284 : i32
        %swap3A_286 = arith.index_cast %mul3A_285 : i32 to index
        %swap3A_287 = tpu.vector_load %arg8[%swap3A_286] {strides = array<i32>} : memref<50176xf32, #tpu.memory_space<vmem>>, vector<16xf32>,
        tpu.vector_store %arg8[%swap3A_286], %broadcast_in_dim3A_1 {strides = array<i32>} : memref<50176xf32, #tpu.memory_space<vmem>>, vector<16xf32>,
        %scan3A_288 = arith.constant 0 : i32
        %scan3A_289 = arith.constant 5 : i32
        %scan3A_290 = arith.addi %scan3A_254, %scan3A_289 : i32
        %mul3A_291 = arith.constant 16 : i32
        %mul3A_292 = arith.muli %scan3A_290, %mul3A_291 : i32
        %swap3A_293 = arith.index_cast %mul3A_292 : i32 to index
        %swap3A_294 = tpu.vector_load %arg8[%swap3A_293] {strides = array<i32>} : memref<50176xf32, #tpu.memory_space<vmem>>, vector<16xf32>,
        tpu.vector_store %arg8[%swap3A_293], %broadcast_in_dim3A_1 {strides = array<i32>} : memref<50176xf32, #tpu.memory_space<vmem>>, vector<16xf32>,
        %scan3A_295 = arith.constant 0 : i32
        %scan3A_296 = arith.constant 6 : i32
        %scan3A_297 = arith.addi %scan3A_254, %scan3A_296 : i32
        %mul3A_298 = arith.constant 16 : i32
        %mul3A_299 = arith.muli %scan3A_297, %mul3A_298 : i32
        %swap3A_300 = arith.index_cast %mul3A_299 : i32 to index
        %swap3A_301 = tpu.vector_load %arg8[%swap3A_300] {strides = array<i32>} : memref<50176xf32, #tpu.memory_space<vmem>>, vector<16xf32>,
        tpu.vector_store %arg8[%swap3A_300], %broadcast_in_dim3A_1 {strides = array<i32>} : memref<50176xf32, #tpu.memory_space<vmem>>, vector<16xf32>,
        %scan3A_302 = arith.constant 0 : i32
        %scan3A_303 = arith.constant 7 : i32
        %scan3A_304 = arith.addi %scan3A_254, %scan3A_303 : i32
        %mul3A_305 = arith.constant 16 : i32
        %mul3A_306 = arith.muli %scan3A_304, %mul3A_305 : i32
        %swap3A_307 = arith.index_cast %mul3A_306 : i32 to index
        %swap3A_308 = tpu.vector_load %arg8[%swap3A_307] {strides = array<i32>} : memref<50176xf32, #tpu.memory_space<vmem>>, vector<16xf32>,
        tpu.vector_store %arg8[%swap3A_307], %broadcast_in_dim3A_1 {strides = array<i32>} : memref<50176xf32, #tpu.memory_space<vmem>>, vector<16xf32>,
        %scan3A_309 = arith.constant 0 : i32
        %scan3A_310 = arith.constant 8 : i32
        %scan3A_311 = arith.addi %scan3A_254, %scan3A_310 : i32
        %mul3A_312 = arith.constant 16 : i32
        %mul3A_313 = arith.muli %scan3A_311, %mul3A_312 : i32
        %swap3A_314 = arith.index_cast %mul3A_313 : i32 to index
        %swap3A_315 = tpu.vector_load %arg8[%swap3A_314] {strides = array<i32>} : memref<50176xf32, #tpu.memory_space<vmem>>, vector<16xf32>,
        tpu.vector_store %arg8[%swap3A_314], %broadcast_in_dim3A_1 {strides = array<i32>} : memref<50176xf32, #tpu.memory_space<vmem>>, vector<16xf32>,
        %scan3A_316 = arith.constant 0 : i32
        %scan3A_317 = arith.constant 9 : i32
        %scan3A_318 = arith.addi %scan3A_254, %scan3A_317 : i32
        %mul3A_319 = arith.constant 16 : i32
        %mul3A_320 = arith.muli %scan3A_318, %mul3A_319 : i32
        %swap3A_321 = arith.index_cast %mul3A_320 : i32 to index
        %swap3A_322 = tpu.vector_load %arg8[%swap3A_321] {strides = array<i32>} : memref<50176xf32, #tpu.memory_space<vmem>>, vector<16xf32>,
        tpu.vector_store %arg8[%swap3A_321], %broadcast_in_dim3A_1 {strides = array<i32>} : memref<50176xf32, #tpu.memory_space<vmem>>, vector<16xf32>,
        %scan3A_323 = arith.constant 0 : i32
        %scan3A_324 = arith.constant 10 : i32
        %scan3A_325 = arith.addi %scan3A_254, %scan3A_324 : i32
        %mul3A_326 = arith.constant 16 : i32
        %mul3A_327 = arith.muli %scan3A_325, %mul3A_326 : i32
        %swap3A_328 = arith.index_cast %mul3A_327 : i32 to index
        %swap3A_329 = tpu.vector_load %arg8[%swap3A_328] {strides = array<i32>} : memref<50176xf32, #tpu.memory_space<vmem>>, vector<16xf32>,
        tpu.vector_store %arg8[%swap3A_328], %broadcast_in_dim3A_1 {strides = array<i32>} : memref<50176xf32, #tpu.memory_space<vmem>>, vector<16xf32>,
        %scan3A_330 = arith.constant 0 : i32
        %scan3A_331 = arith.constant 11 : i32
        %scan3A_332 = arith.addi %scan3A_254, %scan3A_331 : i32
        %mul3A_333 = arith.constant 16 : i32
        %mul3A_334 = arith.muli %scan3A_332, %mul3A_333 : i32
        %swap3A_335 = arith.index_cast %mul3A_334 : i32 to index
        %swap3A_336 = tpu.vector_load %arg8[%swap3A_335] {strides = array<i32>} : memref<50176xf32, #tpu.memory_space<vmem>>, vector<16xf32>,
        tpu.vector_store %arg8[%swap3A_335], %broadcast_in_dim3A_1 {strides = array<i32>} : memref<50176xf32, #tpu.memory_space<vmem>>, vector<16xf32>,
        %scan3A_337 = arith.constant 0 : i32
        %scan3A_338 = arith.constant 12 : i32
        %scan3A_339 = arith.addi %scan3A_254, %scan3A_338 : i32
        %mul3A_340 = arith.constant 16 : i32
        %mul3A_341 = arith.muli %scan3A_339, %mul3A_340 : i32
        %swap3A_342 = arith.index_cast %mul3A_341 : i32 to index
        %swap3A_343 = tpu.vector_load %arg8[%swap3A_342] {strides = array<i32>} : memref<50176xf32, #tpu.memory_space<vmem>>, vector<16xf32>,
        tpu.vector_store %arg8[%swap3A_342], %broadcast_in_dim3A_1 {strides = array<i32>} : memref<50176xf32, #tpu.memory_space<vmem>>, vector<16xf32>,
        %scan3A_344 = arith.constant 0 : i32
        %scan3A_345 = arith.constant 13 : i32
        %scan3A_346 = arith.addi %scan3A_254, %scan3A_345 : i32
        %mul3A_347 = arith.constant 16 : i32
        %mul3A_348 = arith.muli %scan3A_346, %mul3A_347 : i32
        %swap3A_349 = arith.index_cast %mul3A_348 : i32 to index
        %swap3A_350 = tpu.vector_load %arg8[%swap3A_349] {strides = array<i32>} : memref<50176xf32, #tpu.memory_space<vmem>>, vector<16xf32>,
        tpu.vector_store %arg8[%swap3A_349], %broadcast_in_dim3A_1 {strides = array<i32>} : memref<50176xf32, #tpu.memory_space<vmem>>, vector<16xf32>,
        %scan3A_351 = arith.constant 0 : i32
        %scan3A_352 = arith.constant 14 : i32
        %scan3A_353 = arith.addi %scan3A_254, %scan3A_352 : i32
        %mul3A_354 = arith.constant 16 : i32
        %mul3A_355 = arith.muli %scan3A_353, %mul3A_354 : i32
        %swap3A_356 = arith.index_cast %mul3A_355 : i32 to index
        %swap3A_357 = tpu.vector_load %arg8[%swap3A_356] {strides = array<i32>} : memref<50176xf32, #tpu.memory_space<vmem>>, vector<16xf32>,
        tpu.vector_store %arg8[%swap3A_356], %broadcast_in_dim3A_1 {strides = array<i32>} : memref<50176xf32, #tpu.memory_space<vmem>>, vector<16xf32>,
        %scan3A_358 = arith.constant 0 : i32
        %scan3A_359 = arith.constant 15 : i32
        %scan3A_360 = arith.addi %scan3A_254, %scan3A_359 : i32
        %mul3A_361 = arith.constant 16 : i32
        %mul3A_362 = arith.muli %scan3A_360, %mul3A_361 : i32
        %swap3A_363 = arith.index_cast %mul3A_362 : i32 to index
        %swap3A_364 = tpu.vector_load %arg8[%swap3A_363] {strides = array<i32>} : memref<50176xf32, #tpu.memory_space<vmem>>, vector<16xf32>,
        tpu.vector_store %arg8[%swap3A_363], %broadcast_in_dim3A_1 {strides = array<i32>} : memref<50176xf32, #tpu.memory_space<vmem>>, vector<16xf32>,
        %scan3A_365 = arith.constant 0 : i32
        scf.yield %scan3A_365 : i32
      }
      %scan3A_222 = arith.constant 3136 : i32
      %add3A_223 = arith.constant 1 : i32
      %add3A_224 = arith.addi %mul3A_131, %add3A_223 : i32
      %mul3A_225 = arith.constant 48 : i32
      %mul3A_226 = arith.muli %add3A, %mul3A_225 : i32
      %add3A_227 = arith.addi %mul3A_226, %add3A_224 : i32
      %mul3A_228 = arith.constant 12544 : i32
      %mul3A_229 = arith.muli %add3A_227, %mul3A_228 : i32
      %dma_wait3A_230 = arith.constant 0 : i32
      %dma_wait3A_231 = tpu.memref_slice %arg5[%dma_wait3A_230] : memref<12560xi32, #tpu.memory_space<vmem>> -> memref<12544xi32, #tpu.memory_space<vmem>>
      %dma_wait3A_232 = tpu.memref_slice %arg2[%mul3A_229] : memref<19267584xi32, #tpu.memory_space<hbm>> -> memref<12544xi32, #tpu.memory_space<hbm>>
      %dma_wait3A_233 = arith.constant 0 : i32
      %dma_wait3A_234 = tpu.memref_slice %arg5[%dma_wait3A_233] : memref<12560xi32, #tpu.memory_space<vmem>> -> memref<12544xi32, #tpu.memory_space<vmem>>
      %dma_wait3A_235 = tpu.memref_slice %arg2[%mul3A_229] : memref<19267584xi32, #tpu.memory_space<hbm>> -> memref<12544xi32, #tpu.memory_space<hbm>>
      tpu.wait_dma2 semaphore(%arg11 : memref<!tpu.dma_semaphore, #tpu.memory_space<semaphore_mem>>) src(%dma_wait3A_235 : memref<12544xi32, #tpu.memory_space<hbm>>) dst(%dma_wait3A_234 : memref<12544xi32, #tpu.memory_space<vmem>>)
      %dma_wait3A_236 = tpu.memref_slice %arg3[%mul3A_229] : memref<19267584xf32, #tpu.memory_space<hbm>> -> memref<12544xf32, #tpu.memory_space<hbm>>
      %dma_wait3A_237 = tpu.memref_slice %arg3[%mul3A_229] : memref<19267584xf32, #tpu.memory_space<hbm>> -> memref<12544xf32, #tpu.memory_space<hbm>>
      tpu.wait_dma2 semaphore(%arg11 : memref<!tpu.dma_semaphore, #tpu.memory_space<semaphore_mem>>) src(%dma_wait3A_237 : memref<12544xf32, #tpu.memory_space<hbm>>) dst(%arg6 : memref<12544xf32, #tpu.memory_space<vmem>>)
      %mul3A_238 = arith.constant 50176 : i32
      %mul3A_239 = arith.muli %add3A_227, %mul3A_238 : i32
      %scan3A_240 = arith.constant 0 : i32
      %scan3A_241 = arith.constant 0 : i32
      %scan3A_242 = arith.constant 784 : i32
      %scan3A_243 = arith.addi %scan3A_241, %scan3A_242 : i32
      %scan3A_244 = arith.constant 16 : i32
      %scan3A_245 = scf.for %scan3A_254 = %scan3A_241 to %scan3A_243 step %scan3A_244 iter_args(%scan3A_255 = %scan3A_240) -> (i32)  : i32 {
        %mul3A_256 = arith.constant 16 : i32
        %mul3A_257 = arith.muli %scan3A_254, %mul3A_256 : i32
        %get3A = arith.index_cast %mul3A_257 : i32 to index
        %get3A_258 = tpu.vector_load %arg5[%get3A] {strides = array<i32>} : memref<12560xi32, #tpu.memory_space<vmem>>, vector<16xi32>,
        %mul3A_259 = arith.constant 16 : i32
        %mul3A_260 = arith.muli %scan3A_254, %mul3A_259 : i32
        %add3A_261 = arith.constant 1 : i32
        %add3A_262 = arith.addi %mul3A_260, %add3A_261 : i32
        %get3A_263 = arith.index_cast %add3A_262 : i32 to index
        %get3A_264 = tpu.vector_load %arg5[%get3A_263] {strides = array<i32>} : memref<12560xi32, #tpu.memory_space<vmem>>, vector<16xi32>,
        %mul3A_265 = arith.constant 16 : i32
        %mul3A_266 = arith.muli %scan3A_254, %mul3A_265 : i32
        %get3A_267 = arith.index_cast %mul3A_266 : i32 to index
        %get3A_268 = tpu.vector_load %arg6[%get3A_267] {strides = array<i32>} : memref<12544xf32, #tpu.memory_space<vmem>>, vector<16xf32>,
        %sub3A_269 = vector.broadcast %mul3A_239 : i32 to vector<16xi32>
        %sub3A_270 = arith.subi %get3A_258, %sub3A_269 : vector<16xi32>
        %ne3A = arith.cmpi ne, %get3A_258, %get3A_264 : vector<16xi32>
        tpu.vector_store_idx %arg8[%sub3A_270], %get3A_268 masked %ne3A : memref<50176xf32, #tpu.memory_space<vmem>>[vector<16xi32>], vector<16xf32>, vector<16xi1>
        %scan3A_271 = arith.constant 0 : i32
        %scan3A_272 = arith.constant 1 : i32
        %scan3A_273 = arith.addi %scan3A_254, %scan3A_272 : i32
        %mul3A_274 = arith.constant 16 : i32
        %mul3A_275 = arith.muli %scan3A_273, %mul3A_274 : i32
        %get3A_276 = arith.index_cast %mul3A_275 : i32 to index
        %get3A_277 = tpu.vector_load %arg5[%get3A_276] {strides = array<i32>} : memref<12560xi32, #tpu.memory_space<vmem>>, vector<16xi32>,
        %mul3A_278 = arith.constant 16 : i32
        %mul3A_279 = arith.muli %scan3A_273, %mul3A_278 : i32
        %add3A_280 = arith.constant 1 : i32
        %add3A_281 = arith.addi %mul3A_279, %add3A_280 : i32
        %get3A_282 = arith.index_cast %add3A_281 : i32 to index
        %get3A_283 = tpu.vector_load %arg5[%get3A_282] {strides = array<i32>} : memref<12560xi32, #tpu.memory_space<vmem>>, vector<16xi32>,
        %mul3A_284 = arith.constant 16 : i32
        %mul3A_285 = arith.muli %scan3A_273, %mul3A_284 : i32
        %get3A_286 = arith.index_cast %mul3A_285 : i32 to index
        %get3A_287 = tpu.vector_load %arg6[%get3A_286] {strides = array<i32>} : memref<12544xf32, #tpu.memory_space<vmem>>, vector<16xf32>,
        %sub3A_288 = vector.broadcast %mul3A_239 : i32 to vector<16xi32>
        %sub3A_289 = arith.subi %get3A_277, %sub3A_288 : vector<16xi32>
        %ne3A_290 = arith.cmpi ne, %get3A_277, %get3A_283 : vector<16xi32>
        tpu.vector_store_idx %arg8[%sub3A_289], %get3A_287 masked %ne3A_290 : memref<50176xf32, #tpu.memory_space<vmem>>[vector<16xi32>], vector<16xf32>, vector<16xi1>
        %scan3A_291 = arith.constant 0 : i32
        %scan3A_292 = arith.constant 2 : i32
        %scan3A_293 = arith.addi %scan3A_254, %scan3A_292 : i32
        %mul3A_294 = arith.constant 16 : i32
        %mul3A_295 = arith.muli %scan3A_293, %mul3A_294 : i32
        %get3A_296 = arith.index_cast %mul3A_295 : i32 to index
        %get3A_297 = tpu.vector_load %arg5[%get3A_296] {strides = array<i32>} : memref<12560xi32, #tpu.memory_space<vmem>>, vector<16xi32>,
        %mul3A_298 = arith.constant 16 : i32
        %mul3A_299 = arith.muli %scan3A_293, %mul3A_298 : i32
        %add3A_300 = arith.constant 1 : i32
        %add3A_301 = arith.addi %mul3A_299, %add3A_300 : i32
        %get3A_302 = arith.index_cast %add3A_301 : i32 to index
        %get3A_303 = tpu.vector_load %arg5[%get3A_302] {strides = array<i32>} : memref<12560xi32, #tpu.memory_space<vmem>>, vector<16xi32>,
        %mul3A_304 = arith.constant 16 : i32
        %mul3A_305 = arith.muli %scan3A_293, %mul3A_304 : i32
        %get3A_306 = arith.index_cast %mul3A_305 : i32 to index
        %get3A_307 = tpu.vector_load %arg6[%get3A_306] {strides = array<i32>} : memref<12544xf32, #tpu.memory_space<vmem>>, vector<16xf32>,
        %sub3A_308 = vector.broadcast %mul3A_239 : i32 to vector<16xi32>
        %sub3A_309 = arith.subi %get3A_297, %sub3A_308 : vector<16xi32>
        %ne3A_310 = arith.cmpi ne, %get3A_297, %get3A_303 : vector<16xi32>
        tpu.vector_store_idx %arg8[%sub3A_309], %get3A_307 masked %ne3A_310 : memref<50176xf32, #tpu.memory_space<vmem>>[vector<16xi32>], vector<16xf32>, vector<16xi1>
        %scan3A_311 = arith.constant 0 : i32
        %scan3A_312 = arith.constant 3 : i32
        %scan3A_313 = arith.addi %scan3A_254, %scan3A_312 : i32
        %mul3A_314 = arith.constant 16 : i32
        %mul3A_315 = arith.muli %scan3A_313, %mul3A_314 : i32
        %get3A_316 = arith.index_cast %mul3A_315 : i32 to index
        %get3A_317 = tpu.vector_load %arg5[%get3A_316] {strides = array<i32>} : memref<12560xi32, #tpu.memory_space<vmem>>, vector<16xi32>,
        %mul3A_318 = arith.constant 16 : i32
        %mul3A_319 = arith.muli %scan3A_313, %mul3A_318 : i32
        %add3A_320 = arith.constant 1 : i32
        %add3A_321 = arith.addi %mul3A_319, %add3A_320 : i32
        %get3A_322 = arith.index_cast %add3A_321 : i32 to index
        %get3A_323 = tpu.vector_load %arg5[%get3A_322] {strides = array<i32>} : memref<12560xi32, #tpu.memory_space<vmem>>, vector<16xi32>,
        %mul3A_324 = arith.constant 16 : i32
        %mul3A_325 = arith.muli %scan3A_313, %mul3A_324 : i32
        %get3A_326 = arith.index_cast %mul3A_325 : i32 to index
        %get3A_327 = tpu.vector_load %arg6[%get3A_326] {strides = array<i32>} : memref<12544xf32, #tpu.memory_space<vmem>>, vector<16xf32>,
        %sub3A_328 = vector.broadcast %mul3A_239 : i32 to vector<16xi32>
        %sub3A_329 = arith.subi %get3A_317, %sub3A_328 : vector<16xi32>
        %ne3A_330 = arith.cmpi ne, %get3A_317, %get3A_323 : vector<16xi32>
        tpu.vector_store_idx %arg8[%sub3A_329], %get3A_327 masked %ne3A_330 : memref<50176xf32, #tpu.memory_space<vmem>>[vector<16xi32>], vector<16xf32>, vector<16xi1>
        %scan3A_331 = arith.constant 0 : i32
        %scan3A_332 = arith.constant 4 : i32
        %scan3A_333 = arith.addi %scan3A_254, %scan3A_332 : i32
        %mul3A_334 = arith.constant 16 : i32
        %mul3A_335 = arith.muli %scan3A_333, %mul3A_334 : i32
        %get3A_336 = arith.index_cast %mul3A_335 : i32 to index
        %get3A_337 = tpu.vector_load %arg5[%get3A_336] {strides = array<i32>} : memref<12560xi32, #tpu.memory_space<vmem>>, vector<16xi32>,
        %mul3A_338 = arith.constant 16 : i32
        %mul3A_339 = arith.muli %scan3A_333, %mul3A_338 : i32
        %add3A_340 = arith.constant 1 : i32
        %add3A_341 = arith.addi %mul3A_339, %add3A_340 : i32
        %get3A_342 = arith.index_cast %add3A_341 : i32 to index
        %get3A_343 = tpu.vector_load %arg5[%get3A_342] {strides = array<i32>} : memref<12560xi32, #tpu.memory_space<vmem>>, vector<16xi32>,
        %mul3A_344 = arith.constant 16 : i32
        %mul3A_345 = arith.muli %scan3A_333, %mul3A_344 : i32
        %get3A_346 = arith.index_cast %mul3A_345 : i32 to index
        %get3A_347 = tpu.vector_load %arg6[%get3A_346] {strides = array<i32>} : memref<12544xf32, #tpu.memory_space<vmem>>, vector<16xf32>,
        %sub3A_348 = vector.broadcast %mul3A_239 : i32 to vector<16xi32>
        %sub3A_349 = arith.subi %get3A_337, %sub3A_348 : vector<16xi32>
        %ne3A_350 = arith.cmpi ne, %get3A_337, %get3A_343 : vector<16xi32>
        tpu.vector_store_idx %arg8[%sub3A_349], %get3A_347 masked %ne3A_350 : memref<50176xf32, #tpu.memory_space<vmem>>[vector<16xi32>], vector<16xf32>, vector<16xi1>
        %scan3A_351 = arith.constant 0 : i32
        %scan3A_352 = arith.constant 5 : i32
        %scan3A_353 = arith.addi %scan3A_254, %scan3A_352 : i32
        %mul3A_354 = arith.constant 16 : i32
        %mul3A_355 = arith.muli %scan3A_353, %mul3A_354 : i32
        %get3A_356 = arith.index_cast %mul3A_355 : i32 to index
        %get3A_357 = tpu.vector_load %arg5[%get3A_356] {strides = array<i32>} : memref<12560xi32, #tpu.memory_space<vmem>>, vector<16xi32>,
        %mul3A_358 = arith.constant 16 : i32
        %mul3A_359 = arith.muli %scan3A_353, %mul3A_358 : i32
        %add3A_360 = arith.constant 1 : i32
        %add3A_361 = arith.addi %mul3A_359, %add3A_360 : i32
        %get3A_362 = arith.index_cast %add3A_361 : i32 to index
        %get3A_363 = tpu.vector_load %arg5[%get3A_362] {strides = array<i32>} : memref<12560xi32, #tpu.memory_space<vmem>>, vector<16xi32>,
        %mul3A_364 = arith.constant 16 : i32
        %mul3A_365 = arith.muli %scan3A_353, %mul3A_364 : i32
        %get3A_366 = arith.index_cast %mul3A_365 : i32 to index
        %get3A_367 = tpu.vector_load %arg6[%get3A_366] {strides = array<i32>} : memref<12544xf32, #tpu.memory_space<vmem>>, vector<16xf32>,
        %sub3A_368 = vector.broadcast %mul3A_239 : i32 to vector<16xi32>
        %sub3A_369 = arith.subi %get3A_357, %sub3A_368 : vector<16xi32>
        %ne3A_370 = arith.cmpi ne, %get3A_357, %get3A_363 : vector<16xi32>
        tpu.vector_store_idx %arg8[%sub3A_369], %get3A_367 masked %ne3A_370 : memref<50176xf32, #tpu.memory_space<vmem>>[vector<16xi32>], vector<16xf32>, vector<16xi1>
        %scan3A_371 = arith.constant 0 : i32
        %scan3A_372 = arith.constant 6 : i32
        %scan3A_373 = arith.addi %scan3A_254, %scan3A_372 : i32
        %mul3A_374 = arith.constant 16 : i32
        %mul3A_375 = arith.muli %scan3A_373, %mul3A_374 : i32
        %get3A_376 = arith.index_cast %mul3A_375 : i32 to index
        %get3A_377 = tpu.vector_load %arg5[%get3A_376] {strides = array<i32>} : memref<12560xi32, #tpu.memory_space<vmem>>, vector<16xi32>,
        %mul3A_378 = arith.constant 16 : i32
        %mul3A_379 = arith.muli %scan3A_373, %mul3A_378 : i32
        %add3A_380 = arith.constant 1 : i32
        %add3A_381 = arith.addi %mul3A_379, %add3A_380 : i32
        %get3A_382 = arith.index_cast %add3A_381 : i32 to index
        %get3A_383 = tpu.vector_load %arg5[%get3A_382] {strides = array<i32>} : memref<12560xi32, #tpu.memory_space<vmem>>, vector<16xi32>,
        %mul3A_384 = arith.constant 16 : i32
        %mul3A_385 = arith.muli %scan3A_373, %mul3A_384 : i32
        %get3A_386 = arith.index_cast %mul3A_385 : i32 to index
        %get3A_387 = tpu.vector_load %arg6[%get3A_386] {strides = array<i32>} : memref<12544xf32, #tpu.memory_space<vmem>>, vector<16xf32>,
        %sub3A_388 = vector.broadcast %mul3A_239 : i32 to vector<16xi32>
        %sub3A_389 = arith.subi %get3A_377, %sub3A_388 : vector<16xi32>
        %ne3A_390 = arith.cmpi ne, %get3A_377, %get3A_383 : vector<16xi32>
        tpu.vector_store_idx %arg8[%sub3A_389], %get3A_387 masked %ne3A_390 : memref<50176xf32, #tpu.memory_space<vmem>>[vector<16xi32>], vector<16xf32>, vector<16xi1>
        %scan3A_391 = arith.constant 0 : i32
        %scan3A_392 = arith.constant 7 : i32
        %scan3A_393 = arith.addi %scan3A_254, %scan3A_392 : i32
        %mul3A_394 = arith.constant 16 : i32
        %mul3A_395 = arith.muli %scan3A_393, %mul3A_394 : i32
        %get3A_396 = arith.index_cast %mul3A_395 : i32 to index
        %get3A_397 = tpu.vector_load %arg5[%get3A_396] {strides = array<i32>} : memref<12560xi32, #tpu.memory_space<vmem>>, vector<16xi32>,
        %mul3A_398 = arith.constant 16 : i32
        %mul3A_399 = arith.muli %scan3A_393, %mul3A_398 : i32
        %add3A_400 = arith.constant 1 : i32
        %add3A_401 = arith.addi %mul3A_399, %add3A_400 : i32
        %get3A_402 = arith.index_cast %add3A_401 : i32 to index
        %get3A_403 = tpu.vector_load %arg5[%get3A_402] {strides = array<i32>} : memref<12560xi32, #tpu.memory_space<vmem>>, vector<16xi32>,
        %mul3A_404 = arith.constant 16 : i32
        %mul3A_405 = arith.muli %scan3A_393, %mul3A_404 : i32
        %get3A_406 = arith.index_cast %mul3A_405 : i32 to index
        %get3A_407 = tpu.vector_load %arg6[%get3A_406] {strides = array<i32>} : memref<12544xf32, #tpu.memory_space<vmem>>, vector<16xf32>,
        %sub3A_408 = vector.broadcast %mul3A_239 : i32 to vector<16xi32>
        %sub3A_409 = arith.subi %get3A_397, %sub3A_408 : vector<16xi32>
        %ne3A_410 = arith.cmpi ne, %get3A_397, %get3A_403 : vector<16xi32>
        tpu.vector_store_idx %arg8[%sub3A_409], %get3A_407 masked %ne3A_410 : memref<50176xf32, #tpu.memory_space<vmem>>[vector<16xi32>], vector<16xf32>, vector<16xi1>
        %scan3A_411 = arith.constant 0 : i32
        %scan3A_412 = arith.constant 8 : i32
        %scan3A_413 = arith.addi %scan3A_254, %scan3A_412 : i32
        %mul3A_414 = arith.constant 16 : i32
        %mul3A_415 = arith.muli %scan3A_413, %mul3A_414 : i32
        %get3A_416 = arith.index_cast %mul3A_415 : i32 to index
        %get3A_417 = tpu.vector_load %arg5[%get3A_416] {strides = array<i32>} : memref<12560xi32, #tpu.memory_space<vmem>>, vector<16xi32>,
        %mul3A_418 = arith.constant 16 : i32
        %mul3A_419 = arith.muli %scan3A_413, %mul3A_418 : i32
        %add3A_420 = arith.constant 1 : i32
        %add3A_421 = arith.addi %mul3A_419, %add3A_420 : i32
        %get3A_422 = arith.index_cast %add3A_421 : i32 to index
        %get3A_423 = tpu.vector_load %arg5[%get3A_422] {strides = array<i32>} : memref<12560xi32, #tpu.memory_space<vmem>>, vector<16xi32>,
        %mul3A_424 = arith.constant 16 : i32
        %mul3A_425 = arith.muli %scan3A_413, %mul3A_424 : i32
        %get3A_426 = arith.index_cast %mul3A_425 : i32 to index
        %get3A_427 = tpu.vector_load %arg6[%get3A_426] {strides = array<i32>} : memref<12544xf32, #tpu.memory_space<vmem>>, vector<16xf32>,
        %sub3A_428 = vector.broadcast %mul3A_239 : i32 to vector<16xi32>
        %sub3A_429 = arith.subi %get3A_417, %sub3A_428 : vector<16xi32>
        %ne3A_430 = arith.cmpi ne, %get3A_417, %get3A_423 : vector<16xi32>
        tpu.vector_store_idx %arg8[%sub3A_429], %get3A_427 masked %ne3A_430 : memref<50176xf32, #tpu.memory_space<vmem>>[vector<16xi32>], vector<16xf32>, vector<16xi1>
        %scan3A_431 = arith.constant 0 : i32
        %scan3A_432 = arith.constant 9 : i32
        %scan3A_433 = arith.addi %scan3A_254, %scan3A_432 : i32
        %mul3A_434 = arith.constant 16 : i32
        %mul3A_435 = arith.muli %scan3A_433, %mul3A_434 : i32
        %get3A_436 = arith.index_cast %mul3A_435 : i32 to index
        %get3A_437 = tpu.vector_load %arg5[%get3A_436] {strides = array<i32>} : memref<12560xi32, #tpu.memory_space<vmem>>, vector<16xi32>,
        %mul3A_438 = arith.constant 16 : i32
        %mul3A_439 = arith.muli %scan3A_433, %mul3A_438 : i32
        %add3A_440 = arith.constant 1 : i32
        %add3A_441 = arith.addi %mul3A_439, %add3A_440 : i32
        %get3A_442 = arith.index_cast %add3A_441 : i32 to index
        %get3A_443 = tpu.vector_load %arg5[%get3A_442] {strides = array<i32>} : memref<12560xi32, #tpu.memory_space<vmem>>, vector<16xi32>,
        %mul3A_444 = arith.constant 16 : i32
        %mul3A_445 = arith.muli %scan3A_433, %mul3A_444 : i32
        %get3A_446 = arith.index_cast %mul3A_445 : i32 to index
        %get3A_447 = tpu.vector_load %arg6[%get3A_446] {strides = array<i32>} : memref<12544xf32, #tpu.memory_space<vmem>>, vector<16xf32>,
        %sub3A_448 = vector.broadcast %mul3A_239 : i32 to vector<16xi32>
        %sub3A_449 = arith.subi %get3A_437, %sub3A_448 : vector<16xi32>
        %ne3A_450 = arith.cmpi ne, %get3A_437, %get3A_443 : vector<16xi32>
        tpu.vector_store_idx %arg8[%sub3A_449], %get3A_447 masked %ne3A_450 : memref<50176xf32, #tpu.memory_space<vmem>>[vector<16xi32>], vector<16xf32>, vector<16xi1>
        %scan3A_451 = arith.constant 0 : i32
        %scan3A_452 = arith.constant 10 : i32
        %scan3A_453 = arith.addi %scan3A_254, %scan3A_452 : i32
        %mul3A_454 = arith.constant 16 : i32
        %mul3A_455 = arith.muli %scan3A_453, %mul3A_454 : i32
        %get3A_456 = arith.index_cast %mul3A_455 : i32 to index
        %get3A_457 = tpu.vector_load %arg5[%get3A_456] {strides = array<i32>} : memref<12560xi32, #tpu.memory_space<vmem>>, vector<16xi32>,
        %mul3A_458 = arith.constant 16 : i32
        %mul3A_459 = arith.muli %scan3A_453, %mul3A_458 : i32
        %add3A_460 = arith.constant 1 : i32
        %add3A_461 = arith.addi %mul3A_459, %add3A_460 : i32
        %get3A_462 = arith.index_cast %add3A_461 : i32 to index
        %get3A_463 = tpu.vector_load %arg5[%get3A_462] {strides = array<i32>} : memref<12560xi32, #tpu.memory_space<vmem>>, vector<16xi32>,
        %mul3A_464 = arith.constant 16 : i32
        %mul3A_465 = arith.muli %scan3A_453, %mul3A_464 : i32
        %get3A_466 = arith.index_cast %mul3A_465 : i32 to index
        %get3A_467 = tpu.vector_load %arg6[%get3A_466] {strides = array<i32>} : memref<12544xf32, #tpu.memory_space<vmem>>, vector<16xf32>,
        %sub3A_468 = vector.broadcast %mul3A_239 : i32 to vector<16xi32>
        %sub3A_469 = arith.subi %get3A_457, %sub3A_468 : vector<16xi32>
        %ne3A_470 = arith.cmpi ne, %get3A_457, %get3A_463 : vector<16xi32>
        tpu.vector_store_idx %arg8[%sub3A_469], %get3A_467 masked %ne3A_470 : memref<50176xf32, #tpu.memory_space<vmem>>[vector<16xi32>], vector<16xf32>, vector<16xi1>
        %scan3A_471 = arith.constant 0 : i32
        %scan3A_472 = arith.constant 11 : i32
        %scan3A_473 = arith.addi %scan3A_254, %scan3A_472 : i32
        %mul3A_474 = arith.constant 16 : i32
        %mul3A_475 = arith.muli %scan3A_473, %mul3A_474 : i32
        %get3A_476 = arith.index_cast %mul3A_475 : i32 to index
        %get3A_477 = tpu.vector_load %arg5[%get3A_476] {strides = array<i32>} : memref<12560xi32, #tpu.memory_space<vmem>>, vector<16xi32>,
        %mul3A_478 = arith.constant 16 : i32
        %mul3A_479 = arith.muli %scan3A_473, %mul3A_478 : i32
        %add3A_480 = arith.constant 1 : i32
        %add3A_481 = arith.addi %mul3A_479, %add3A_480 : i32
        %get3A_482 = arith.index_cast %add3A_481 : i32 to index
        %get3A_483 = tpu.vector_load %arg5[%get3A_482] {strides = array<i32>} : memref<12560xi32, #tpu.memory_space<vmem>>, vector<16xi32>,
        %mul3A_484 = arith.constant 16 : i32
        %mul3A_485 = arith.muli %scan3A_473, %mul3A_484 : i32
        %get3A_486 = arith.index_cast %mul3A_485 : i32 to index
        %get3A_487 = tpu.vector_load %arg6[%get3A_486] {strides = array<i32>} : memref<12544xf32, #tpu.memory_space<vmem>>, vector<16xf32>,
        %sub3A_488 = vector.broadcast %mul3A_239 : i32 to vector<16xi32>
        %sub3A_489 = arith.subi %get3A_477, %sub3A_488 : vector<16xi32>
        %ne3A_490 = arith.cmpi ne, %get3A_477, %get3A_483 : vector<16xi32>
        tpu.vector_store_idx %arg8[%sub3A_489], %get3A_487 masked %ne3A_490 : memref<50176xf32, #tpu.memory_space<vmem>>[vector<16xi32>], vector<16xf32>, vector<16xi1>
        %scan3A_491 = arith.constant 0 : i32
        %scan3A_492 = arith.constant 12 : i32
        %scan3A_493 = arith.addi %scan3A_254, %scan3A_492 : i32
        %mul3A_494 = arith.constant 16 : i32
        %mul3A_495 = arith.muli %scan3A_493, %mul3A_494 : i32
        %get3A_496 = arith.index_cast %mul3A_495 : i32 to index
        %get3A_497 = tpu.vector_load %arg5[%get3A_496] {strides = array<i32>} : memref<12560xi32, #tpu.memory_space<vmem>>, vector<16xi32>,
        %mul3A_498 = arith.constant 16 : i32
        %mul3A_499 = arith.muli %scan3A_493, %mul3A_498 : i32
        %add3A_500 = arith.constant 1 : i32
        %add3A_501 = arith.addi %mul3A_499, %add3A_500 : i32
        %get3A_502 = arith.index_cast %add3A_501 : i32 to index
        %get3A_503 = tpu.vector_load %arg5[%get3A_502] {strides = array<i32>} : memref<12560xi32, #tpu.memory_space<vmem>>, vector<16xi32>,
        %mul3A_504 = arith.constant 16 : i32
        %mul3A_505 = arith.muli %scan3A_493, %mul3A_504 : i32
        %get3A_506 = arith.index_cast %mul3A_505 : i32 to index
        %get3A_507 = tpu.vector_load %arg6[%get3A_506] {strides = array<i32>} : memref<12544xf32, #tpu.memory_space<vmem>>, vector<16xf32>,
        %sub3A_508 = vector.broadcast %mul3A_239 : i32 to vector<16xi32>
        %sub3A_509 = arith.subi %get3A_497, %sub3A_508 : vector<16xi32>
        %ne3A_510 = arith.cmpi ne, %get3A_497, %get3A_503 : vector<16xi32>
        tpu.vector_store_idx %arg8[%sub3A_509], %get3A_507 masked %ne3A_510 : memref<50176xf32, #tpu.memory_space<vmem>>[vector<16xi32>], vector<16xf32>, vector<16xi1>
        %scan3A_511 = arith.constant 0 : i32
        %scan3A_512 = arith.constant 13 : i32
        %scan3A_513 = arith.addi %scan3A_254, %scan3A_512 : i32
        %mul3A_514 = arith.constant 16 : i32
        %mul3A_515 = arith.muli %scan3A_513, %mul3A_514 : i32
        %get3A_516 = arith.index_cast %mul3A_515 : i32 to index
        %get3A_517 = tpu.vector_load %arg5[%get3A_516] {strides = array<i32>} : memref<12560xi32, #tpu.memory_space<vmem>>, vector<16xi32>,
        %mul3A_518 = arith.constant 16 : i32
        %mul3A_519 = arith.muli %scan3A_513, %mul3A_518 : i32
        %add3A_520 = arith.constant 1 : i32
        %add3A_521 = arith.addi %mul3A_519, %add3A_520 : i32
        %get3A_522 = arith.index_cast %add3A_521 : i32 to index
        %get3A_523 = tpu.vector_load %arg5[%get3A_522] {strides = array<i32>} : memref<12560xi32, #tpu.memory_space<vmem>>, vector<16xi32>,
        %mul3A_524 = arith.constant 16 : i32
        %mul3A_525 = arith.muli %scan3A_513, %mul3A_524 : i32
        %get3A_526 = arith.index_cast %mul3A_525 : i32 to index
        %get3A_527 = tpu.vector_load %arg6[%get3A_526] {strides = array<i32>} : memref<12544xf32, #tpu.memory_space<vmem>>, vector<16xf32>,
        %sub3A_528 = vector.broadcast %mul3A_239 : i32 to vector<16xi32>
        %sub3A_529 = arith.subi %get3A_517, %sub3A_528 : vector<16xi32>
        %ne3A_530 = arith.cmpi ne, %get3A_517, %get3A_523 : vector<16xi32>
        tpu.vector_store_idx %arg8[%sub3A_529], %get3A_527 masked %ne3A_530 : memref<50176xf32, #tpu.memory_space<vmem>>[vector<16xi32>], vector<16xf32>, vector<16xi1>
        %scan3A_531 = arith.constant 0 : i32
        %scan3A_532 = arith.constant 14 : i32
        %scan3A_533 = arith.addi %scan3A_254, %scan3A_532 : i32
        %mul3A_534 = arith.constant 16 : i32
        %mul3A_535 = arith.muli %scan3A_533, %mul3A_534 : i32
        %get3A_536 = arith.index_cast %mul3A_535 : i32 to index
        %get3A_537 = tpu.vector_load %arg5[%get3A_536] {strides = array<i32>} : memref<12560xi32, #tpu.memory_space<vmem>>, vector<16xi32>,
        %mul3A_538 = arith.constant 16 : i32
        %mul3A_539 = arith.muli %scan3A_533, %mul3A_538 : i32
        %add3A_540 = arith.constant 1 : i32
        %add3A_541 = arith.addi %mul3A_539, %add3A_540 : i32
        %get3A_542 = arith.index_cast %add3A_541 : i32 to index
        %get3A_543 = tpu.vector_load %arg5[%get3A_542] {strides = array<i32>} : memref<12560xi32, #tpu.memory_space<vmem>>, vector<16xi32>,
        %mul3A_544 = arith.constant 16 : i32
        %mul3A_545 = arith.muli %scan3A_533, %mul3A_544 : i32
        %get3A_546 = arith.index_cast %mul3A_545 : i32 to index
        %get3A_547 = tpu.vector_load %arg6[%get3A_546] {strides = array<i32>} : memref<12544xf32, #tpu.memory_space<vmem>>, vector<16xf32>,
        %sub3A_548 = vector.broadcast %mul3A_239 : i32 to vector<16xi32>
        %sub3A_549 = arith.subi %get3A_537, %sub3A_548 : vector<16xi32>
        %ne3A_550 = arith.cmpi ne, %get3A_537, %get3A_543 : vector<16xi32>
        tpu.vector_store_idx %arg8[%sub3A_549], %get3A_547 masked %ne3A_550 : memref<50176xf32, #tpu.memory_space<vmem>>[vector<16xi32>], vector<16xf32>, vector<16xi1>
        %scan3A_551 = arith.constant 0 : i32
        %scan3A_552 = arith.constant 15 : i32
        %scan3A_553 = arith.addi %scan3A_254, %scan3A_552 : i32
        %mul3A_554 = arith.constant 16 : i32
        %mul3A_555 = arith.muli %scan3A_553, %mul3A_554 : i32
        %get3A_556 = arith.index_cast %mul3A_555 : i32 to index
        %get3A_557 = tpu.vector_load %arg5[%get3A_556] {strides = array<i32>} : memref<12560xi32, #tpu.memory_space<vmem>>, vector<16xi32>,
        %mul3A_558 = arith.constant 16 : i32
        %mul3A_559 = arith.muli %scan3A_553, %mul3A_558 : i32
        %add3A_560 = arith.constant 1 : i32
        %add3A_561 = arith.addi %mul3A_559, %add3A_560 : i32
        %get3A_562 = arith.index_cast %add3A_561 : i32 to index
        %get3A_563 = tpu.vector_load %arg5[%get3A_562] {strides = array<i32>} : memref<12560xi32, #tpu.memory_space<vmem>>, vector<16xi32>,
        %mul3A_564 = arith.constant 16 : i32
        %mul3A_565 = arith.muli %scan3A_553, %mul3A_564 : i32
        %get3A_566 = arith.index_cast %mul3A_565 : i32 to index
        %get3A_567 = tpu.vector_load %arg6[%get3A_566] {strides = array<i32>} : memref<12544xf32, #tpu.memory_space<vmem>>, vector<16xf32>,
        %sub3A_568 = vector.broadcast %mul3A_239 : i32 to vector<16xi32>
        %sub3A_569 = arith.subi %get3A_557, %sub3A_568 : vector<16xi32>
        %ne3A_570 = arith.cmpi ne, %get3A_557, %get3A_563 : vector<16xi32>
        tpu.vector_store_idx %arg8[%sub3A_569], %get3A_567 masked %ne3A_570 : memref<50176xf32, #tpu.memory_space<vmem>>[vector<16xi32>], vector<16xf32>, vector<16xi1>
        %scan3A_571 = arith.constant 0 : i32
        scf.yield %scan3A_571 : i32
      }
      %scan3A_246 = arith.constant 784 : i32
      %dma_start3A_247 = arith.constant 0 : i32
      %dma_start3A_248 = tpu.memref_slice %arg4[%add3A_227, %dma_start3A_247] : memref<1536x50176xf32, #tpu.memory_space<hbm>> -> memref<1x50176xf32, #tpu.memory_space<hbm>>
      %dma_start3A_249 = tpu.memref_squeeze %dma_start3A_248 : memref<1x50176xf32, #tpu.memory_space<hbm>> -> memref<50176xf32, #tpu.memory_space<hbm>>
      %dma_start3A_250 = arith.constant 0 : i32
      %dma_start3A_251 = tpu.memref_slice %arg4[%add3A_227, %dma_start3A_250] : memref<1536x50176xf32, #tpu.memory_space<hbm>> -> memref<1x50176xf32, #tpu.memory_space<hbm>>
      %dma_start3A_252 = tpu.memref_squeeze %dma_start3A_251 : memref<1x50176xf32, #tpu.memory_space<hbm>> -> memref<50176xf32, #tpu.memory_space<hbm>>
      tpu.enqueue_dma source(%arg8 : memref<50176xf32, #tpu.memory_space<vmem>>) target(%dma_start3A_252 : memref<50176xf32, #tpu.memory_space<hbm>>) target_semaphore(%arg10 : memref<!tpu.dma_semaphore, #tpu.memory_space<semaphore_mem>>)
      %scan3A_253 = arith.constant 0 : i32
      scf.yield %scan3A_253 : i32
    }
    %scan3A_108 = arith.constant 23 : i32
    %mul3A_109 = arith.constant 48 : i32
    %mul3A_110 = arith.muli %add3A, %mul3A_109 : i32
    %add3A_111 = arith.constant 48 : i32
    %add3A_112 = arith.addi %mul3A_110, %add3A_111 : i32
    %sub3A = arith.constant 2 : i32
    %sub3A_113 = arith.subi %add3A_112, %sub3A : i32
    %dma_wait3A_114 = arith.constant 0 : i32
    %dma_wait3A_115 = tpu.memref_slice %arg4[%sub3A_113, %dma_wait3A_114] : memref<1536x50176xf32, #tpu.memory_space<hbm>> -> memref<1x50176xf32, #tpu.memory_space<hbm>>
    %dma_wait3A_116 = tpu.memref_squeeze %dma_wait3A_115 : memref<1x50176xf32, #tpu.memory_space<hbm>> -> memref<50176xf32, #tpu.memory_space<hbm>>
    %dma_wait3A_117 = arith.constant 0 : i32
    %dma_wait3A_118 = tpu.memref_slice %arg4[%sub3A_113, %dma_wait3A_117] : memref<1536x50176xf32, #tpu.memory_space<hbm>> -> memref<1x50176xf32, #tpu.memory_space<hbm>>
    %dma_wait3A_119 = tpu.memref_squeeze %dma_wait3A_118 : memref<1x50176xf32, #tpu.memory_space<hbm>> -> memref<50176xf32, #tpu.memory_space<hbm>>
    tpu.wait_dma2 semaphore(%arg9 : memref<!tpu.dma_semaphore, #tpu.memory_space<semaphore_mem>>) src(%arg7 : memref<50176xf32, #tpu.memory_space<vmem>>) dst(%dma_wait3A_119 : memref<50176xf32, #tpu.memory_space<hbm>>)
    %sub3A_120 = arith.constant 1 : i32
    %sub3A_121 = arith.subi %add3A_112, %sub3A_120 : i32
    %dma_wait3A_122 = arith.constant 0 : i32
    %dma_wait3A_123 = tpu.memref_slice %arg4[%sub3A_121, %dma_wait3A_122] : memref<1536x50176xf32, #tpu.memory_space<hbm>> -> memref<1x50176xf32, #tpu.memory_space<hbm>>
    %dma_wait3A_124 = tpu.memref_squeeze %dma_wait3A_123 : memref<1x50176xf32, #tpu.memory_space<hbm>> -> memref<50176xf32, #tpu.memory_space<hbm>>
    %dma_wait3A_125 = arith.constant 0 : i32
    %dma_wait3A_126 = tpu.memref_slice %arg4[%sub3A_121, %dma_wait3A_125] : memref<1536x50176xf32, #tpu.memory_space<hbm>> -> memref<1x50176xf32, #tpu.memory_space<hbm>>
    %dma_wait3A_127 = tpu.memref_squeeze %dma_wait3A_126 : memref<1x50176xf32, #tpu.memory_space<hbm>> -> memref<50176xf32, #tpu.memory_space<hbm>>
    tpu.wait_dma2 semaphore(%arg10 : memref<!tpu.dma_semaphore, #tpu.memory_space<semaphore_mem>>) src(%arg8 : memref<50176xf32, #tpu.memory_space<vmem>>) dst(%dma_wait3A_127 : memref<50176xf32, #tpu.memory_space<hbm>>)
    return
  }
}

</mosaic_0001>

<sc_bundles>
// kernel: _unpool.3.cloned.1.call-start
scs
__scs_entry_jumppad:
0x0: {  	(pc) =	sbr.rel $0x88, $3  }
0x1: {  	(tag) =	ssettag $0x0;
	lr =	simm.s32 $0x1  }
0x2: {  	[smem:$0x3F9F] =	sst lr;
	_ =	strace $0xD0000000  }
0x3: {  	_ = 	snop  }
0x4: {  	_ = 	snop  }
0x5: {  	_ = 	snop  }
0x6: {  	_ = 	snop  }
0x7: {  	_ = 	snop  }
__scs_overlays_trampoline_lowered:
0x8: {  	[smem:$0x3FAE] =	sst s0  }
0x9: {  	[smem:$0x3FAF] =	sst s1  }
0xa: {  	[smem:$0x3FB0] =	sst s2  }
0xb: {  	[smem:$0x3FB1] =	sst s3  }
0xc: {  	[smem:$0x3FB2] =	sst s4  }
0xd: {  	[smem:$0x3FB3] =	sst s5  }
0xe: {  	[smem:$0x3FB4] =	sst s6  }
0xf: {  	[smem:$0x3FB5] =	sst s7  }
0x10: {  	[smem:$0x3FB6] =	sst s8  }
0x11: {  	[smem:$0x3FB7] =	sst s9;
	s0 =	simm.s32 @!p0 $0x0  }
0x12: {  	s1 =	sld [smem:$0x3F9D];
	s0 =	simm.s32 @p0 $0x1  }
0x13: {  	[smem:$0x3FB8] =	sst s0;
	s0 =	simm.s32 @!p1 $0x0  }
0x14: {  	s2 =	sld [smem:$0x3F9C];
	s0 =	simm.s32 @p1 $0x1  }
0x15: {  	[smem:$0x3FB9] =	sst s0;
	s0 =	simm.s32 @!p2 $0x0  }
0x16: {  	s3 =	sld [smem:$0x3FDB];
	s0 =	simm.s32 @p2 $0x1  }
0x17: {  	s4 =	simm.s32 $0x1BF5;
	[smem:$0x3FBB] =	sst s0  }
0x18: {  	s0 =	sld [smem:$0x3F9E];
	_ =	swait.ge [sflag:s4], $0x0  }
0x19: {  	s7 =	sld [smem:$0x3F9F]  }
0x1a: {  	s8 =	sadd.s32 $0xFFFFE003, lr  }
0x1b: {  	s9 =	sadd.s32 $0xFFFFFEF7, lr;
	s5 =	simm.s32 $0xFFFFFFFF;
	p2 =	slt.u32 s8, $0xFFFFF086  }
0x1c: {  	p1 =	slt.u32 s9, $0xF7A;
	s5 =	simm.s32 @!p2 $0x0  }
0x1d: {  	s5 =	simm.s32 @p1 $0x1;
	p0 =	seq.s32 s7, s2  }
0x1e: {  	s7 =	smul.u32 @!p0 $0xF7A, s2;
	p2 =	seq.s32 @!p0 s5, $0x0  }
0x1f: {  	s9 =	smul.u32 $0xF7A, s1;
	s8 =	simm.s32 @!p0 $0x1BF5;
	p2 =	por !p2, p0  }
0x20: {  	[sflag:s8] =	ssyncset.s32 @!p0 $0xFFFFF086;
	s6 =	sadd.s32 @!p0 s3, s7;
	s7 =	simm.s32 @!p0 $0x108  }
0x21: {  	s3 =	sadd.s32 s3, s9;
	s6 =	sadd.s32 @!p0 $0x88, s6;
	s7 =	simm.s32 @p2 $0x1082  }
0x22: {  	[simem:s7], [sflag:s8] =	dma.local @!p0 [hbm:s6], $0xF7A  }
0x23: {  	s9 =	sor.u32 $0xD0000000, s2;
	s6 =	simm.s32 $0x108;
	_ =	swait.ge @!p0 [sflag:s8], $0x0  }
0x24: {  	s3 =	sadd.s32 $0x88, s3;
	s6 =	simm.s32 @!p1 $0x1082;
	[sflag:s4] =	ssyncset.s32 $0xFFFFF086  }
0x25: {  	[simem:s6], [sflag:s4] =	dma.local [hbm:s3], $0xF7A  }
0x26: {  	[smem:$0x3F9F] =	sst s1;
	(tag) =	ssettag s2;
	_ =	strace s9  }
0x27: {  	s1 =	sld [smem:$0x3FAF]  }
0x28: {  	s2 =	sld [smem:$0x3FB0]  }
0x29: {  	s4 =	sld [smem:$0x3FB2]  }
0x2a: {  	p0 =	seq.s32 s5, $0x0;
	s5 =	sld [smem:$0x3FB3]  }
0x2b: {  	s6 =	sld [smem:$0x3FB4]  }
0x2c: {  	s7 =	sld [smem:$0x3FB5]  }
0x2d: {  	s3 =	simm.s32 $0x108;
	s8 =	sld [smem:$0x3FB6]  }
0x2e: {  	s3 =	simm.s32 @!p0 $0x1082;
	s9 =	sld [smem:$0x3FB7]  }
0x2f: {  	lr =	sadd.s32 s0, s3;
	s0 =	sld [smem:$0x3FAE]  }
0x30: {  	s3 =	sld [smem:$0x3FB1]  }
0x31: {  	[smem:$0x3FBA] =	sst s10  }
0x32: {  	s10 =	sld [smem:$0x3FB8];
	_ =	sdelay $0x3  }
0x33: {  	p0 =	seq.s32 s10, $0x1;
	s10 =	sld [smem:$0x3FBA];
	_ =	sdelay $0x3  }
0x34: {  	[smem:$0x3FBA] =	sst s10  }
0x35: {  	s10 =	sld [smem:$0x3FB9];
	_ =	sdelay $0x3  }
0x36: {  	p1 =	seq.s32 s10, $0x1;
	s10 =	sld [smem:$0x3FBA];
	_ =	sdelay $0x3  }
0x37: {  	[smem:$0x3FBA] =	sst s10  }
0x38: {  	s10 =	sld [smem:$0x3FBB]  }
0x39: {  	_ = 	snop;
	(pc) =	sbr.ind lr, $3  }
0x3a: {  	_ = 	snop  }
0x3b: {  	_ = 	snop  }
0x3c: {  	p2 =	seq.s32 s10, $0x1;
	s10 =	sld [smem:$0x3FBA]  }
0x3d: {  	_ =	shalt  }
0x3e: {  	_ =	shalt  }
0x3f: {  	_ =	shalt  }
0x40: {  	_ =	shalt  }
0x41: {  	_ =	shalt  }
0x42: {  	_ =	shalt  }
0x43: {  	_ =	shalt  }
0x44: {  	_ =	shalt  }
0x45: {  	_ =	shalt  }
0x46: {  	_ =	shalt  }
0x47: {  	_ =	shalt  }
0x48: {  	_ =	shalt  }
0x49: {  	_ =	shalt  }
0x4a: {  	_ =	shalt  }
0x4b: {  	_ =	shalt  }
0x4c: {  	_ =	shalt  }
0x4d: {  	_ =	shalt  }
0x4e: {  	_ =	shalt  }
0x4f: {  	_ =	shalt  }
0x50: {  	_ =	shalt  }
0x51: {  	_ =	shalt  }
0x52: {  	_ =	shalt  }
0x53: {  	_ =	shalt  }
0x54: {  	_ =	shalt  }
0x55: {  	_ =	shalt  }
0x56: {  	_ =	shalt  }
0x57: {  	_ =	shalt  }
0x58: {  	_ =	shalt  }
0x59: {  	_ =	shalt  }
0x5a: {  	_ =	shalt  }
0x5b: {  	_ =	shalt  }
0x5c: {  	_ =	shalt  }
0x5d: {  	_ =	shalt  }
0x5e: {  	_ =	shalt  }
0x5f: {  	_ =	shalt  }
0x60: {  	_ =	shalt  }
0x61: {  	_ =	shalt  }
0x62: {  	_ =	shalt  }
0x63: {  	_ =	shalt  }
0x64: {  	_ =	shalt  }
0x65: {  	_ =	shalt  }
0x66: {  	_ =	shalt  }
0x67: {  	_ =	shalt  }
0x68: {  	_ =	shalt  }
0x69: {  	_ =	shalt  }
0x6a: {  	_ =	shalt  }
0x6b: {  	_ =	shalt  }
0x6c: {  	_ =	shalt  }
0x6d: {  	_ =	shalt  }
0x6e: {  	_ =	shalt  }
0x6f: {  	_ =	shalt  }
0x70: {  	_ =	shalt  }
0x71: {  	_ =	shalt  }
0x72: {  	_ =	shalt  }
0x73: {  	_ =	shalt  }
0x74: {  	_ =	shalt  }
0x75: {  	_ =	shalt  }
0x76: {  	_ =	shalt  }
0x77: {  	_ =	shalt  }
0x78: {  	_ =	shalt  }
0x79: {  	_ =	shalt  }
0x7a: {  	_ =	shalt  }
0x7b: {  	_ =	shalt  }
0x7c: {  	_ =	shalt  }
0x7d: {  	_ =	shalt  }
0x7e: {  	_ =	shalt  }
0x7f: {  	_ =	shalt  }
0x80: {  	_ =	shalt  }
0x81: {  	_ =	shalt  }
0x82: {  	_ =	shalt  }
0x83: {  	_ =	shalt  }
0x84: {  	_ =	shalt  }
0x85: {  	_ =	shalt  }
0x86: {  	_ =	shalt  }
0x87: {  	_ =	shalt  }
.Lfunc_end0:
.L_simem_size_0:
called_computation_lowered:
.L_overlay_start_0:
0x88: {  	s2 =	sld [smem:$0x3FD9]  }
0x89: {  	s3 =	sld [smem:$0x3FFE];
	_ =	sdelay $0x1  }
0x8a: {  	s1 =	srdreg.scid  }
0x8b: {  	s0 =	sand.u32 $0x1, s1  }
0x8c: {  	s18 =	sshll.u32 s0, $0xA;
	s2 =	sadd.s32 s3, s2  }
0x8d: {  	s2 =	sadd.s32 s2, s18  }
0x8e: {  	[smem:$0x3FC6] =	sst s2  }
0x8f: {  	_ = 	snop  }
0x90: {  	s2 =	sld [smem:$0x3FC9]  }
0x91: {  	s19 =	sld [smem:$0x3FC8]  }
0x92: {  	s4 =	sld [smem:$0x3FD0];
	(tm) =	ssettm $0x1  }
0x93: {  	s5 =	sld [smem:$0x3FFB];
	_ =	sdelay $0x3  }
0x94: {  	_ =	strace s5  }
0x95: {  	s5 =	sld [smem:$0x3FFC];
	_ =	sdelay $0x3  }
0x96: {  	_ =	strace s5  }
0x97: {  	s5 =	sld [smem:$0x3FFD];
	_ =	sdelay $0x3  }
0x98: {  	_ =	strace s5  }
0x99: {  	_ =	strace $0x8FFFFFFF  }
0x9a: {  	s20 =	sld [smem:$0x3FDB];
	_ =	sdelay $0x1  }
0x9b: {  	s6 =	simm.s32 $_scs_section_size  }
0x9c: {  	s7 =	simm.s32 $_size__tile_overlayer_lowered;
	s8 =	simm.s32 $_tile_overlayer_lowered  }
0x9d: {  	s23 =	simm.s32 $0x1BFF;
	s22 =	sshll.u32 s8, $0x1;
	s5 =	sadd.s32 s6, s20  }
0x9e: {  	s9 =	simm.s32 $0x0;
	s21 =	sshll.u32 s7, $0x1;
	s7 =	sadd.s32 s22, s5  }
0x9f: {  	[timem:s9], [sflag:s23] =	dma.local [hbm:s7], s21  }
0xa0: {  	_ =	swait.ge [sflag:s23], s21  }
0xa1: {  	s6 =	ssub.s32 $0x0, s21;
	[sflag:s23] =	ssyncset.done $0x0  }
0xa2: {  	[sflag:s23] =	ssyncadd.s32 s6;
	_ =	sdelay $0x1  }
0xa3: {  	s24 =	simm.s32 $0x1B8B  }
0xa4: {  	_ =	swait.ge [sflag:s24], $0x1  }
0xa5: {  	[sflag:s24] =	ssyncset.done $0x0  }
0xa6: {  	s25 =	simm.s32 $0x1B8E;
	[sflag:s24] =	ssyncadd.s32 $0xFFFFFFFF  }
0xa7: {  	s26 =	simm.s32 $execute0_lowered;
	[smem:$0x3FD2] =	sst s25  }
0xa8: {  	s6 =	sshll.u32 s26, $0x1;
	_ =	strace $0x80000046;
	[dreg:$0x1] =	wrdreg $0xFFFFFFFF  }
0xa9: {  	s28 =	simm.s32 $_size_execute0_lowered;
	s5 =	sadd.s32 s5, s6;
	[dreg:$0x0] =	wrdreg $0x0  }
0xaa: {  	s6 =	sshll.u32 s28, $0x1;
	[dreg:$0x2] =	wrdreg s5  }
0xab: {  	[dreg:$0x3] =	wrdreg s6  }
0xac: {  	[dreg:$0x4] =	wrdreg $0xC0  }
0xad: {  	_ =	task [dreg:s9], $0x5FFFF  }
0xae: {  	[dreg:$0x1] =	wrdreg $0xFFFFFFFF  }
0xaf: {  	[dreg:$0x0] =	wrdreg $0x60  }
0xb0: {  	[dreg:$0x2] =	wrdreg s2  }
0xb1: {  	[dreg:$0x3] =	wrdreg s19  }
0xb2: {  	[dreg:$0x4] =	wrdreg s4  }
0xb3: {  	[dreg:$0x5] =	wrdreg $0x9  }
0xb4: {  	_ =	task.clear_ibuf [dreg:s9], $0x6FFFF;
	_ =	strace $0x90000046  }
0xb5: {  	s29 =	simm.s32 $0x9;
	_ =	strace $0x80000048  }
0xb6: {  	_ =	swait.ge [sflag:s29], $0x1  }
0xb7: {  	[sflag:s29] =	ssyncadd.s32 $0xFFFFFFFF  }
0xb8: {  	_ =	strace $0x90000048  }
0xb9: {  	_ =	sfence  }
0xba: {  	s30 =	sld [smem:$0x0];
	_ =	sdelay $0x2  }
0xbb: {  	s31 =	sshll.u32 s1, $0xD;
	s1 =	sshrl.u32 s1, $0x2  }
0xbc: {  	s3 =	sand.u32 $0x4000, s31;
	s1 =	sadd.s32 s1, s30  }
0xbd: {  	s0 =	sor.u32 s3, s0;
	s1 =	sshll.u32 s1, $0x11  }
0xbe: {  	s0 =	sor.u32 s1, s0  }
0xbf: {  	s0 =	sadd.s32 $0x8F2B, s0  }
0xc0: {  	[sflag:s0] =	ssyncadd.remote.s32 $0x1  }
0xc1: {  	_ =	sfence.sel $0xFFFF  }
0xc2: {  	[dreg:$0x0] =	wrdreg $0xFFFFFFFF;
	(pc) =	sbr.abs _section_cstart, $3  }
0xc3: {  	[dreg:$0x1] =	wrdreg $0xFFFFFFFF  }
0xc4: {  	_ =	task.clear_ibuf [dreg:s9], $0x2FFFF;
	_ =	strace $0x9FFFFFFF  }
0xc5: {  	(tm) =	ssettm $0x7FFFFFFF  }
tec
execute0_lowered:
.L_overlay_start_1:
0x0: {  	(tag) =	ssettag $0x1  }
0x1: {  	s1 =	rddreg [dreg:$0x0]  }
0x2: {  	s2 =	srdreg.scid;
	s3 =	rddreg [dreg:$0x1]  }
0x3: {  	s0 =	stileid.u32;
	s4 =	rddreg [dreg:$0x2];
	s5 =	simm.s32 $0x0  }
0x4: {  	s14 =	simm.s32 $0x3180;
	s15 =	simm.s32 $0x3;
	s16 =	simm.s32 $0x6280  }
0x5: {  	s18 =	simm.s32 $0x12680;
	s7 =	sand.u32 $0x1, s2;
	s30 =	sshll.u32 s0, $0x1  }
0x6: {  	s19 =	simm.s32 $0x80;
	s21 =	simm.s32 $0x2;
	s9 =	sor.u32 s7, s30  }
0x7: {  	s22 =	simm.s32 $0x0;
	s2 =	rddreg [dreg:$0x3];
	s6 =	smul.u32 $0x30, s9  }
0x8: {  	[smem:$0x7FF] =	sst s5;
	s7 =	ssub.s32 $0x2, s7;
	s8 =	smul.u32 $0x12600, s9  }
0x9: {  	_ =	strace $0x80000047;
	s17 =	smul.u32 $0x24C000, s9;
	s10 =	sshrl.u32 s6, $0x3  }
0xa: {  	s11 =	sshrl.u32 s7, $0x1;
	s12 =	sor.u32 $0x1, s6;
	s10 =	smul.u32 $0xC400, s10  }
0xb: {  	s13 =	ssub.s32 s7, s11;
	s7 =	sadd.s32 s1, s8;
	s31 =	smul.u32 $0x620, s12  }
0xc: {  	s8 =	sadd.s32 s3, s8;
	s13 =	smax.u32 s13, $0x1;
	s20 =	smul.u32 $0xC400, s12  }
0xd: {  	v0 =	vmov s17;
	s17 =	simm.s32 $0x400;
	s9 =	sadd.s32 s4, s10;
	s10 =	sadd.s32 s1, s31  }
0xe: {  	v2 =	vimm.s32 $0xFFFFFFFF;
	v3 =	vimm.f32 $0.0e+00;
	s11 =	sadd.s32 s3, s31;
	v1 =	vmov s20;
	s20 =	simm.s32 $0x1;
	s12 =	sadd.s32 $0x10, s9  }
.LBB2_1:
0xf: {  	[tilespmem:$0x3100] =	vst v2  }
0x10: {  	[tilespmem:s5], [sflag:$0x3] =	stream.linear.gather [hbm4b:s7+s5], $0x3100, $0x38;
	[tilespmem:$0x1EA80] =	vst v63  }
0x11: {  	s24 =	simm.s32 $0x6300  }
0x12: {  	[tilespmem:s14], [sflag:$0x3] =	stream.linear.gather [hbm4b:s8+s5], $0x3100, $0x38;
	[tilespmem:$0x1EA80] =	vst v63  }
0x13: {  	[tilespmem:s24+$0xFFFFFF80] =	vst v3  }
0x14: {  	[tilespmem:s24+$0x70] =	vst v3  }
0x15: {  	[tilespmem:s24+$0x60] =	vst v3  }
0x16: {  	[tilespmem:s24+$0x50] =	vst v3  }
0x17: {  	[tilespmem:s24+$0x40] =	vst v3  }
0x18: {  	[tilespmem:s24+$0x30] =	vst v3  }
0x19: {  	[tilespmem:s24+$0x20] =	vst v3  }
0x1a: {  	[tilespmem:s24+$0x10] =	vst v3  }
0x1b: {  	[tilespmem:s24+$0x0] =	vst v3  }
0x1c: {  	[tilespmem:s24+$0xFFFFFFF0] =	vst v3  }
0x1d: {  	[tilespmem:s24+$0xFFFFFFE0] =	vst v3  }
0x1e: {  	[tilespmem:s24+$0xFFFFFFD0] =	vst v3  }
0x1f: {  	[tilespmem:s24+$0xFFFFFFC0] =	vst v3  }
0x20: {  	[tilespmem:s24+$0xFFFFFFB0] =	vst v3  }
0x21: {  	s25 =	simm.s32 $0x0;
	[tilespmem:s24+$0xFFFFFFA0] =	vst v3  }
.LBB2_2:
0x22: {  	s25 =	sadd.s32 $0x10, s25;
	[tilespmem:s24+$0xFFFFFF90] =	vst v3;
	s24 =	sadd.s32 $0x100, s24;
	s23 =	simm.s32 $0x12700  }
0x23: {  	[tilespmem:s24+$0xFFFFFF80] =	vst v3;
	p0 =	slt.u32 s25, $0xC30  }
0x24: {  	[tilespmem:s24+$0x70] =	vst v3  }
0x25: {  	[tilespmem:s24+$0x60] =	vst v3  }
0x26: {  	[tilespmem:s24+$0x50] =	vst v3  }
0x27: {  	[tilespmem:s24+$0x40] =	vst v3  }
0x28: {  	[tilespmem:s24+$0x30] =	vst v3  }
0x29: {  	[tilespmem:s24+$0x20] =	vst v3  }
0x2a: {  	[tilespmem:s24+$0x10] =	vst v3  }
0x2b: {  	[tilespmem:s24+$0x0] =	vst v3  }
0x2c: {  	[tilespmem:s24+$0xFFFFFFF0] =	vst v3  }
.Ltmp0:
0x2d: {  	[tilespmem:s24+$0xFFFFFFE0] =	vst v3;
	(pc) =	sbr.rel @p0 .LBB2_2-.Ltmp0, $4  }
0x2e: {  	[tilespmem:s24+$0xFFFFFFD0] =	vst v3  }
0x2f: {  	[tilespmem:s24+$0xFFFFFFC0] =	vst v3  }
0x30: {  	[tilespmem:s24+$0xFFFFFFB0] =	vst v3  }
0x31: {  	[tilespmem:s24+$0xFFFFFFA0] =	vst v3  }
0x32: {  	[tilespmem:s24+$0xFFFFFF90] =	vst v3  }
0x33: {  	[tilespmem:s23+$0xFFFFFF80] =	vst v3  }
0x34: {  	[tilespmem:s23+$0x70] =	vst v3  }
0x35: {  	[tilespmem:s23+$0x60] =	vst v3  }
0x36: {  	[tilespmem:s23+$0x50] =	vst v3  }
0x37: {  	[tilespmem:s23+$0x40] =	vst v3  }
0x38: {  	[tilespmem:s23+$0x30] =	vst v3  }
0x39: {  	[tilespmem:s23+$0x20] =	vst v3  }
0x3a: {  	[tilespmem:s23+$0x10] =	vst v3  }
0x3b: {  	[tilespmem:s23+$0x0] =	vst v3  }
0x3c: {  	[tilespmem:s23+$0xFFFFFFF0] =	vst v3  }
0x3d: {  	[tilespmem:s23+$0xFFFFFFE0] =	vst v3  }
0x3e: {  	[tilespmem:s23+$0xFFFFFFD0] =	vst v3  }
0x3f: {  	[tilespmem:s23+$0xFFFFFFC0] =	vst v3  }
0x40: {  	[tilespmem:s23+$0xFFFFFFB0] =	vst v3  }
0x41: {  	s24 =	simm.s32 $0x0;
	[tilespmem:s23+$0xFFFFFFA0] =	vst v3  }
.LBB2_4:
0x42: {  	s24 =	sadd.s32 $0x10, s24;
	[tilespmem:s23+$0xFFFFFF90] =	vst v3;
	s23 =	sadd.s32 $0x100, s23  }
0x43: {  	[tilespmem:s23+$0xFFFFFF80] =	vst v3;
	p0 =	slt.u32 s24, $0xC30  }
0x44: {  	[tilespmem:s23+$0x70] =	vst v3  }
0x45: {  	[tilespmem:s23+$0x60] =	vst v3  }
0x46: {  	[tilespmem:s23+$0x50] =	vst v3  }
0x47: {  	[tilespmem:s23+$0x40] =	vst v3  }
0x48: {  	[tilespmem:s23+$0x30] =	vst v3  }
0x49: {  	[tilespmem:s23+$0x20] =	vst v3  }
0x4a: {  	[tilespmem:s23+$0x10] =	vst v3  }
0x4b: {  	[tilespmem:s23+$0x0] =	vst v3  }
0x4c: {  	[tilespmem:s23+$0xFFFFFFF0] =	vst v3  }
.Ltmp1:
0x4d: {  	[tilespmem:s23+$0xFFFFFFE0] =	vst v3;
	(pc) =	sbr.rel @p0 .LBB2_4-.Ltmp1, $4  }
0x4e: {  	[tilespmem:s23+$0xFFFFFFD0] =	vst v3  }
0x4f: {  	[tilespmem:s23+$0xFFFFFFC0] =	vst v3  }
0x50: {  	[tilespmem:s23+$0xFFFFFFB0] =	vst v3  }
0x51: {  	[tilespmem:s23+$0xFFFFFFA0] =	vst v3  }
0x52: {  	[tilespmem:s23+$0xFFFFFF90] =	vst v3  }
0x53: {  	_ =	swait.ge [sflag:s15], $0x3100  }
0x54: {  	[sflag:s15] =	ssyncset.done $0x0  }
0x55: {  	[sflag:s15] =	ssyncadd.s32 $0xFFFFCF00  }
0x56: {  	_ =	swait.ge [sflag:s15], $0x3100  }
0x57: {  	s23 =	simm.s32 $0xFFFFFFF0;
	[sflag:s15] =	ssyncset.done $0x0  }
0x58: {  	s24 =	simm.s32 $0x3200;
	s25 =	simm.s32 $0x80;
	[sflag:s15] =	ssyncadd.s32 $0xFFFFCF00  }
.LBB2_6:
0x59: {  	v4 =	vld [tilespmem:s25+$0xFFFFFF80]  }
0x5a: {  	v5 =	vld [tilespmem:s25+$0xFFFFFF81];
	_ =	sdelay $0x3  }
0x5b: {  	v6 =	vsub.s32 v4, v0  }
0x5c: {  	vm0 =	vne.s32 v4, v5;
	v4 =	vand.u32 $0x7F, v4;
	v5 =	vand.u32 $0xFFFFFF80, v6  }
0x5d: {  	v33 =	vld [tilespmem:s24+$0xFFFFFF80];
	v4 =	vor.u32 v4, v5;
	_ =	sdelay $0x4  }
0x5e: {  	[tilespmem:v4+s16+$0x0] =	vst.idx.msk vm0, v33  }
0x5f: {  	v4 =	vld [tilespmem:s25+$0xFFFFFF90]  }
0x60: {  	v5 =	vld [tilespmem:s25+$0xFFFFFF91];
	_ =	sdelay $0x3  }
0x61: {  	v34 =	vsub.s32 v4, v0  }
0x62: {  	vm13 =	vne.s32 v4, v5;
	v4 =	vand.u32 $0x7F, v4;
	v5 =	vand.u32 $0xFFFFFF80, v34  }
0x63: {  	v35 =	vld [tilespmem:s24+$0xFFFFFF90];
	v4 =	vor.u32 v4, v5;
	_ =	sdelay $0x4  }
0x64: {  	[tilespmem:v4+s16+$0x0] =	vst.idx.msk vm13, v35  }
0x65: {  	v4 =	vld [tilespmem:s25+$0xFFFFFFA0]  }
0x66: {  	v5 =	vld [tilespmem:s25+$0xFFFFFFA1];
	_ =	sdelay $0x3  }
0x67: {  	v36 =	vsub.s32 v4, v0  }
0x68: {  	vm14 =	vne.s32 v4, v5;
	v4 =	vand.u32 $0x7F, v4;
	v5 =	vand.u32 $0xFFFFFF80, v36  }
0x69: {  	v37 =	vld [tilespmem:s24+$0xFFFFFFA0];
	v4 =	vor.u32 v4, v5;
	_ =	sdelay $0x4  }
0x6a: {  	[tilespmem:v4+s16+$0x0] =	vst.idx.msk vm14, v37  }
0x6b: {  	v4 =	vld [tilespmem:s25+$0xFFFFFFB0]  }
0x6c: {  	v5 =	vld [tilespmem:s25+$0xFFFFFFB1];
	_ =	sdelay $0x3  }
0x6d: {  	v38 =	vsub.s32 v4, v0  }
0x6e: {  	vm15 =	vne.s32 v4, v5;
	v4 =	vand.u32 $0x7F, v4;
	v5 =	vand.u32 $0xFFFFFF80, v38  }
0x6f: {  	v39 =	vld [tilespmem:s24+$0xFFFFFFB0];
	v4 =	vor.u32 v4, v5;
	_ =	sdelay $0x4  }
0x70: {  	[tilespmem:v4+s16+$0x0] =	vst.idx.msk vm15, v39  }
0x71: {  	v4 =	vld [tilespmem:s25+$0xFFFFFFC0]  }
0x72: {  	v5 =	vld [tilespmem:s25+$0xFFFFFFC1];
	_ =	sdelay $0x3  }
0x73: {  	v40 =	vsub.s32 v4, v0  }
0x74: {  	vm4 =	vne.s32 v4, v5;
	v4 =	vand.u32 $0x7F, v4;
	v5 =	vand.u32 $0xFFFFFF80, v40  }
0x75: {  	v41 =	vld [tilespmem:s24+$0xFFFFFFC0];
	v4 =	vor.u32 v4, v5;
	_ =	sdelay $0x4  }
0x76: {  	[tilespmem:v4+s16+$0x0] =	vst.idx.msk vm4, v41  }
0x77: {  	v4 =	vld [tilespmem:s25+$0xFFFFFFD0]  }
0x78: {  	v5 =	vld [tilespmem:s25+$0xFFFFFFD1];
	_ =	sdelay $0x3  }
0x79: {  	v42 =	vsub.s32 v4, v0  }
0x7a: {  	vm5 =	vne.s32 v4, v5;
	v4 =	vand.u32 $0x7F, v4;
	v5 =	vand.u32 $0xFFFFFF80, v42  }
0x7b: {  	v43 =	vld [tilespmem:s24+$0xFFFFFFD0];
	v4 =	vor.u32 v4, v5;
	_ =	sdelay $0x4  }
0x7c: {  	[tilespmem:v4+s16+$0x0] =	vst.idx.msk vm5, v43  }
0x7d: {  	v4 =	vld [tilespmem:s25+$0xFFFFFFE0]  }
0x7e: {  	v5 =	vld [tilespmem:s25+$0xFFFFFFE1];
	_ =	sdelay $0x3  }
0x7f: {  	v44 =	vsub.s32 v4, v0  }
0x80: {  	vm6 =	vne.s32 v4, v5;
	v4 =	vand.u32 $0x7F, v4;
	v5 =	vand.u32 $0xFFFFFF80, v44  }
0x81: {  	v45 =	vld [tilespmem:s24+$0xFFFFFFE0];
	v4 =	vor.u32 v4, v5;
	_ =	sdelay $0x4  }
0x82: {  	[tilespmem:v4+s16+$0x0] =	vst.idx.msk vm6, v45  }
0x83: {  	v4 =	vld [tilespmem:s25+$0xFFFFFFF0]  }
0x84: {  	v5 =	vld [tilespmem:s25+$0xFFFFFFF1];
	_ =	sdelay $0x3  }
0x85: {  	v46 =	vsub.s32 v4, v0  }
0x86: {  	vm7 =	vne.s32 v4, v5;
	v4 =	vand.u32 $0x7F, v4;
	v5 =	vand.u32 $0xFFFFFF80, v46  }
0x87: {  	v47 =	vld [tilespmem:s24+$0xFFFFFFF0];
	v4 =	vor.u32 v4, v5;
	_ =	sdelay $0x4  }
0x88: {  	[tilespmem:v4+s16+$0x0] =	vst.idx.msk vm7, v47  }
0x89: {  	v4 =	vld [tilespmem:s25+$0x0]  }
0x8a: {  	v5 =	vld [tilespmem:s25+$0x1];
	_ =	sdelay $0x3  }
0x8b: {  	v48 =	vsub.s32 v4, v0  }
0x8c: {  	vm8 =	vne.s32 v4, v5;
	v4 =	vand.u32 $0x7F, v4;
	v5 =	vand.u32 $0xFFFFFF80, v48  }
0x8d: {  	v49 =	vld [tilespmem:s24+$0x0];
	v4 =	vor.u32 v4, v5;
	_ =	sdelay $0x4  }
0x8e: {  	[tilespmem:v4+s16+$0x0] =	vst.idx.msk vm8, v49  }
0x8f: {  	v4 =	vld [tilespmem:s25+$0x10]  }
0x90: {  	v5 =	vld [tilespmem:s25+$0x11];
	_ =	sdelay $0x3  }
0x91: {  	v50 =	vsub.s32 v4, v0  }
0x92: {  	vm9 =	vne.s32 v4, v5;
	v4 =	vand.u32 $0x7F, v4;
	v5 =	vand.u32 $0xFFFFFF80, v50  }
0x93: {  	v51 =	vld [tilespmem:s24+$0x10];
	v4 =	vor.u32 v4, v5;
	_ =	sdelay $0x4  }
0x94: {  	[tilespmem:v4+s16+$0x0] =	vst.idx.msk vm9, v51  }
0x95: {  	v4 =	vld [tilespmem:s25+$0x20]  }
0x96: {  	v5 =	vld [tilespmem:s25+$0x21];
	_ =	sdelay $0x3  }
0x97: {  	v52 =	vsub.s32 v4, v0  }
0x98: {  	vm10 =	vne.s32 v4, v5;
	v4 =	vand.u32 $0x7F, v4;
	v5 =	vand.u32 $0xFFFFFF80, v52  }
0x99: {  	v53 =	vld [tilespmem:s24+$0x20];
	v4 =	vor.u32 v4, v5;
	_ =	sdelay $0x4  }
0x9a: {  	[tilespmem:v4+s16+$0x0] =	vst.idx.msk vm10, v53  }
0x9b: {  	v4 =	vld [tilespmem:s25+$0x30]  }
0x9c: {  	v5 =	vld [tilespmem:s25+$0x31];
	_ =	sdelay $0x3  }
0x9d: {  	v54 =	vsub.s32 v4, v0  }
0x9e: {  	vm11 =	vne.s32 v4, v5;
	v4 =	vand.u32 $0x7F, v4;
	v5 =	vand.u32 $0xFFFFFF80, v54  }
0x9f: {  	v55 =	vld [tilespmem:s24+$0x30];
	v4 =	vor.u32 v4, v5;
	_ =	sdelay $0x4  }
0xa0: {  	[tilespmem:v4+s16+$0x0] =	vst.idx.msk vm11, v55  }
0xa1: {  	v4 =	vld [tilespmem:s25+$0x40]  }
0xa2: {  	v5 =	vld [tilespmem:s25+$0x41];
	_ =	sdelay $0x3  }
0xa3: {  	v56 =	vsub.s32 v4, v0  }
0xa4: {  	vm12 =	vne.s32 v4, v5;
	v4 =	vand.u32 $0x7F, v4;
	v5 =	vand.u32 $0xFFFFFF80, v56  }
0xa5: {  	v57 =	vld [tilespmem:s24+$0x40];
	v4 =	vor.u32 v4, v5;
	_ =	sdelay $0x4  }
0xa6: {  	[tilespmem:v4+s16+$0x0] =	vst.idx.msk vm12, v57  }
0xa7: {  	v4 =	vld [tilespmem:s25+$0x50]  }
0xa8: {  	v5 =	vld [tilespmem:s25+$0x51];
	_ =	sdelay $0x3  }
0xa9: {  	v58 =	vsub.s32 v4, v0  }
0xaa: {  	vm13 =	vne.s32 v4, v5;
	v4 =	vand.u32 $0x7F, v4;
	v5 =	vand.u32 $0xFFFFFF80, v58  }
0xab: {  	v59 =	vld [tilespmem:s24+$0x50];
	v4 =	vor.u32 v4, v5;
	_ =	sdelay $0x4  }
0xac: {  	[tilespmem:v4+s16+$0x0] =	vst.idx.msk vm13, v59  }
0xad: {  	v4 =	vld [tilespmem:s25+$0x60]  }
0xae: {  	v5 =	vld [tilespmem:s25+$0x61];
	_ =	sdelay $0x3  }
0xaf: {  	v60 =	vsub.s32 v4, v0  }
0xb0: {  	vm14 =	vne.s32 v4, v5;
	v4 =	vand.u32 $0x7F, v4;
	v5 =	vand.u32 $0xFFFFFF80, v60  }
0xb1: {  	v61 =	vld [tilespmem:s24+$0x60];
	v4 =	vor.u32 v4, v5;
	_ =	sdelay $0x4  }
0xb2: {  	[tilespmem:v4+s16+$0x0] =	vst.idx.msk vm14, v61  }
0xb3: {  	v4 =	vld [tilespmem:s25+$0x70]  }
0xb4: {  	v5 =	vld [tilespmem:s25+$0x71];
	_ =	sdelay $0x3  }
0xb5: {  	v62 =	vsub.s32 v4, v0  }
0xb6: {  	s23 =	sadd.s32 $0x10, s23;
	vm15 =	vne.s32 v4, v5;
	v4 =	vand.u32 $0x7F, v4;
	v5 =	vand.u32 $0xFFFFFF80, v62  }
0xb7: {  	p0 =	slt.u32 s23, $0x300;
	v63 =	vld [tilespmem:s24+$0x70];
	v4 =	vor.u32 v4, v5  }
.Ltmp2:
0xb8: {  	_ = 	snop;
	(pc) =	sbr.rel @p0 .LBB2_6-.Ltmp2, $2  }
0xb9: {  	_ =	sdelay $0x2  }
0xba: {  	s24 =	sadd.s32 $0x100, s24;
	s25 =	sadd.s32 $0x100, s25;
	[tilespmem:v4+s16+$0x0] =	vst.idx.msk vm15, v63  }
0xbb: {  	s23 =	simm.s32 $0x80  }
0xbc: {  	[hbm4b:s9+s23] =	stream.strided.scatter [tilespmem:s16], [sflag:$0x1], $0xC400, s17, s23, $0x38;
	[tilespmem:$0x1EA80] =	vst v63  }
0xbd: {  	_ = 	snop  }
0xbe: {  	[tilespmem:s5], [sflag:$0x3] =	stream.linear.gather [hbm4b:s10+s5], $0x3100, $0x38;
	[tilespmem:$0x1EA80] =	vst v63  }
0xbf: {  	_ = 	snop  }
0xc0: {  	[tilespmem:s14], [sflag:$0x3] =	stream.linear.gather [hbm4b:s11+s5], $0x3100, $0x38;
	[tilespmem:$0x1EA80] =	vst v63  }
0xc1: {  	_ =	swait.ge [sflag:s15], $0x3100  }
0xc2: {  	[sflag:s15] =	ssyncset.done $0x0  }
0xc3: {  	[sflag:s15] =	ssyncadd.s32 $0xFFFFCF00  }
0xc4: {  	_ =	swait.ge [sflag:s15], $0x3100  }
0xc5: {  	[sflag:s15] =	ssyncset.done $0x0  }
0xc6: {  	s24 =	simm.s32 $0xFFFFFFF0;
	s25 =	simm.s32 $0x3200;
	[sflag:s15] =	ssyncadd.s32 $0xFFFFCF00  }
.LBB2_8:
0xc7: {  	v4 =	vld [tilespmem:s23+$0xFFFFFF80]  }
0xc8: {  	v5 =	vld [tilespmem:s23+$0xFFFFFF81];
	_ =	sdelay $0x3  }
0xc9: {  	v6 =	vsub.s32 v4, v1  }
0xca: {  	vm0 =	vne.s32 v4, v5;
	v4 =	vand.u32 $0x7F, v4;
	v5 =	vand.u32 $0xFFFFFF80, v6  }
0xcb: {  	v33 =	vld [tilespmem:s25+$0xFFFFFF80];
	v4 =	vor.u32 v4, v5;
	_ =	sdelay $0x4  }
0xcc: {  	[tilespmem:v4+s18+$0x0] =	vst.idx.msk vm0, v33  }
0xcd: {  	v4 =	vld [tilespmem:s23+$0xFFFFFF90]  }
0xce: {  	v5 =	vld [tilespmem:s23+$0xFFFFFF91];
	_ =	sdelay $0x3  }
0xcf: {  	v34 =	vsub.s32 v4, v1  }
0xd0: {  	vm13 =	vne.s32 v4, v5;
	v4 =	vand.u32 $0x7F, v4;
	v5 =	vand.u32 $0xFFFFFF80, v34  }
0xd1: {  	v35 =	vld [tilespmem:s25+$0xFFFFFF90];
	v4 =	vor.u32 v4, v5;
	_ =	sdelay $0x4  }
0xd2: {  	[tilespmem:v4+s18+$0x0] =	vst.idx.msk vm13, v35  }
0xd3: {  	v4 =	vld [tilespmem:s23+$0xFFFFFFA0]  }
0xd4: {  	v5 =	vld [tilespmem:s23+$0xFFFFFFA1];
	_ =	sdelay $0x3  }
0xd5: {  	v36 =	vsub.s32 v4, v1  }
0xd6: {  	vm14 =	vne.s32 v4, v5;
	v4 =	vand.u32 $0x7F, v4;
	v5 =	vand.u32 $0xFFFFFF80, v36  }
0xd7: {  	v37 =	vld [tilespmem:s25+$0xFFFFFFA0];
	v4 =	vor.u32 v4, v5;
	_ =	sdelay $0x4  }
0xd8: {  	[tilespmem:v4+s18+$0x0] =	vst.idx.msk vm14, v37  }
0xd9: {  	v4 =	vld [tilespmem:s23+$0xFFFFFFB0]  }
0xda: {  	v5 =	vld [tilespmem:s23+$0xFFFFFFB1];
	_ =	sdelay $0x3  }
0xdb: {  	v38 =	vsub.s32 v4, v1  }
0xdc: {  	vm15 =	vne.s32 v4, v5;
	v4 =	vand.u32 $0x7F, v4;
	v5 =	vand.u32 $0xFFFFFF80, v38  }
0xdd: {  	v39 =	vld [tilespmem:s25+$0xFFFFFFB0];
	v4 =	vor.u32 v4, v5;
	_ =	sdelay $0x4  }
0xde: {  	[tilespmem:v4+s18+$0x0] =	vst.idx.msk vm15, v39  }
0xdf: {  	v4 =	vld [tilespmem:s23+$0xFFFFFFC0]  }
0xe0: {  	v5 =	vld [tilespmem:s23+$0xFFFFFFC1];
	_ =	sdelay $0x3  }
0xe1: {  	v40 =	vsub.s32 v4, v1  }
0xe2: {  	vm4 =	vne.s32 v4, v5;
	v4 =	vand.u32 $0x7F, v4;
	v5 =	vand.u32 $0xFFFFFF80, v40  }
0xe3: {  	v41 =	vld [tilespmem:s25+$0xFFFFFFC0];
	v4 =	vor.u32 v4, v5;
	_ =	sdelay $0x4  }
0xe4: {  	[tilespmem:v4+s18+$0x0] =	vst.idx.msk vm4, v41  }
0xe5: {  	v4 =	vld [tilespmem:s23+$0xFFFFFFD0]  }
0xe6: {  	v5 =	vld [tilespmem:s23+$0xFFFFFFD1];
	_ =	sdelay $0x3  }
0xe7: {  	v42 =	vsub.s32 v4, v1  }
0xe8: {  	vm5 =	vne.s32 v4, v5;
	v4 =	vand.u32 $0x7F, v4;
	v5 =	vand.u32 $0xFFFFFF80, v42  }
0xe9: {  	v43 =	vld [tilespmem:s25+$0xFFFFFFD0];
	v4 =	vor.u32 v4, v5;
	_ =	sdelay $0x4  }
0xea: {  	[tilespmem:v4+s18+$0x0] =	vst.idx.msk vm5, v43  }
0xeb: {  	v4 =	vld [tilespmem:s23+$0xFFFFFFE0]  }
0xec: {  	v5 =	vld [tilespmem:s23+$0xFFFFFFE1];
	_ =	sdelay $0x3  }
0xed: {  	v44 =	vsub.s32 v4, v1  }
0xee: {  	vm6 =	vne.s32 v4, v5;
	v4 =	vand.u32 $0x7F, v4;
	v5 =	vand.u32 $0xFFFFFF80, v44  }
0xef: {  	v45 =	vld [tilespmem:s25+$0xFFFFFFE0];
	v4 =	vor.u32 v4, v5;
	_ =	sdelay $0x4  }
0xf0: {  	[tilespmem:v4+s18+$0x0] =	vst.idx.msk vm6, v45  }
0xf1: {  	v4 =	vld [tilespmem:s23+$0xFFFFFFF0]  }
0xf2: {  	v5 =	vld [tilespmem:s23+$0xFFFFFFF1];
	_ =	sdelay $0x3  }
0xf3: {  	v46 =	vsub.s32 v4, v1  }
0xf4: {  	vm7 =	vne.s32 v4, v5;
	v4 =	vand.u32 $0x7F, v4;
	v5 =	vand.u32 $0xFFFFFF80, v46  }
0xf5: {  	v47 =	vld [tilespmem:s25+$0xFFFFFFF0];
	v4 =	vor.u32 v4, v5;
	_ =	sdelay $0x4  }
0xf6: {  	[tilespmem:v4+s18+$0x0] =	vst.idx.msk vm7, v47  }
0xf7: {  	v4 =	vld [tilespmem:s23+$0x0]  }
0xf8: {  	v5 =	vld [tilespmem:s23+$0x1];
	_ =	sdelay $0x3  }
0xf9: {  	v48 =	vsub.s32 v4, v1  }
0xfa: {  	vm8 =	vne.s32 v4, v5;
	v4 =	vand.u32 $0x7F, v4;
	v5 =	vand.u32 $0xFFFFFF80, v48  }
0xfb: {  	v49 =	vld [tilespmem:s25+$0x0];
	v4 =	vor.u32 v4, v5;
	_ =	sdelay $0x4  }
0xfc: {  	[tilespmem:v4+s18+$0x0] =	vst.idx.msk vm8, v49  }
0xfd: {  	v4 =	vld [tilespmem:s23+$0x10]  }
0xfe: {  	v5 =	vld [tilespmem:s23+$0x11];
	_ =	sdelay $0x3  }
0xff: {  	v50 =	vsub.s32 v4, v1  }
0x100: {  	vm9 =	vne.s32 v4, v5;
	v4 =	vand.u32 $0x7F, v4;
	v5 =	vand.u32 $0xFFFFFF80, v50  }
0x101: {  	v51 =	vld [tilespmem:s25+$0x10];
	v4 =	vor.u32 v4, v5;
	_ =	sdelay $0x4  }
0x102: {  	[tilespmem:v4+s18+$0x0] =	vst.idx.msk vm9, v51  }
0x103: {  	v4 =	vld [tilespmem:s23+$0x20]  }
0x104: {  	v5 =	vld [tilespmem:s23+$0x21];
	_ =	sdelay $0x3  }
0x105: {  	v52 =	vsub.s32 v4, v1  }
0x106: {  	vm10 =	vne.s32 v4, v5;
	v4 =	vand.u32 $0x7F, v4;
	v5 =	vand.u32 $0xFFFFFF80, v52  }
0x107: {  	v53 =	vld [tilespmem:s25+$0x20];
	v4 =	vor.u32 v4, v5;
	_ =	sdelay $0x4  }
0x108: {  	[tilespmem:v4+s18+$0x0] =	vst.idx.msk vm10, v53  }
0x109: {  	v4 =	vld [tilespmem:s23+$0x30]  }
0x10a: {  	v5 =	vld [tilespmem:s23+$0x31];
	_ =	sdelay $0x3  }
0x10b: {  	v54 =	vsub.s32 v4, v1  }
0x10c: {  	vm11 =	vne.s32 v4, v5;
	v4 =	vand.u32 $0x7F, v4;
	v5 =	vand.u32 $0xFFFFFF80, v54  }
0x10d: {  	v55 =	vld [tilespmem:s25+$0x30];
	v4 =	vor.u32 v4, v5;
	_ =	sdelay $0x4  }
0x10e: {  	[tilespmem:v4+s18+$0x0] =	vst.idx.msk vm11, v55  }
0x10f: {  	v4 =	vld [tilespmem:s23+$0x40]  }
0x110: {  	v5 =	vld [tilespmem:s23+$0x41];
	_ =	sdelay $0x3  }
0x111: {  	v56 =	vsub.s32 v4, v1  }
0x112: {  	vm12 =	vne.s32 v4, v5;
	v4 =	vand.u32 $0x7F, v4;
	v5 =	vand.u32 $0xFFFFFF80, v56  }
0x113: {  	v57 =	vld [tilespmem:s25+$0x40];
	v4 =	vor.u32 v4, v5;
	_ =	sdelay $0x4  }
0x114: {  	[tilespmem:v4+s18+$0x0] =	vst.idx.msk vm12, v57  }
0x115: {  	v4 =	vld [tilespmem:s23+$0x50]  }
0x116: {  	v5 =	vld [tilespmem:s23+$0x51];
	_ =	sdelay $0x3  }
0x117: {  	v58 =	vsub.s32 v4, v1  }
0x118: {  	vm13 =	vne.s32 v4, v5;
	v4 =	vand.u32 $0x7F, v4;
	v5 =	vand.u32 $0xFFFFFF80, v58  }
0x119: {  	v59 =	vld [tilespmem:s25+$0x50];
	v4 =	vor.u32 v4, v5;
	_ =	sdelay $0x4  }
0x11a: {  	[tilespmem:v4+s18+$0x0] =	vst.idx.msk vm13, v59  }
0x11b: {  	v4 =	vld [tilespmem:s23+$0x60]  }
0x11c: {  	v5 =	vld [tilespmem:s23+$0x61];
	_ =	sdelay $0x3  }
0x11d: {  	v60 =	vsub.s32 v4, v1  }
0x11e: {  	vm14 =	vne.s32 v4, v5;
	v4 =	vand.u32 $0x7F, v4;
	v5 =	vand.u32 $0xFFFFFF80, v60  }
0x11f: {  	v61 =	vld [tilespmem:s25+$0x60];
	v4 =	vor.u32 v4, v5;
	_ =	sdelay $0x4  }
0x120: {  	[tilespmem:v4+s18+$0x0] =	vst.idx.msk vm14, v61  }
0x121: {  	v4 =	vld [tilespmem:s23+$0x70]  }
0x122: {  	v5 =	vld [tilespmem:s23+$0x71];
	_ =	sdelay $0x3  }
0x123: {  	v62 =	vsub.s32 v4, v1  }
0x124: {  	s24 =	sadd.s32 $0x10, s24;
	vm15 =	vne.s32 v4, v5;
	v4 =	vand.u32 $0x7F, v4;
	v5 =	vand.u32 $0xFFFFFF80, v62  }
0x125: {  	p0 =	slt.u32 s24, $0x300;
	v63 =	vld [tilespmem:s25+$0x70];
	v4 =	vor.u32 v4, v5  }
.Ltmp3:
0x126: {  	_ = 	snop;
	(pc) =	sbr.rel @p0 .LBB2_8-.Ltmp3, $2  }
0x127: {  	_ =	sdelay $0x2  }
0x128: {  	s25 =	sadd.s32 $0x100, s25;
	s23 =	sadd.s32 $0x100, s23;
	[tilespmem:v4+s18+$0x0] =	vst.idx.msk vm15, v63  }
0x129: {  	[hbm4b:s12+s19] =	stream.strided.scatter [tilespmem:s18], [sflag:$0x2], $0xC400, s17, s19, $0x38;
	[tilespmem:$0x1EA80] =	vst v63  }
0x12a: {  	s23 =	simm.s32 $0x1  }
.LBB2_10:
0x12b: {  	s24 =	sshll.u32 s23, $0x1  }
0x12c: {  	s25 =	sadd.s32 s6, s24  }
0x12d: {  	s26 =	smul.u32 $0x620, s25;
	_ =	sdelay $0x1  }
0x12e: {  	s28 =	sadd.s32 s1, s26  }
0x12f: {  	[tilespmem:s5], [sflag:$0x3] =	stream.linear.gather [hbm4b:s28+s5], $0x3100, $0x38;
	[tilespmem:$0x1EA80] =	vst v63  }
0x130: {  	s26 =	sadd.s32 s3, s26  }
0x131: {  	[tilespmem:s14], [sflag:$0x3] =	stream.linear.gather [hbm4b:s26+s5], $0x3100, $0x38;
	[tilespmem:$0x1EA80] =	vst v63  }
0x132: {  	_ =	swait.ge [sflag:s20], $0xC400  }
0x133: {  	[sflag:s20] =	ssyncset.done $0x0  }
0x134: {  	s26 =	simm.s32 $0x6300;
	[sflag:s20] =	ssyncadd.s32 $0xFFFF3C00  }
0x135: {  	[tilespmem:s26+$0xFFFFFF80] =	vst v3  }
0x136: {  	[tilespmem:s26+$0x70] =	vst v3  }
0x137: {  	[tilespmem:s26+$0x60] =	vst v3  }
0x138: {  	[tilespmem:s26+$0x50] =	vst v3  }
0x139: {  	[tilespmem:s26+$0x40] =	vst v3  }
0x13a: {  	[tilespmem:s26+$0x30] =	vst v3  }
0x13b: {  	[tilespmem:s26+$0x20] =	vst v3  }
0x13c: {  	[tilespmem:s26+$0x10] =	vst v3  }
0x13d: {  	[tilespmem:s26+$0x0] =	vst v3  }
0x13e: {  	[tilespmem:s26+$0xFFFFFFF0] =	vst v3  }
0x13f: {  	[tilespmem:s26+$0xFFFFFFE0] =	vst v3  }
0x140: {  	[tilespmem:s26+$0xFFFFFFD0] =	vst v3  }
0x141: {  	[tilespmem:s26+$0xFFFFFFC0] =	vst v3  }
0x142: {  	[tilespmem:s26+$0xFFFFFFB0] =	vst v3  }
0x143: {  	s28 =	simm.s32 $0x0;
	[tilespmem:s26+$0xFFFFFFA0] =	vst v3  }
.LBB2_11:
0x144: {  	s28 =	sadd.s32 $0x10, s28;
	[tilespmem:s26+$0xFFFFFF90] =	vst v3;
	s26 =	sadd.s32 $0x100, s26  }
0x145: {  	[tilespmem:s26+$0xFFFFFF80] =	vst v3;
	p0 =	slt.u32 s28, $0xC30  }
0x146: {  	[tilespmem:s26+$0x70] =	vst v3  }
0x147: {  	[tilespmem:s26+$0x60] =	vst v3  }
0x148: {  	[tilespmem:s26+$0x50] =	vst v3  }
0x149: {  	[tilespmem:s26+$0x40] =	vst v3  }
0x14a: {  	[tilespmem:s26+$0x30] =	vst v3  }
0x14b: {  	[tilespmem:s26+$0x20] =	vst v3  }
0x14c: {  	[tilespmem:s26+$0x10] =	vst v3  }
0x14d: {  	[tilespmem:s26+$0x0] =	vst v3  }
0x14e: {  	[tilespmem:s26+$0xFFFFFFF0] =	vst v3  }
.Ltmp4:
0x14f: {  	[tilespmem:s26+$0xFFFFFFE0] =	vst v3;
	(pc) =	sbr.rel @p0 .LBB2_11-.Ltmp4, $4  }
0x150: {  	[tilespmem:s26+$0xFFFFFFD0] =	vst v3  }
0x151: {  	[tilespmem:s26+$0xFFFFFFC0] =	vst v3  }
0x152: {  	[tilespmem:s26+$0xFFFFFFB0] =	vst v3  }
0x153: {  	[tilespmem:s26+$0xFFFFFFA0] =	vst v3  }
0x154: {  	[tilespmem:s26+$0xFFFFFF90] =	vst v3  }
0x155: {  	_ =	swait.ge [sflag:s15], $0x3100  }
0x156: {  	[sflag:s15] =	ssyncset.done $0x0  }
0x157: {  	[sflag:s15] =	ssyncadd.s32 $0xFFFFCF00  }
0x158: {  	s31 =	smul.u32 $0xC400, s25;
	_ =	swait.ge [sflag:s15], $0x3100  }
0x159: {  	s26 =	simm.s32 $0xFFFFFFF0;
	[sflag:s15] =	ssyncset.done $0x0  }
0x15a: {  	s28 =	simm.s32 $0x3200;
	s29 =	simm.s32 $0x80;
	v4 =	vmov s31;
	[sflag:s15] =	ssyncadd.s32 $0xFFFFCF00  }
.LBB2_13:
0x15b: {  	v5 =	vld [tilespmem:s29+$0xFFFFFF80]  }
0x15c: {  	v6 =	vld [tilespmem:s29+$0xFFFFFF81];
	_ =	sdelay $0x3  }
0x15d: {  	v7 =	vsub.s32 v5, v4  }
0x15e: {  	vm0 =	vne.s32 v5, v6;
	v5 =	vand.u32 $0x7F, v5;
	v6 =	vand.u32 $0xFFFFFF80, v7  }
0x15f: {  	v7 =	vld [tilespmem:s28+$0xFFFFFF80];
	v5 =	vor.u32 v5, v6;
	_ =	sdelay $0x4  }
0x160: {  	[tilespmem:v5+s16+$0x0] =	vst.idx.msk vm0, v7  }
0x161: {  	v5 =	vld [tilespmem:s29+$0xFFFFFF90]  }
0x162: {  	v6 =	vld [tilespmem:s29+$0xFFFFFF91];
	_ =	sdelay $0x3  }
0x163: {  	v7 =	vsub.s32 v5, v4  }
0x164: {  	vm13 =	vne.s32 v5, v6;
	v5 =	vand.u32 $0x7F, v5;
	v6 =	vand.u32 $0xFFFFFF80, v7  }
0x165: {  	v7 =	vld [tilespmem:s28+$0xFFFFFF90];
	v5 =	vor.u32 v5, v6;
	_ =	sdelay $0x4  }
0x166: {  	[tilespmem:v5+s16+$0x0] =	vst.idx.msk vm13, v7  }
0x167: {  	v5 =	vld [tilespmem:s29+$0xFFFFFFA0]  }
0x168: {  	v6 =	vld [tilespmem:s29+$0xFFFFFFA1];
	_ =	sdelay $0x3  }
0x169: {  	v7 =	vsub.s32 v5, v4  }
0x16a: {  	vm14 =	vne.s32 v5, v6;
	v5 =	vand.u32 $0x7F, v5;
	v6 =	vand.u32 $0xFFFFFF80, v7  }
0x16b: {  	v7 =	vld [tilespmem:s28+$0xFFFFFFA0];
	v5 =	vor.u32 v5, v6;
	_ =	sdelay $0x4  }
0x16c: {  	[tilespmem:v5+s16+$0x0] =	vst.idx.msk vm14, v7  }
0x16d: {  	v5 =	vld [tilespmem:s29+$0xFFFFFFB0]  }
0x16e: {  	v6 =	vld [tilespmem:s29+$0xFFFFFFB1];
	_ =	sdelay $0x3  }
0x16f: {  	v7 =	vsub.s32 v5, v4  }
0x170: {  	vm15 =	vne.s32 v5, v6;
	v5 =	vand.u32 $0x7F, v5;
	v6 =	vand.u32 $0xFFFFFF80, v7  }
0x171: {  	v7 =	vld [tilespmem:s28+$0xFFFFFFB0];
	v5 =	vor.u32 v5, v6;
	_ =	sdelay $0x4  }
0x172: {  	[tilespmem:v5+s16+$0x0] =	vst.idx.msk vm15, v7  }
0x173: {  	v5 =	vld [tilespmem:s29+$0xFFFFFFC0]  }
0x174: {  	v6 =	vld [tilespmem:s29+$0xFFFFFFC1];
	_ =	sdelay $0x3  }
0x175: {  	v7 =	vsub.s32 v5, v4  }
0x176: {  	vm4 =	vne.s32 v5, v6;
	v5 =	vand.u32 $0x7F, v5;
	v6 =	vand.u32 $0xFFFFFF80, v7  }
0x177: {  	v7 =	vld [tilespmem:s28+$0xFFFFFFC0];
	v5 =	vor.u32 v5, v6;
	_ =	sdelay $0x4  }
0x178: {  	[tilespmem:v5+s16+$0x0] =	vst.idx.msk vm4, v7  }
0x179: {  	v5 =	vld [tilespmem:s29+$0xFFFFFFD0]  }
0x17a: {  	v6 =	vld [tilespmem:s29+$0xFFFFFFD1];
	_ =	sdelay $0x3  }
0x17b: {  	v7 =	vsub.s32 v5, v4  }
0x17c: {  	vm5 =	vne.s32 v5, v6;
	v5 =	vand.u32 $0x7F, v5;
	v6 =	vand.u32 $0xFFFFFF80, v7  }
0x17d: {  	v7 =	vld [tilespmem:s28+$0xFFFFFFD0];
	v5 =	vor.u32 v5, v6;
	_ =	sdelay $0x4  }
0x17e: {  	[tilespmem:v5+s16+$0x0] =	vst.idx.msk vm5, v7  }
0x17f: {  	v5 =	vld [tilespmem:s29+$0xFFFFFFE0]  }
0x180: {  	v6 =	vld [tilespmem:s29+$0xFFFFFFE1];
	_ =	sdelay $0x3  }
0x181: {  	v7 =	vsub.s32 v5, v4  }
0x182: {  	vm6 =	vne.s32 v5, v6;
	v5 =	vand.u32 $0x7F, v5;
	v6 =	vand.u32 $0xFFFFFF80, v7  }
0x183: {  	v7 =	vld [tilespmem:s28+$0xFFFFFFE0];
	v5 =	vor.u32 v5, v6;
	_ =	sdelay $0x4  }
0x184: {  	[tilespmem:v5+s16+$0x0] =	vst.idx.msk vm6, v7  }
0x185: {  	v5 =	vld [tilespmem:s29+$0xFFFFFFF0]  }
0x186: {  	v6 =	vld [tilespmem:s29+$0xFFFFFFF1];
	_ =	sdelay $0x3  }
0x187: {  	v7 =	vsub.s32 v5, v4  }
0x188: {  	vm7 =	vne.s32 v5, v6;
	v5 =	vand.u32 $0x7F, v5;
	v6 =	vand.u32 $0xFFFFFF80, v7  }
0x189: {  	v7 =	vld [tilespmem:s28+$0xFFFFFFF0];
	v5 =	vor.u32 v5, v6;
	_ =	sdelay $0x4  }
0x18a: {  	[tilespmem:v5+s16+$0x0] =	vst.idx.msk vm7, v7  }
0x18b: {  	v5 =	vld [tilespmem:s29+$0x0]  }
0x18c: {  	v6 =	vld [tilespmem:s29+$0x1];
	_ =	sdelay $0x3  }
0x18d: {  	v7 =	vsub.s32 v5, v4  }
0x18e: {  	vm8 =	vne.s32 v5, v6;
	v5 =	vand.u32 $0x7F, v5;
	v6 =	vand.u32 $0xFFFFFF80, v7  }
0x18f: {  	v7 =	vld [tilespmem:s28+$0x0];
	v5 =	vor.u32 v5, v6;
	_ =	sdelay $0x4  }
0x190: {  	[tilespmem:v5+s16+$0x0] =	vst.idx.msk vm8, v7  }
0x191: {  	v5 =	vld [tilespmem:s29+$0x10]  }
0x192: {  	v6 =	vld [tilespmem:s29+$0x11];
	_ =	sdelay $0x3  }
0x193: {  	v7 =	vsub.s32 v5, v4  }
0x194: {  	vm9 =	vne.s32 v5, v6;
	v5 =	vand.u32 $0x7F, v5;
	v6 =	vand.u32 $0xFFFFFF80, v7  }
0x195: {  	v7 =	vld [tilespmem:s28+$0x10];
	v5 =	vor.u32 v5, v6;
	_ =	sdelay $0x4  }
0x196: {  	[tilespmem:v5+s16+$0x0] =	vst.idx.msk vm9, v7  }
0x197: {  	v5 =	vld [tilespmem:s29+$0x20]  }
0x198: {  	v6 =	vld [tilespmem:s29+$0x21];
	_ =	sdelay $0x3  }
0x199: {  	v7 =	vsub.s32 v5, v4  }
0x19a: {  	vm10 =	vne.s32 v5, v6;
	v5 =	vand.u32 $0x7F, v5;
	v6 =	vand.u32 $0xFFFFFF80, v7  }
0x19b: {  	v7 =	vld [tilespmem:s28+$0x20];
	v5 =	vor.u32 v5, v6;
	_ =	sdelay $0x4  }
0x19c: {  	[tilespmem:v5+s16+$0x0] =	vst.idx.msk vm10, v7  }
0x19d: {  	v5 =	vld [tilespmem:s29+$0x30]  }
0x19e: {  	v6 =	vld [tilespmem:s29+$0x31];
	_ =	sdelay $0x3  }
0x19f: {  	v7 =	vsub.s32 v5, v4  }
0x1a0: {  	vm11 =	vne.s32 v5, v6;
	v5 =	vand.u32 $0x7F, v5;
	v6 =	vand.u32 $0xFFFFFF80, v7  }
0x1a1: {  	v7 =	vld [tilespmem:s28+$0x30];
	v5 =	vor.u32 v5, v6;
	_ =	sdelay $0x4  }
0x1a2: {  	[tilespmem:v5+s16+$0x0] =	vst.idx.msk vm11, v7  }
0x1a3: {  	v5 =	vld [tilespmem:s29+$0x40]  }
0x1a4: {  	v6 =	vld [tilespmem:s29+$0x41];
	_ =	sdelay $0x3  }
0x1a5: {  	v7 =	vsub.s32 v5, v4  }
0x1a6: {  	vm12 =	vne.s32 v5, v6;
	v5 =	vand.u32 $0x7F, v5;
	v6 =	vand.u32 $0xFFFFFF80, v7  }
0x1a7: {  	v7 =	vld [tilespmem:s28+$0x40];
	v5 =	vor.u32 v5, v6;
	_ =	sdelay $0x4  }
0x1a8: {  	[tilespmem:v5+s16+$0x0] =	vst.idx.msk vm12, v7  }
0x1a9: {  	v5 =	vld [tilespmem:s29+$0x50]  }
0x1aa: {  	v6 =	vld [tilespmem:s29+$0x51];
	_ =	sdelay $0x3  }
0x1ab: {  	v7 =	vsub.s32 v5, v4  }
0x1ac: {  	vm13 =	vne.s32 v5, v6;
	v5 =	vand.u32 $0x7F, v5;
	v6 =	vand.u32 $0xFFFFFF80, v7  }
0x1ad: {  	v7 =	vld [tilespmem:s28+$0x50];
	v5 =	vor.u32 v5, v6;
	_ =	sdelay $0x4  }
0x1ae: {  	[tilespmem:v5+s16+$0x0] =	vst.idx.msk vm13, v7  }
0x1af: {  	v5 =	vld [tilespmem:s29+$0x60]  }
0x1b0: {  	v6 =	vld [tilespmem:s29+$0x61];
	_ =	sdelay $0x3  }
0x1b1: {  	v7 =	vsub.s32 v5, v4  }
0x1b2: {  	vm14 =	vne.s32 v5, v6;
	v5 =	vand.u32 $0x7F, v5;
	v6 =	vand.u32 $0xFFFFFF80, v7  }
0x1b3: {  	v7 =	vld [tilespmem:s28+$0x60];
	v5 =	vor.u32 v5, v6;
	_ =	sdelay $0x4  }
0x1b4: {  	[tilespmem:v5+s16+$0x0] =	vst.idx.msk vm14, v7  }
0x1b5: {  	v5 =	vld [tilespmem:s29+$0x70]  }
0x1b6: {  	v6 =	vld [tilespmem:s29+$0x71];
	_ =	sdelay $0x3  }
0x1b7: {  	v7 =	vsub.s32 v5, v4  }
0x1b8: {  	s26 =	sadd.s32 $0x10, s26;
	vm15 =	vne.s32 v5, v6;
	v5 =	vand.u32 $0x7F, v5;
	v6 =	vand.u32 $0xFFFFFF80, v7  }
0x1b9: {  	p0 =	slt.u32 s26, $0x300;
	v7 =	vld [tilespmem:s28+$0x70];
	v5 =	vor.u32 v5, v6  }
.Ltmp5:
0x1ba: {  	_ = 	snop;
	(pc) =	sbr.rel @p0 .LBB2_13-.Ltmp5, $2  }
0x1bb: {  	_ =	sdelay $0x2  }
0x1bc: {  	s29 =	sadd.s32 $0x100, s29;
	s28 =	sadd.s32 $0x100, s28;
	[tilespmem:v5+s16+$0x0] =	vst.idx.msk vm15, v7  }
0x1bd: {  	s25 =	sshrl.u32 s25, $0x3  }
0x1be: {  	s26 =	sshll.u32 s23, $0x8;
	s25 =	smul.u32 $0x62000, s25  }
0x1bf: {  	s26 =	sand.u32 $0x300, s26  }
0x1c0: {  	s24 =	sor.u32 $0x1, s24;
	s25 =	sor.u32 s26, s25  }
0x1c1: {  	s26 =	sshrl.u32 s25, $0x3;
	s25 =	sadd.s32 s6, s24  }
0x1c2: {  	s26 =	sadd.s32 s4, s26;
	s28 =	smul.u32 $0x620, s25  }
0x1c3: {  	[hbm4b:s26+s19] =	stream.strided.scatter [tilespmem:s16], [sflag:$0x1], $0xC400, s17, s19, $0x38;
	[tilespmem:$0x1EA80] =	vst v63  }
0x1c4: {  	s30 =	sadd.s32 s1, s28  }
0x1c5: {  	[tilespmem:s5], [sflag:$0x3] =	stream.linear.gather [hbm4b:s30+s5], $0x3100, $0x38;
	[tilespmem:$0x1EA80] =	vst v63  }
0x1c6: {  	s31 =	sadd.s32 s3, s28  }
0x1c7: {  	[tilespmem:s14], [sflag:$0x3] =	stream.linear.gather [hbm4b:s31+s5], $0x3100, $0x38;
	[tilespmem:$0x1EA80] =	vst v63  }
0x1c8: {  	_ =	swait.ge [sflag:s21], $0xC400  }
0x1c9: {  	[sflag:s21] =	ssyncset.done $0x0  }
0x1ca: {  	s26 =	simm.s32 $0x12700;
	[sflag:s21] =	ssyncadd.s32 $0xFFFF3C00  }
0x1cb: {  	[tilespmem:s26+$0xFFFFFF80] =	vst v3  }
0x1cc: {  	[tilespmem:s26+$0x70] =	vst v3  }
0x1cd: {  	[tilespmem:s26+$0x60] =	vst v3  }
0x1ce: {  	[tilespmem:s26+$0x50] =	vst v3  }
0x1cf: {  	[tilespmem:s26+$0x40] =	vst v3  }
0x1d0: {  	[tilespmem:s26+$0x30] =	vst v3  }
0x1d1: {  	[tilespmem:s26+$0x20] =	vst v3  }
0x1d2: {  	[tilespmem:s26+$0x10] =	vst v3  }
0x1d3: {  	[tilespmem:s26+$0x0] =	vst v3  }
0x1d4: {  	[tilespmem:s26+$0xFFFFFFF0] =	vst v3  }
0x1d5: {  	[tilespmem:s26+$0xFFFFFFE0] =	vst v3  }
0x1d6: {  	[tilespmem:s26+$0xFFFFFFD0] =	vst v3  }
0x1d7: {  	[tilespmem:s26+$0xFFFFFFC0] =	vst v3  }
0x1d8: {  	[tilespmem:s26+$0xFFFFFFB0] =	vst v3  }
0x1d9: {  	s28 =	simm.s32 $0x0;
	[tilespmem:s26+$0xFFFFFFA0] =	vst v3  }
.LBB2_15:
0x1da: {  	s28 =	sadd.s32 $0x10, s28;
	[tilespmem:s26+$0xFFFFFF90] =	vst v3;
	s26 =	sadd.s32 $0x100, s26  }
0x1db: {  	[tilespmem:s26+$0xFFFFFF80] =	vst v3;
	p0 =	slt.u32 s28, $0xC30  }
0x1dc: {  	[tilespmem:s26+$0x70] =	vst v3  }
0x1dd: {  	[tilespmem:s26+$0x60] =	vst v3  }
0x1de: {  	[tilespmem:s26+$0x50] =	vst v3  }
0x1df: {  	[tilespmem:s26+$0x40] =	vst v3  }
0x1e0: {  	[tilespmem:s26+$0x30] =	vst v3  }
0x1e1: {  	[tilespmem:s26+$0x20] =	vst v3  }
0x1e2: {  	[tilespmem:s26+$0x10] =	vst v3  }
0x1e3: {  	[tilespmem:s26+$0x0] =	vst v3  }
0x1e4: {  	[tilespmem:s26+$0xFFFFFFF0] =	vst v3  }
.Ltmp6:
0x1e5: {  	[tilespmem:s26+$0xFFFFFFE0] =	vst v3;
	(pc) =	sbr.rel @p0 .LBB2_15-.Ltmp6, $4  }
0x1e6: {  	[tilespmem:s26+$0xFFFFFFD0] =	vst v3  }
0x1e7: {  	[tilespmem:s26+$0xFFFFFFC0] =	vst v3  }
0x1e8: {  	[tilespmem:s26+$0xFFFFFFB0] =	vst v3  }
0x1e9: {  	[tilespmem:s26+$0xFFFFFFA0] =	vst v3  }
0x1ea: {  	[tilespmem:s26+$0xFFFFFF90] =	vst v3  }
0x1eb: {  	_ =	swait.ge [sflag:s15], $0x3100  }
0x1ec: {  	[sflag:s15] =	ssyncset.done $0x0  }
0x1ed: {  	[sflag:s15] =	ssyncadd.s32 $0xFFFFCF00  }
0x1ee: {  	s31 =	smul.u32 $0xC400, s25;
	_ =	swait.ge [sflag:s15], $0x3100  }
0x1ef: {  	s26 =	simm.s32 $0xFFFFFFF0;
	[sflag:s15] =	ssyncset.done $0x0  }
0x1f0: {  	s28 =	simm.s32 $0x3200;
	s29 =	simm.s32 $0x80;
	v4 =	vmov s31;
	[sflag:s15] =	ssyncadd.s32 $0xFFFFCF00  }
.LBB2_17:
0x1f1: {  	v5 =	vld [tilespmem:s29+$0xFFFFFF80]  }
0x1f2: {  	v6 =	vld [tilespmem:s29+$0xFFFFFF81];
	_ =	sdelay $0x3  }
0x1f3: {  	v7 =	vsub.s32 v5, v4  }
0x1f4: {  	vm0 =	vne.s32 v5, v6;
	v5 =	vand.u32 $0x7F, v5;
	v6 =	vand.u32 $0xFFFFFF80, v7  }
0x1f5: {  	v7 =	vld [tilespmem:s28+$0xFFFFFF80];
	v5 =	vor.u32 v5, v6;
	_ =	sdelay $0x4  }
0x1f6: {  	[tilespmem:v5+s18+$0x0] =	vst.idx.msk vm0, v7  }
0x1f7: {  	v5 =	vld [tilespmem:s29+$0xFFFFFF90]  }
0x1f8: {  	v6 =	vld [tilespmem:s29+$0xFFFFFF91];
	_ =	sdelay $0x3  }
0x1f9: {  	v7 =	vsub.s32 v5, v4  }
0x1fa: {  	vm13 =	vne.s32 v5, v6;
	v5 =	vand.u32 $0x7F, v5;
	v6 =	vand.u32 $0xFFFFFF80, v7  }
0x1fb: {  	v7 =	vld [tilespmem:s28+$0xFFFFFF90];
	v5 =	vor.u32 v5, v6;
	_ =	sdelay $0x4  }
0x1fc: {  	[tilespmem:v5+s18+$0x0] =	vst.idx.msk vm13, v7  }
0x1fd: {  	v5 =	vld [tilespmem:s29+$0xFFFFFFA0]  }
0x1fe: {  	v6 =	vld [tilespmem:s29+$0xFFFFFFA1];
	_ =	sdelay $0x3  }
0x1ff: {  	v7 =	vsub.s32 v5, v4  }
0x200: {  	vm14 =	vne.s32 v5, v6;
	v5 =	vand.u32 $0x7F, v5;
	v6 =	vand.u32 $0xFFFFFF80, v7  }
0x201: {  	v7 =	vld [tilespmem:s28+$0xFFFFFFA0];
	v5 =	vor.u32 v5, v6;
	_ =	sdelay $0x4  }
0x202: {  	[tilespmem:v5+s18+$0x0] =	vst.idx.msk vm14, v7  }
0x203: {  	v5 =	vld [tilespmem:s29+$0xFFFFFFB0]  }
0x204: {  	v6 =	vld [tilespmem:s29+$0xFFFFFFB1];
	_ =	sdelay $0x3  }
0x205: {  	v7 =	vsub.s32 v5, v4  }
0x206: {  	vm15 =	vne.s32 v5, v6;
	v5 =	vand.u32 $0x7F, v5;
	v6 =	vand.u32 $0xFFFFFF80, v7  }
0x207: {  	v7 =	vld [tilespmem:s28+$0xFFFFFFB0];
	v5 =	vor.u32 v5, v6;
	_ =	sdelay $0x4  }
0x208: {  	[tilespmem:v5+s18+$0x0] =	vst.idx.msk vm15, v7  }
0x209: {  	v5 =	vld [tilespmem:s29+$0xFFFFFFC0]  }
0x20a: {  	v6 =	vld [tilespmem:s29+$0xFFFFFFC1];
	_ =	sdelay $0x3  }
0x20b: {  	v7 =	vsub.s32 v5, v4  }
0x20c: {  	vm4 =	vne.s32 v5, v6;
	v5 =	vand.u32 $0x7F, v5;
	v6 =	vand.u32 $0xFFFFFF80, v7  }
0x20d: {  	v7 =	vld [tilespmem:s28+$0xFFFFFFC0];
	v5 =	vor.u32 v5, v6;
	_ =	sdelay $0x4  }
0x20e: {  	[tilespmem:v5+s18+$0x0] =	vst.idx.msk vm4, v7  }
0x20f: {  	v5 =	vld [tilespmem:s29+$0xFFFFFFD0]  }
0x210: {  	v6 =	vld [tilespmem:s29+$0xFFFFFFD1];
	_ =	sdelay $0x3  }
0x211: {  	v7 =	vsub.s32 v5, v4  }
0x212: {  	vm5 =	vne.s32 v5, v6;
	v5 =	vand.u32 $0x7F, v5;
	v6 =	vand.u32 $0xFFFFFF80, v7  }
0x213: {  	v7 =	vld [tilespmem:s28+$0xFFFFFFD0];
	v5 =	vor.u32 v5, v6;
	_ =	sdelay $0x4  }
0x214: {  	[tilespmem:v5+s18+$0x0] =	vst.idx.msk vm5, v7  }
0x215: {  	v5 =	vld [tilespmem:s29+$0xFFFFFFE0]  }
0x216: {  	v6 =	vld [tilespmem:s29+$0xFFFFFFE1];
	_ =	sdelay $0x3  }
0x217: {  	v7 =	vsub.s32 v5, v4  }
0x218: {  	vm6 =	vne.s32 v5, v6;
	v5 =	vand.u32 $0x7F, v5;
	v6 =	vand.u32 $0xFFFFFF80, v7  }
0x219: {  	v7 =	vld [tilespmem:s28+$0xFFFFFFE0];
	v5 =	vor.u32 v5, v6;
	_ =	sdelay $0x4  }
0x21a: {  	[tilespmem:v5+s18+$0x0] =	vst.idx.msk vm6, v7  }
0x21b: {  	v5 =	vld [tilespmem:s29+$0xFFFFFFF0]  }
0x21c: {  	v6 =	vld [tilespmem:s29+$0xFFFFFFF1];
	_ =	sdelay $0x3  }
0x21d: {  	v7 =	vsub.s32 v5, v4  }
0x21e: {  	vm7 =	vne.s32 v5, v6;
	v5 =	vand.u32 $0x7F, v5;
	v6 =	vand.u32 $0xFFFFFF80, v7  }
0x21f: {  	v7 =	vld [tilespmem:s28+$0xFFFFFFF0];
	v5 =	vor.u32 v5, v6;
	_ =	sdelay $0x4  }
0x220: {  	[tilespmem:v5+s18+$0x0] =	vst.idx.msk vm7, v7  }
0x221: {  	v5 =	vld [tilespmem:s29+$0x0]  }
0x222: {  	v6 =	vld [tilespmem:s29+$0x1];
	_ =	sdelay $0x3  }
0x223: {  	v7 =	vsub.s32 v5, v4  }
0x224: {  	vm8 =	vne.s32 v5, v6;
	v5 =	vand.u32 $0x7F, v5;
	v6 =	vand.u32 $0xFFFFFF80, v7  }
0x225: {  	v7 =	vld [tilespmem:s28+$0x0];
	v5 =	vor.u32 v5, v6;
	_ =	sdelay $0x4  }
0x226: {  	[tilespmem:v5+s18+$0x0] =	vst.idx.msk vm8, v7  }
0x227: {  	v5 =	vld [tilespmem:s29+$0x10]  }
0x228: {  	v6 =	vld [tilespmem:s29+$0x11];
	_ =	sdelay $0x3  }
0x229: {  	v7 =	vsub.s32 v5, v4  }
0x22a: {  	vm9 =	vne.s32 v5, v6;
	v5 =	vand.u32 $0x7F, v5;
	v6 =	vand.u32 $0xFFFFFF80, v7  }
0x22b: {  	v7 =	vld [tilespmem:s28+$0x10];
	v5 =	vor.u32 v5, v6;
	_ =	sdelay $0x4  }
0x22c: {  	[tilespmem:v5+s18+$0x0] =	vst.idx.msk vm9, v7  }
0x22d: {  	v5 =	vld [tilespmem:s29+$0x20]  }
0x22e: {  	v6 =	vld [tilespmem:s29+$0x21];
	_ =	sdelay $0x3  }
0x22f: {  	v7 =	vsub.s32 v5, v4  }
0x230: {  	vm10 =	vne.s32 v5, v6;
	v5 =	vand.u32 $0x7F, v5;
	v6 =	vand.u32 $0xFFFFFF80, v7  }
0x231: {  	v7 =	vld [tilespmem:s28+$0x20];
	v5 =	vor.u32 v5, v6;
	_ =	sdelay $0x4  }
0x232: {  	[tilespmem:v5+s18+$0x0] =	vst.idx.msk vm10, v7  }
0x233: {  	v5 =	vld [tilespmem:s29+$0x30]  }
0x234: {  	v6 =	vld [tilespmem:s29+$0x31];
	_ =	sdelay $0x3  }
0x235: {  	v7 =	vsub.s32 v5, v4  }
0x236: {  	vm11 =	vne.s32 v5, v6;
	v5 =	vand.u32 $0x7F, v5;
	v6 =	vand.u32 $0xFFFFFF80, v7  }
0x237: {  	v7 =	vld [tilespmem:s28+$0x30];
	v5 =	vor.u32 v5, v6;
	_ =	sdelay $0x4  }
0x238: {  	[tilespmem:v5+s18+$0x0] =	vst.idx.msk vm11, v7  }
0x239: {  	v5 =	vld [tilespmem:s29+$0x40]  }
0x23a: {  	v6 =	vld [tilespmem:s29+$0x41];
	_ =	sdelay $0x3  }
0x23b: {  	v7 =	vsub.s32 v5, v4  }
0x23c: {  	vm12 =	vne.s32 v5, v6;
	v5 =	vand.u32 $0x7F, v5;
	v6 =	vand.u32 $0xFFFFFF80, v7  }
0x23d: {  	v7 =	vld [tilespmem:s28+$0x40];
	v5 =	vor.u32 v5, v6;
	_ =	sdelay $0x4  }
0x23e: {  	[tilespmem:v5+s18+$0x0] =	vst.idx.msk vm12, v7  }
0x23f: {  	v5 =	vld [tilespmem:s29+$0x50]  }
0x240: {  	v6 =	vld [tilespmem:s29+$0x51];
	_ =	sdelay $0x3  }
0x241: {  	v7 =	vsub.s32 v5, v4  }
0x242: {  	vm13 =	vne.s32 v5, v6;
	v5 =	vand.u32 $0x7F, v5;
	v6 =	vand.u32 $0xFFFFFF80, v7  }
0x243: {  	v7 =	vld [tilespmem:s28+$0x50];
	v5 =	vor.u32 v5, v6;
	_ =	sdelay $0x4  }
0x244: {  	[tilespmem:v5+s18+$0x0] =	vst.idx.msk vm13, v7  }
0x245: {  	v5 =	vld [tilespmem:s29+$0x60]  }
0x246: {  	v6 =	vld [tilespmem:s29+$0x61];
	_ =	sdelay $0x3  }
0x247: {  	v7 =	vsub.s32 v5, v4  }
0x248: {  	vm14 =	vne.s32 v5, v6;
	v5 =	vand.u32 $0x7F, v5;
	v6 =	vand.u32 $0xFFFFFF80, v7  }
0x249: {  	v7 =	vld [tilespmem:s28+$0x60];
	v5 =	vor.u32 v5, v6;
	_ =	sdelay $0x4  }
0x24a: {  	[tilespmem:v5+s18+$0x0] =	vst.idx.msk vm14, v7  }
0x24b: {  	v5 =	vld [tilespmem:s29+$0x70]  }
0x24c: {  	v6 =	vld [tilespmem:s29+$0x71];
	_ =	sdelay $0x3  }
0x24d: {  	v7 =	vsub.s32 v5, v4  }
0x24e: {  	s26 =	sadd.s32 $0x10, s26;
	vm15 =	vne.s32 v5, v6;
	v5 =	vand.u32 $0x7F, v5;
	v6 =	vand.u32 $0xFFFFFF80, v7  }
0x24f: {  	p0 =	slt.u32 s26, $0x300;
	v7 =	vld [tilespmem:s28+$0x70];
	v5 =	vor.u32 v5, v6  }
.Ltmp7:
0x250: {  	_ = 	snop;
	(pc) =	sbr.rel @p0 .LBB2_17-.Ltmp7, $2  }
0x251: {  	_ =	sdelay $0x2  }
0x252: {  	s29 =	sadd.s32 $0x100, s29;
	s28 =	sadd.s32 $0x100, s28;
	[tilespmem:v5+s18+$0x0] =	vst.idx.msk vm15, v7  }
0x253: {  	s25 =	sshrl.u32 s25, $0x3;
	s23 =	sadd.s32 $0x1, s23  }
0x254: {  	s24 =	sshll.u32 s24, $0x7;
	s25 =	smul.u32 $0x62000, s25;
	p0 =	sne.s32 s23, $0x18  }
.Ltmp8:
0x255: {  	s24 =	sand.u32 $0x380, s24;
	(pc) =	sbr.rel @p0 .LBB2_10-.Ltmp8, $4  }
0x256: {  	s24 =	sor.u32 s24, s25  }
0x257: {  	s24 =	sshrl.u32 s24, $0x3  }
0x258: {  	s24 =	sadd.s32 s4, s24  }
0x259: {  	[hbm4b:s24+s19] =	stream.strided.scatter [tilespmem:s18], [sflag:$0x2], $0xC400, s17, s19, $0x38;
	[tilespmem:$0x1EA80] =	vst v63  }
0x25a: {  	s22 =	sadd.s32 $0x1, s22  }
0x25b: {  	_ =	swait.ge [sflag:s20], $0xC400;
	p0 =	sne.s32 s22, s13  }
.Ltmp9:
0x25c: {  	[sflag:s20] =	ssyncset.done $0x0;
	(pc) =	sbr.rel @p0 .LBB2_1-.Ltmp9, $4  }
0x25d: {  	[sflag:s20] =	ssyncadd.s32 $0xFFFF3C00  }
0x25e: {  	_ =	swait.ge [sflag:s21], $0xC400  }
0x25f: {  	[sflag:s21] =	ssyncset.done $0x0  }
0x260: {  	[sflag:s21] =	ssyncadd.s32 $0xFFFF3C00  }
0x261: {  	_ =	sfence.sel $0x180000  }
0x262: {  	[bflag:$0x0] =	sbarrier.arrive $0xFFFF  }
0x263: {  	p0 =	sne.s32 s0, $0x0;
	_ =	strace $0x90000047  }
0x264: {  	s0 =	sadd.s32 @!p0 $0x100000, s2;
	[bflag:$0x2] =	sbarrier.arrive $0xFFFF  }
0x265: {  	[sflag:s0] =	ssyncadd.tile.s32 @!p0 $0x1;
	_ =	shalt  }
.Lfunc_end2:
_tile_overlayer_lowered:
.L_overlay_start_2:
0x266: {  	(tag) =	ssettag $0x2  }
0x267: {  	s0 =	rddreg [dreg:$0x0];
	s2 =	stileid.u32  }
0x268: {  	s1 =	rddreg [dreg:$0x1];
	p0 =	sne.s32 s2, $0x0  }
0x269: {  	s3 =	rddreg [dreg:$0x2];
	[bflag:$0x3] =	sbarrier.arrive $0xFFFF;
	s2 =	simm.s32 @!p0 $0x1C04  }
0x26a: {  	[timem:s3], [sflag:s2] =	dma.local @!p0 [hbm:s0], s1  }
0x26b: {  	s0 =	simm.s32 @!p0 $0x4  }
0x26c: {  	_ =	swait.ge @!p0 [sflag:s0], s1  }
0x26d: {  	s1 =	ssub.s32 @!p0 $0x0, s1;
	[sflag:s0] =	ssyncset.done @!p0 $0x0  }
0x26e: {  	[sflag:s0] =	ssyncadd.s32 @!p0 s1  }
0x26f: {  	[bflag:$0x3] =	sbarrier.arrive $0xFFFF  }
0x270: {  	_ =	shalt  }

</sc_bundles>
